<compile_context>
chip_gen: v7x
topology: tpu7x:2x2x1
jax: 0.10.2.dev20260603
libtpu: 0.0.44.dev20260713+nightly
codegen_flags: <defaults>
</compile_context>

<pallas_src>
import functools

import jax
import jax.numpy as jnp
from jax import lax
from jax.experimental import pallas as pl
from jax.experimental.pallas import tpu as pltpu
from jax.experimental.pallas import tpu_sc as plsc

N = 10000
E = 160000
D = 256
DE = 16
H = 8
C = 32

NC = 2
NS = 16
NW = NC * NS

NPAD = 10240
ZR = NPAD // NS
TRASH = N

CB = 128
CBN = 64
EP = 163840
EPT = EP // NW
EPS = EP // NS

_mesh = plsc.VectorSubcoreMesh(core_axis_name="c", subcore_axis_name="s",
                               num_cores=NC, num_subcores=NS)


@functools.partial(
    pl.kernel,
    out_type=jax.ShapeDtypeStruct((NC, NPAD, 2 * DE), jnp.float32),
    mesh=_mesh,
    scratch_types=[
        pltpu.VMEM((2, CBN), jnp.int32),
        pltpu.VMEM((2, CBN, DE), jnp.float32),
        pltpu.VMEM((CBN, 128), jnp.float32),
        pltpu.VMEM((32, 128), jnp.float32),
        pltpu.VMEM((32, 2 * DE), jnp.float32),
        pltpu.VMEM_SHARED((NPAD, 128), jnp.float32),
        pltpu.SemaphoreType.DMA,
        pltpu.SemaphoreType.DMA,
    ],
)
def _p1_attr_sums(dst_hbm, ea_hbm, z128_hbm,
                  sc_out,
                  idx_v, ea_v, wide_v, rd_v, pk_v, acc_sh, la0, la1):
    c = lax.axis_index("c")
    s = lax.axis_index("s")
    wid = s * NC + c
    pltpu.sync_copy(z128_hbm.at[pl.ds(s * ZR, ZR)], acc_sh.at[pl.ds(s * ZR, ZR)])
    zv = jnp.zeros((16,), jnp.float32)
    onev = jnp.where(lax.iota(jnp.int32, 16) == 0, 1.0, 0.0)

    def zrow(r, carry):
        for k in range(8):
            wide_v[r, pl.ds(16 * k, 16)] = zv
        return carry

    lax.fori_loop(0, CBN, zrow, 0)
    plsc.subcore_barrier()

    def load(i, b, sem):
        base = wid * EPT + i * CBN
        pltpu.async_copy(dst_hbm.at[pl.ds(base, CBN)], idx_v.at[b], sem)
        pltpu.async_copy(ea_hbm.at[pl.ds(base, CBN)], ea_v.at[b], sem)

    def wait_load(b, sem):
        pltpu.make_async_copy(dst_hbm.at[pl.ds(0, CBN)], idx_v.at[b], sem).wait()
        pltpu.make_async_copy(ea_hbm.at[pl.ds(0, CBN)], ea_v.at[b], sem).wait()

    def consume(b):
        def fill(r, carry2):
            wide_v[r, pl.ds(0, 16)] = ea_v[b, r, :]
            wide_v[r, pl.ds(16, 16)] = onev
            return carry2

        lax.fori_loop(0, CBN, fill, 0)
        pltpu.sync_copy(wide_v, acc_sh.at[idx_v.at[b]], add=True)

    load(0, 0, la0)
    J = (EPT // CBN) // 2

    def body(j, carry):
        i = 2 * j
        wait_load(0, la0)
        load(i + 1, 1, la1)
        consume(0)
        wait_load(1, la1)

        @pl.when(j < J - 1)
        def _():
            load(i + 2, 0, la0)

        consume(1)
        return carry

    lax.fori_loop(0, J, body, 0)
    plsc.subcore_barrier()

    def rdout(t, carry):
        row0 = s * ZR + t * 32
        pltpu.sync_copy(acc_sh.at[pl.ds(row0, 32)], rd_v)

        def pack(r, carry2):
            pk_v[r, pl.ds(0, 16)] = rd_v[r, pl.ds(0, 16)]
            pk_v[r, pl.ds(16, 16)] = rd_v[r, pl.ds(16, 16)]
            return carry2

        lax.fori_loop(0, 32, pack, 0)
        pltpu.sync_copy(pk_v, sc_out.at[c, pl.ds(row0, 32)])
        return carry

    lax.fori_loop(0, ZR // 32, rdout, 0)


ITER = EPS // CB
SG = 2
ITER2 = EPS // (SG * CB)
NCHUNK = EP // CB


def _p3_one_stream(idx_hbm, table_hbm, out_hbm, s, idx_v, buf, g0, g1, w0, w1):
    base0 = s * EPS
    pltpu.sync_copy(idx_hbm.at[pl.ds(base0, EPS)], idx_v)
    b0 = buf.at[0]
    b1 = buf.at[1]

    def gather(i, b, sem):
        for k in range(SG):
            pltpu.async_copy(
                table_hbm.at[idx_v.at[pl.ds((i * SG + k) * CB, CB)]],
                b.at[k], sem)

    def wb(i, b, sem):
        return pltpu.async_copy(b, out_hbm.at[pl.ds(s * ITER2 * SG + i * SG, SG)], sem)

    def wait_g(b, sem):
        pltpu.make_async_copy(out_hbm.at[pl.ds(0, SG)], b, sem).wait()

    def wait_w(b, sem):
        pltpu.make_async_copy(b, out_hbm.at[pl.ds(0, SG)], sem).wait()

    gather(0, b0, g0)
    J = ITER2 // 2

    def body(j, carry):
        i = 2 * j
        wait_g(b0, g0)
        wb(i, b0, w0)

        @pl.when(j > 0)
        def _():
            wait_w(b1, w1)

        gather(i + 1, b1, g1)
        wait_g(b1, g1)
        wb(i + 1, b1, w1)

        @pl.when(j < J - 1)
        def _():
            wait_w(b0, w0)
            gather(i + 2, b0, g0)

        return carry

    lax.fori_loop(0, J, body, 0)
    wait_w(b0, w0)
    wait_w(b1, w1)


@functools.partial(
    pl.kernel,
    out_type=[
        jax.ShapeDtypeStruct((NCHUNK, CB, D // 2), jnp.int32),
        jax.ShapeDtypeStruct((NCHUNK, CB, D // 2), jnp.int32),
    ],
    mesh=_mesh,
    scratch_types=[
        pltpu.VMEM((EPS,), jnp.int32),
        pltpu.VMEM((2, SG, CB, D // 2), jnp.int32),
        pltpu.SemaphoreType.DMA,
        pltpu.SemaphoreType.DMA,
        pltpu.SemaphoreType.DMA,
        pltpu.SemaphoreType.DMA,
    ],
)
def _p3_gather(src_hbm, dst_hbm, xlb_hbm, xrb_hbm,
               gl_out, gr_out,
               idx_v, buf, g0, g1, w0, w1):
    c = lax.axis_index("c")
    s = lax.axis_index("s")

    @pl.when(c == 0)
    def _():
        _p3_one_stream(src_hbm, xlb_hbm, gl_out, s, idx_v, buf, g0, g1, w0, w1)

    @pl.when(c == 1)
    def _():
        _p3_one_stream(dst_hbm, xrb_hbm, gr_out, s, idx_v, buf, g0, g1, w0, w1)


NP5 = 10112
ZR5 = NP5 // NS


@functools.partial(
    pl.kernel,
    out_type=jax.ShapeDtypeStruct((NC, NPAD, D // 2), jnp.float32),
    mesh=_mesh,
    scratch_types=[
        pltpu.VMEM((ITER, CB), jnp.int32),
        pltpu.VMEM((2, CB, D // 2), jnp.float32),
        pltpu.VMEM_SHARED((NP5, D // 2), jnp.float32),
        pltpu.SemaphoreType.DMA,
        pltpu.SemaphoreType.DMA,
        pltpu.SemaphoreType.DMA,
        pltpu.SemaphoreType.DMA,
    ],
)
def _p5_scatter(dst_r_hbm, y_hbm, z128_hbm,
                num_out,
                idx_v, buf, acc_sh, l0, l1, a0, a1):
    c = lax.axis_index("c")
    s = lax.axis_index("s")
    pltpu.sync_copy(z128_hbm.at[pl.ds(s * ZR5, ZR5)], acc_sh.at[pl.ds(s * ZR5, ZR5)])
    pltpu.sync_copy(dst_r_hbm.at[s], idx_v)
    plsc.subcore_barrier()
    b0 = buf.at[0]
    b1 = buf.at[1]
    base0 = s * EPS

    def load(i, b, sem):
        return pltpu.async_copy(y_hbm.at[c, pl.ds(base0 + i * CB, CB)], b, sem)

    def scat(i, b, sem):
        return pltpu.async_copy(b, acc_sh.at[idx_v.at[i]], sem, add=True)

    def wait_l(b, sem):
        pltpu.make_async_copy(y_hbm.at[c, pl.ds(0, CB)], b, sem).wait()

    def wait_a(b, sem):
        pltpu.make_async_copy(b, acc_sh.at[pl.ds(0, CB)], sem).wait()

    load(0, b0, l0)
    J = ITER // 2

    def body(j, carry):
        i = 2 * j
        wait_l(b0, l0)
        scat(i, b0, a0)

        @pl.when(j > 0)
        def _():
            wait_a(b1, a1)

        load(i + 1, b1, l1)
        wait_l(b1, l1)
        scat(i + 1, b1, a1)

        @pl.when(j < J - 1)
        def _():
            wait_a(b0, a0)
            load(i + 2, b0, l0)

        return carry

    lax.fori_loop(0, J, body, 0)
    wait_a(b0, a0)
    wait_a(b1, a1)
    plsc.subcore_barrier()
    pltpu.sync_copy(acc_sh.at[pl.ds(s * ZR5, ZR5)], num_out.at[c, pl.ds(s * ZR5, ZR5)])


@functools.partial(
    pl.kernel,
    out_type=jax.ShapeDtypeStruct((NC, NPAD, DE), jnp.float32),
    mesh=_mesh,
    scratch_types=[
        pltpu.VMEM((2, CBN), jnp.int32),
        pltpu.VMEM((2, CBN, DE), jnp.float32),
        pltpu.VMEM((CBN, 128), jnp.float32),
        pltpu.VMEM((32, 128), jnp.float32),
        pltpu.VMEM((32, DE), jnp.float32),
        pltpu.VMEM_SHARED((NPAD, 128), jnp.float32),
        pltpu.SemaphoreType.DMA,
        pltpu.SemaphoreType.DMA,
    ],
)
def _p5b_den_scatter(dst_hbm, exz_hbm, z128_hbm,
                     den_out,
                     idx_v, ex_v, wide_v, rd_v, pk_v, acc_sh, la0, la1):
    c = lax.axis_index("c")
    s = lax.axis_index("s")
    wid = s * NC + c
    pltpu.sync_copy(z128_hbm.at[pl.ds(s * ZR, ZR)], acc_sh.at[pl.ds(s * ZR, ZR)])
    zv = jnp.zeros((16,), jnp.float32)

    def zrow(r, carry):
        for k in range(8):
            wide_v[r, pl.ds(16 * k, 16)] = zv
        return carry

    lax.fori_loop(0, CBN, zrow, 0)
    plsc.subcore_barrier()

    def load(i, b, sem):
        base = wid * EPT + i * CBN
        pltpu.async_copy(dst_hbm.at[pl.ds(base, CBN)], idx_v.at[b], sem)
        pltpu.async_copy(exz_hbm.at[pl.ds(base, CBN)], ex_v.at[b], sem)

    def wait_load(b, sem):
        pltpu.make_async_copy(dst_hbm.at[pl.ds(0, CBN)], idx_v.at[b], sem).wait()
        pltpu.make_async_copy(exz_hbm.at[pl.ds(0, CBN)], ex_v.at[b], sem).wait()

    def consume(b):
        def fill(r, carry2):
            wide_v[r, pl.ds(0, 16)] = ex_v[b, r, :]
            return carry2

        lax.fori_loop(0, CBN, fill, 0)
        pltpu.sync_copy(wide_v, acc_sh.at[idx_v.at[b]], add=True)

    load(0, 0, la0)
    J = (EPT // CBN) // 2

    def body(j, carry):
        i = 2 * j
        wait_load(0, la0)
        load(i + 1, 1, la1)
        consume(0)
        wait_load(1, la1)

        @pl.when(j < J - 1)
        def _():
            load(i + 2, 0, la0)

        consume(1)
        return carry

    lax.fori_loop(0, J, body, 0)
    plsc.subcore_barrier()

    def rdout(t, carry):
        row0 = s * ZR + t * 32
        pltpu.sync_copy(acc_sh.at[pl.ds(row0, 32)], rd_v)

        def pack(r, carry2):
            pk_v[r, :] = rd_v[r, pl.ds(0, 16)]
            return carry2

        lax.fori_loop(0, 32, pack, 0)
        pltpu.sync_copy(pk_v, den_out.at[c, pl.ds(row0, 32)])
        return carry

    lax.fori_loop(0, ZR // 32, rdout, 0)


BN = 1000


def _pack2(v):
    lo = jax.lax.bitcast_convert_type(
        v[:, :D // 2].astype(jnp.bfloat16).astype(jnp.float32), jnp.int32)
    hi = jax.lax.bitcast_convert_type(
        v[:, D // 2:].astype(jnp.bfloat16).astype(jnp.float32), jnp.int32)
    return jax.lax.shift_right_logical(lo, 16) | (hi & jnp.int32(-65536))


def _unpack2(w):
    lo = jax.lax.bitcast_convert_type(jax.lax.shift_left(w, 16), jnp.float32)
    hi = jax.lax.bitcast_convert_type(w & jnp.int32(-65536), jnp.float32)
    return jnp.concatenate([lo, hi], axis=1)


def _p2_body(x_ref, sc_ref, wl_ref, wr_ref, bl_ref, br_ref, we_ref,
             aatt_ref, g1_ref, b1_ref,
             xl_ref, xlb_ref, xrb_ref, exl_ref):
    x = x_ref[...]
    mu = jnp.mean(x, axis=-1, keepdims=True)
    xc = x - mu
    var = jnp.mean(xc * xc, axis=-1, keepdims=True)
    ln1 = xc / jnp.sqrt(var + 1e-5) * g1_ref[...] + b1_ref[...]
    xl = jnp.dot(ln1, wl_ref[...], preferred_element_type=jnp.float32) + bl_ref[...]
    xr = jnp.dot(ln1, wr_ref[...], preferred_element_type=jnp.float32) + br_ref[...]
    xl_ref[...] = xl
    xlb_ref[...] = _pack2(xl)
    xrb_ref[...] = _pack2(xr)
    ssum = sc_ref[0][:, :DE] + sc_ref[1][:, :DE]
    cnt = sc_ref[0][:, DE:DE + 1] + sc_ref[1][:, DE:DE + 1]
    la = ssum / jnp.maximum(cnt, 1.0)
    lee = jnp.dot(la, we_ref[...], preferred_element_type=jnp.float32)
    ml = xl + xr + lee
    ml = jnp.where(ml > 0, ml, 0.2 * ml)
    al = jnp.dot(ml, aatt_ref[...], preferred_element_type=jnp.float32)
    exl = jnp.exp(al)
    exl_ref[...] = jnp.concatenate([exl, jnp.zeros_like(exl)], axis=1)


def _p2_call(x, sc, WlT, WrT, bl2, br2, WeT, A_att, g1, b1):
    nb = N // BN
    full = lambda i: (0, 0)
    return pl.pallas_call(
        _p2_body,
        grid=(nb,),
        in_specs=[
            pl.BlockSpec((BN, D), lambda i: (i, 0)),
            pl.BlockSpec((NC, BN, 2 * DE), lambda i: (0, i, 0)),
            pl.BlockSpec((D, D), full),
            pl.BlockSpec((D, D), full),
            pl.BlockSpec((1, D), full),
            pl.BlockSpec((1, D), full),
            pl.BlockSpec((DE, D), full),
            pl.BlockSpec((D, H), full),
            pl.BlockSpec((1, D), full),
            pl.BlockSpec((1, D), full),
        ],
        out_specs=[
            pl.BlockSpec((BN, D), lambda i: (i, 0)),
            pl.BlockSpec((BN, D // 2), lambda i: (i, 0)),
            pl.BlockSpec((BN, D // 2), lambda i: (i, 0)),
            pl.BlockSpec((BN, DE), lambda i: (i, 0)),
        ],
        out_shape=[
            jax.ShapeDtypeStruct((N, D), jnp.float32),
            jax.ShapeDtypeStruct((N, D // 2), jnp.int32),
            jax.ShapeDtypeStruct((N, D // 2), jnp.int32),
            jax.ShapeDtypeStruct((N, DE), jnp.float32),
        ],
    )(x, sc, WlT, WrT, bl2, br2, WeT, A_att, g1, b1)


BE = 2048


def _p4_body(ea_ref, gl_ref, gr_ref, we_ref, aatt_ref, e8_ref,
             y_ref, exz_ref):
    gl = _unpack2(gl_ref[...])
    gr = _unpack2(gr_ref[...])
    ee = jnp.dot(ea_ref[...], we_ref[...], preferred_element_type=jnp.float32)
    m = gl + gr + ee
    m = jnp.where(m > 0, m, 0.2 * m)
    a = jnp.dot(m, aatt_ref[...], preferred_element_type=jnp.float32)
    ex = jnp.exp(a)
    exz_ref[...] = jnp.concatenate([ex, jnp.zeros_like(ex)], axis=1)
    y = jnp.dot(ex, e8_ref[...], preferred_element_type=jnp.float32) * gl
    y_ref[...] = jnp.stack([y[:, : D // 2], y[:, D // 2 :]])


def _p4_call(ea, gl, gr, WeT, A_att, E8):
    nb = EP // BE
    full = lambda i: (0, 0)
    return pl.pallas_call(
        _p4_body,
        grid=(nb,),
        in_specs=[
            pl.BlockSpec((BE, DE), lambda i: (i, 0)),
            pl.BlockSpec((BE, D // 2), lambda i: (i, 0)),
            pl.BlockSpec((BE, D // 2), lambda i: (i, 0)),
            pl.BlockSpec((DE, D), full),
            pl.BlockSpec((D, H), full),
            pl.BlockSpec((H, D), full),
        ],
        out_specs=[
            pl.BlockSpec((NC, BE, D // 2), lambda i: (0, i, 0)),
            pl.BlockSpec((BE, DE), lambda i: (i, 0)),
        ],
        out_shape=[
            jax.ShapeDtypeStruct((NC, EP, D // 2), jnp.float32),
            jax.ShapeDtypeStruct((EP, DE), jnp.float32),
        ],
    )(ea, gl, gr, WeT, A_att, E8)


def _p6_body(x_ref, xl_ref, exl_ref, num_ref, den_ref, e8_ref, gb_ref,
             g2_ref, b2g_ref, w1_ref, b1f_ref, w2_ref, b2f_ref,
             out_ref):
    x = x_ref[...]
    xl = xl_ref[...]
    exl = exl_ref[...][:, :H]
    num = jnp.concatenate([num_ref[0], num_ref[1]], axis=1)
    e8 = e8_ref[...]
    num = num + jnp.dot(exl, e8, preferred_element_type=jnp.float32) * xl
    den = den_ref[0][:, :H] + den_ref[1][:, :H] + exl
    den256 = jnp.dot(den, e8, preferred_element_type=jnp.float32)
    sa = num / den256 + gb_ref[...]
    x1 = x + sa
    mu = jnp.mean(x1, axis=-1, keepdims=True)
    xc = x1 - mu
    var = jnp.mean(xc * xc, axis=-1, keepdims=True)
    h = xc / jnp.sqrt(var + 1e-5) * g2_ref[...] + b2g_ref[...]
    f = jnp.dot(h, w1_ref[...], preferred_element_type=jnp.float32) + b1f_ref[...]
    f = 0.5 * f * (1.0 + lax.erf(f * 0.7071067811865476))
    ff = jnp.dot(f, w2_ref[...], preferred_element_type=jnp.float32) + b2f_ref[...]
    out_ref[...] = x1 + ff


def _p6_call(x, xl, exl, num, den, E8, gb, g2, b2g, W1T, b1f, W2T, b2f):
    nb = N // BN
    full = lambda i: (0, 0)
    return pl.pallas_call(
        _p6_body,
        grid=(nb,),
        in_specs=[
            pl.BlockSpec((BN, D), lambda i: (i, 0)),
            pl.BlockSpec((BN, D), lambda i: (i, 0)),
            pl.BlockSpec((BN, DE), lambda i: (i, 0)),
            pl.BlockSpec((NC, BN, D // 2), lambda i: (0, i, 0)),
            pl.BlockSpec((NC, BN, DE), lambda i: (0, i, 0)),
            pl.BlockSpec((H, D), full),
            pl.BlockSpec((1, D), full),
            pl.BlockSpec((1, D), full),
            pl.BlockSpec((1, D), full),
            pl.BlockSpec((D, 2 * D), full),
            pl.BlockSpec((1, 2 * D), full),
            pl.BlockSpec((2 * D, D), full),
            pl.BlockSpec((1, D), full),
        ],
        out_specs=pl.BlockSpec((BN, D), lambda i: (i, 0)),
        out_shape=jax.ShapeDtypeStruct((N, D), jnp.float32),
    )(x, xl, exl, num, den, E8, gb, g2, b2g, W1T, b1f, W2T, b2f)


def kernel(x, edge_index, edge_attr, Wl, bl, Wr, br, We, att, gat_bias,
           ln1_g, ln1_b, ln2_g, ln2_b, W1, b1, W2, b2):
    pad = EP - E
    src = jnp.concatenate([edge_index[0], jnp.zeros((pad,), edge_index.dtype)])
    dst_g = jnp.concatenate([edge_index[1], jnp.zeros((pad,), edge_index.dtype)])
    dst = jnp.concatenate([edge_index[1], jnp.full((pad,), TRASH, edge_index.dtype)])
    ea_p = jnp.concatenate([edge_attr, jnp.zeros((pad, DE), edge_attr.dtype)])
    WlT = Wl.T
    WrT = Wr.T
    WeT = We.T
    W1T = W1.T
    W2T = W2.T
    A_att = (jnp.zeros((D, H), jnp.float32)
             .at[jnp.arange(D), jnp.arange(D) // C].set(att.reshape(-1)))
    E8 = (jnp.arange(D)[None, :] // C == jnp.arange(H)[:, None]).astype(jnp.float32)
    z128 = jnp.zeros((NPAD, D // 2), jnp.float32)
    r2 = lambda v: v.reshape(1, -1)

    sc = _p1_attr_sums(dst, ea_p, z128)
    xl, xlp, xrp, exl = _p2_call(x, sc, WlT, WrT, r2(bl), r2(br), WeT,
                                 A_att, r2(ln1_g), r2(ln1_b))
    gl, gr = _p3_gather(src, dst_g, xlp, xrp)
    y, exz = _p4_call(ea_p, gl.reshape(EP, D // 2), gr.reshape(EP, D // 2),
                      WeT, A_att, E8)
    num = _p5_scatter(dst.reshape(NS, ITER, CB), y, z128)
    den = _p5b_den_scatter(dst, exz, z128)
    out = _p6_call(x, xl, exl, num, den, E8, r2(gat_bias), r2(ln2_g), r2(ln2_b),
                   W1T, r2(b1), W2T, r2(b2))
    return out

# --- scband reference (transcript-rebuilt; emitter-appended) ---
"""Pipeline reference for scband-gatconv-encoder-layer-manual-residual-68264210202879 (READ-ONLY COPY).

The authoritative reference and input builder live on the scoring server;
editing this copy changes nothing except your own understanding.
"""

import jax, jax.numpy as jnp
import numpy as np

N = 10000
E = 160000
D = 256
DE = 16
H = 8
C = D // H


def setup_inputs(seed: int = 0):
    key = jax.random.key(seed)
    ks = jax.random.split(key, 16)
    s = 0.05
    inp = {}
    inp['x'] = jax.random.normal(ks[0], (N, D), dtype=jnp.float32)
    inp['edge_index'] = jax.random.randint(ks[1], (2, E), 0, N)
    inp['edge_attr'] = jax.random.normal(ks[2], (E, DE), dtype=jnp.float32)
    inp['Wl'] = jax.random.normal(ks[3], (D, D), dtype=jnp.float32) * s
    inp['bl'] = jnp.zeros((D,), dtype=jnp.float32)
    inp['Wr'] = jax.random.normal(ks[4], (D, D), dtype=jnp.float32) * s
    inp['br'] = jnp.zeros((D,), dtype=jnp.float32)
    inp['We'] = jax.random.normal(ks[5], (D, DE), dtype=jnp.float32) * s
    inp['att'] = jax.random.normal(ks[6], (H, C), dtype=jnp.float32) * s
    inp['gat_bias'] = jnp.zeros((D,), dtype=jnp.float32)
    inp['ln1_g'] = jnp.ones((D,), dtype=jnp.float32)
    inp['ln1_b'] = jnp.zeros((D,), dtype=jnp.float32)
    inp['ln2_g'] = jnp.ones((D,), dtype=jnp.float32)
    inp['ln2_b'] = jnp.zeros((D,), dtype=jnp.float32)
    inp['W1'] = jax.random.normal(ks[7], (2 * D, D), dtype=jnp.float32) * s
    inp['b1'] = jnp.zeros((2 * D,), dtype=jnp.float32)
    inp['W2'] = jax.random.normal(ks[8], (D, 2 * D), dtype=jnp.float32) * s
    inp['b2'] = jnp.zeros((D,), dtype=jnp.float32)
    return inp


def _layer_norm(x, g, b):
    mu = x.mean(axis=-1, keepdims=True)
    var = ((x - mu) ** 2).mean(axis=-1, keepdims=True)
    return (x - mu) / jnp.sqrt(var + 1e-5) * g + b


def _gatv2(x, edge_index, edge_attr, Wl, bl, Wr, br, We, att, gat_bias):
    src, dst = edge_index[0], edge_index[1]
    n = x.shape[0]
    e = edge_attr.shape[0]
    # PyG GATv2Conv default add_self_loops=True, fill_value='mean':
    # self-loop edge_attr = mean of incoming edge attrs per node
    cnt = jax.ops.segment_sum(jnp.ones((e,), dtype=jnp.float32), dst, num_segments=n)
    loop_attr = jax.ops.segment_sum(edge_attr, dst, num_segments=n) / jnp.clip(cnt, 1.0)[:, None]
    loops = jnp.arange(n, dtype=src.dtype)
    src2 = jnp.concatenate([src, loops])
    dst2 = jnp.concatenate([dst, loops])
    ea = jnp.concatenate([edge_attr, loop_attr], axis=0)
    x_l = (x @ Wl.T + bl).reshape(n, H, C)
    x_r = (x @ Wr.T + br).reshape(n, H, C)
    ee = (ea @ We.T).reshape(-1, H, C)
    m = x_l[src2] + x_r[dst2] + ee
    m = jnp.where(m > 0, m, 0.2 * m)  # leaky_relu(0.2)
    alpha = (m * att[None]).sum(axis=-1)  # [E2, H]
    amax = jax.ops.segment_max(alpha, dst2, num_segments=n)
    ex = jnp.exp(alpha - amax[dst2])
    denom = jax.ops.segment_sum(ex, dst2, num_segments=n)
    a = ex / denom[dst2]
    out = jax.ops.segment_sum(a[:, :, None] * x_l[src2], dst2, num_segments=n)
    return out.reshape(n, D) + gat_bias


def reference(x, edge_index, edge_attr, Wl, bl, Wr, br, We, att, gat_bias, ln1_g, ln1_b, ln2_g, ln2_b, W1, b1, W2, b2):
    sa = _gatv2(_layer_norm(x, ln1_g, ln1_b), edge_index, edge_attr, Wl, bl, Wr, br, We, att, gat_bias)
    x1 = x + sa
    h = _layer_norm(x1, ln2_g, ln2_b)
    ff = jax.nn.gelu(h @ W1.T + b1, approximate=False) @ W2.T + b2
    return x1 + ff

if __name__ == "__main__":
    import jax
    _d = setup_inputs()
    print(jax.jit(kernel)(*tuple(_d.values())))

</pallas_src>

<mosaic_0001>
#map = affine_map<(d0, d1) -> (0, 0, 0)>
#map1 = affine_map<(d0, d1) -> (0, 0)>
module attributes {stable_mosaic.version = 14 : i64} {
  func.func @_p5_scatter(%arg0: i32, %arg1: i32, %arg2: memref<16x80x128xi32, #tpu.memory_space<hbm>>, %arg3: memref<2x163840x128xf32, #tpu.memory_space<hbm>>, %arg4: memref<10240x128xf32, #tpu.memory_space<hbm>>, %arg5: memref<2x10240x128xf32, #tpu.memory_space<hbm>>, %arg6: memref<80x128xi32, #tpu.memory_space<vmem>>, %arg7: memref<2x128x128xf32, #tpu.memory_space<vmem>>, %arg8: memref<10112x128xf32, #tpu.memory_space<vmem_shared>>, %arg9: memref<!tpu.dma_semaphore, #tpu.memory_space<semaphore_mem>>, %arg10: memref<!tpu.dma_semaphore, #tpu.memory_space<semaphore_mem>>, %arg11: memref<!tpu.dma_semaphore, #tpu.memory_space<semaphore_mem>>, %arg12: memref<!tpu.dma_semaphore, #tpu.memory_space<semaphore_mem>>) attributes {dimension_semantics = [#tpu.dimension_semantics<core_parallel>, #tpu.dimension_semantics<subcore_parallel>], iteration_bounds = array<i64: 2, 16>, scalar_prefetch = 0 : i64, scratch_operands = 7 : i64, tpu.core_type = #tpu.core_type<sc_vector_subcore>, window_params = [{transform_indices = #map}, {transform_indices = #map}, {transform_indices = #map1}, {transform_indices = #map}]} {
    %mul3A = arith.constant 632 : i32
    %mul3A_0 = arith.muli %arg1, %mul3A : i32
    %mul3A_1 = arith.constant 632 : i32
    %mul3A_2 = arith.muli %arg1, %mul3A_1 : i32
    "tpu.region"() ({
      %run_scoped3A = tpu.sem_alloc : memref<!tpu.dma_semaphore, #tpu.memory_space<semaphore_mem>>
      %dma_start3A_61 = arith.constant 0 : i32
      %dma_start3A_62 = tpu.memref_slice %arg8[%mul3A_2, %dma_start3A_61] : memref<10112x128xf32, #tpu.memory_space<vmem_shared>> -> memref<632x128xf32, #tpu.memory_space<vmem_shared>>
      %dma_start3A_63 = arith.constant 0 : i32
      %dma_start3A_64 = tpu.memref_slice %arg4[%mul3A_0, %dma_start3A_63] : memref<10240x128xf32, #tpu.memory_space<hbm>> -> memref<632x128xf32, #tpu.memory_space<hbm>>
      tpu.enqueue_dma source(%dma_start3A_64 : memref<632x128xf32, #tpu.memory_space<hbm>>) target(%dma_start3A_62 : memref<632x128xf32, #tpu.memory_space<vmem_shared>>) target_semaphore(%run_scoped3A : memref<!tpu.dma_semaphore, #tpu.memory_space<semaphore_mem>>)
      %dma_wait3A_65 = arith.constant 0 : i32
      %dma_wait3A_66 = tpu.memref_slice %arg8[%mul3A_2, %dma_wait3A_65] : memref<10112x128xf32, #tpu.memory_space<vmem_shared>> -> memref<632x128xf32, #tpu.memory_space<vmem_shared>>
      %dma_wait3A_67 = arith.constant 0 : i32
      %dma_wait3A_68 = tpu.memref_slice %arg4[%mul3A_0, %dma_wait3A_67] : memref<10240x128xf32, #tpu.memory_space<hbm>> -> memref<632x128xf32, #tpu.memory_space<hbm>>
      tpu.wait_dma2 semaphore(%run_scoped3A : memref<!tpu.dma_semaphore, #tpu.memory_space<semaphore_mem>>) src(%dma_wait3A_68 : memref<632x128xf32, #tpu.memory_space<hbm>>) dst(%dma_wait3A_66 : memref<632x128xf32, #tpu.memory_space<vmem_shared>>)
      tpu.yield
    }) : () -> ()
    "tpu.region"() ({
      %run_scoped3A = tpu.sem_alloc : memref<!tpu.dma_semaphore, #tpu.memory_space<semaphore_mem>>
      %dma_start3A_61 = arith.constant 0 : i32
      %dma_start3A_62 = arith.constant 0 : i32
      %dma_start3A_63 = tpu.memref_slice %arg2[%arg1, %dma_start3A_61, %dma_start3A_62] : memref<16x80x128xi32, #tpu.memory_space<hbm>> -> memref<1x80x128xi32, #tpu.memory_space<hbm>>
      %dma_start3A_64 = tpu.memref_squeeze %dma_start3A_63 : memref<1x80x128xi32, #tpu.memory_space<hbm>> -> memref<80x128xi32, #tpu.memory_space<hbm>>
      %dma_start3A_65 = arith.constant 0 : i32
      %dma_start3A_66 = arith.constant 0 : i32
      %dma_start3A_67 = tpu.memref_slice %arg2[%arg1, %dma_start3A_65, %dma_start3A_66] : memref<16x80x128xi32, #tpu.memory_space<hbm>> -> memref<1x80x128xi32, #tpu.memory_space<hbm>>
      %dma_start3A_68 = tpu.memref_squeeze %dma_start3A_67 : memref<1x80x128xi32, #tpu.memory_space<hbm>> -> memref<80x128xi32, #tpu.memory_space<hbm>>
      tpu.enqueue_dma source(%dma_start3A_68 : memref<80x128xi32, #tpu.memory_space<hbm>>) target(%arg6 : memref<80x128xi32, #tpu.memory_space<vmem>>) target_semaphore(%run_scoped3A : memref<!tpu.dma_semaphore, #tpu.memory_space<semaphore_mem>>)
      %dma_wait3A_69 = arith.constant 0 : i32
      %dma_wait3A_70 = arith.constant 0 : i32
      %dma_wait3A_71 = tpu.memref_slice %arg2[%arg1, %dma_wait3A_69, %dma_wait3A_70] : memref<16x80x128xi32, #tpu.memory_space<hbm>> -> memref<1x80x128xi32, #tpu.memory_space<hbm>>
      %dma_wait3A_72 = tpu.memref_squeeze %dma_wait3A_71 : memref<1x80x128xi32, #tpu.memory_space<hbm>> -> memref<80x128xi32, #tpu.memory_space<hbm>>
      %dma_wait3A_73 = arith.constant 0 : i32
      %dma_wait3A_74 = arith.constant 0 : i32
      %dma_wait3A_75 = tpu.memref_slice %arg2[%arg1, %dma_wait3A_73, %dma_wait3A_74] : memref<16x80x128xi32, #tpu.memory_space<hbm>> -> memref<1x80x128xi32, #tpu.memory_space<hbm>>
      %dma_wait3A_76 = tpu.memref_squeeze %dma_wait3A_75 : memref<1x80x128xi32, #tpu.memory_space<hbm>> -> memref<80x128xi32, #tpu.memory_space<hbm>>
      tpu.wait_dma2 semaphore(%run_scoped3A : memref<!tpu.dma_semaphore, #tpu.memory_space<semaphore_mem>>) src(%dma_wait3A_76 : memref<80x128xi32, #tpu.memory_space<hbm>>) dst(%arg6 : memref<80x128xi32, #tpu.memory_space<vmem>>)
      tpu.yield
    }) : () -> ()
    %barrier3A = arith.constant 0 : index
    tpu.barrier barrier_id(%barrier3A)
    %mul3A_3 = arith.constant 10240 : i32
    %mul3A_4 = arith.muli %arg1, %mul3A_3 : i32
    %add3A = arith.constant 0 : i32
    %add3A_5 = arith.addi %mul3A_4, %add3A : i32
    %dma_start3A = arith.constant 0 : i32
    %dma_start3A_6 = arith.constant 0 : i32
    %dma_start3A_7 = arith.constant 0 : i32
    %dma_start3A_8 = tpu.memref_slice %arg7[%dma_start3A, %dma_start3A_6, %dma_start3A_7] : memref<2x128x128xf32, #tpu.memory_space<vmem>> -> memref<1x128x128xf32, #tpu.memory_space<vmem>>
    %dma_start3A_9 = tpu.memref_squeeze %dma_start3A_8 : memref<1x128x128xf32, #tpu.memory_space<vmem>> -> memref<128x128xf32, #tpu.memory_space<vmem>>
    %dma_start3A_10 = arith.constant 0 : i32
    %dma_start3A_11 = tpu.memref_slice %arg3[%arg0, %add3A_5, %dma_start3A_10] : memref<2x163840x128xf32, #tpu.memory_space<hbm>> -> memref<1x128x128xf32, #tpu.memory_space<hbm>>
    %dma_start3A_12 = tpu.memref_squeeze %dma_start3A_11 : memref<1x128x128xf32, #tpu.memory_space<hbm>> -> memref<128x128xf32, #tpu.memory_space<hbm>>
    %dma_start3A_13 = arith.constant 0 : i32
    %dma_start3A_14 = arith.constant 0 : i32
    %dma_start3A_15 = tpu.memref_slice %arg7[%dma_start3A, %dma_start3A_13, %dma_start3A_14] : memref<2x128x128xf32, #tpu.memory_space<vmem>> -> memref<1x128x128xf32, #tpu.memory_space<vmem>>
    %dma_start3A_16 = tpu.memref_squeeze %dma_start3A_15 : memref<1x128x128xf32, #tpu.memory_space<vmem>> -> memref<128x128xf32, #tpu.memory_space<vmem>>
    %dma_start3A_17 = arith.constant 0 : i32
    %dma_start3A_18 = tpu.memref_slice %arg3[%arg0, %add3A_5, %dma_start3A_17] : memref<2x163840x128xf32, #tpu.memory_space<hbm>> -> memref<1x128x128xf32, #tpu.memory_space<hbm>>
    %dma_start3A_19 = tpu.memref_squeeze %dma_start3A_18 : memref<1x128x128xf32, #tpu.memory_space<hbm>> -> memref<128x128xf32, #tpu.memory_space<hbm>>
    tpu.enqueue_dma source(%dma_start3A_19 : memref<128x128xf32, #tpu.memory_space<hbm>>) target(%dma_start3A_16 : memref<128x128xf32, #tpu.memory_space<vmem>>) target_semaphore(%arg9 : memref<!tpu.dma_semaphore, #tpu.memory_space<semaphore_mem>>)
    %scan3A = arith.constant 0 : i32
    %scan3A_20 = arith.constant 0 : i32
    %scan3A_21 = arith.constant 1 : i32
    %scan3A_22 = arith.constant 0 : i32
    %scan3A_23 = arith.constant 40 : i32
    %scan3A_24 = arith.addi %scan3A_22, %scan3A_23 : i32
    %scan3A_25 = arith.constant 1 : i32
    scf.for %scan3A_61 = %scan3A_22 to %scan3A_24 step %scan3A_25  : i32 {
      %mul3A_62 = arith.constant 2 : i32
      %mul3A_63 = arith.muli %mul3A_62, %scan3A_61 : i32
      %dma_wait3A_64 = arith.constant 0 : i32
      %dma_wait3A_65 = arith.constant 0 : i32
      %dma_wait3A_66 = tpu.memref_slice %arg7[%scan3A_20, %dma_wait3A_64, %dma_wait3A_65] : memref<2x128x128xf32, #tpu.memory_space<vmem>> -> memref<1x128x128xf32, #tpu.memory_space<vmem>>
      %dma_wait3A_67 = tpu.memref_squeeze %dma_wait3A_66 : memref<1x128x128xf32, #tpu.memory_space<vmem>> -> memref<128x128xf32, #tpu.memory_space<vmem>>
      %dma_wait3A_68 = arith.constant 0 : i32
      %dma_wait3A_69 = arith.constant 0 : i32
      %dma_wait3A_70 = tpu.memref_slice %arg3[%arg0, %dma_wait3A_68, %dma_wait3A_69] : memref<2x163840x128xf32, #tpu.memory_space<hbm>> -> memref<1x128x128xf32, #tpu.memory_space<hbm>>
      %dma_wait3A_71 = tpu.memref_squeeze %dma_wait3A_70 : memref<1x128x128xf32, #tpu.memory_space<hbm>> -> memref<128x128xf32, #tpu.memory_space<hbm>>
      %dma_wait3A_72 = arith.constant 0 : i32
      %dma_wait3A_73 = arith.constant 0 : i32
      %dma_wait3A_74 = tpu.memref_slice %arg7[%scan3A_20, %dma_wait3A_72, %dma_wait3A_73] : memref<2x128x128xf32, #tpu.memory_space<vmem>> -> memref<1x128x128xf32, #tpu.memory_space<vmem>>
      %dma_wait3A_75 = tpu.memref_squeeze %dma_wait3A_74 : memref<1x128x128xf32, #tpu.memory_space<vmem>> -> memref<128x128xf32, #tpu.memory_space<vmem>>
      %dma_wait3A_76 = arith.constant 0 : i32
      %dma_wait3A_77 = arith.constant 0 : i32
      %dma_wait3A_78 = tpu.memref_slice %arg3[%arg0, %dma_wait3A_76, %dma_wait3A_77] : memref<2x163840x128xf32, #tpu.memory_space<hbm>> -> memref<1x128x128xf32, #tpu.memory_space<hbm>>
      %dma_wait3A_79 = tpu.memref_squeeze %dma_wait3A_78 : memref<1x128x128xf32, #tpu.memory_space<hbm>> -> memref<128x128xf32, #tpu.memory_space<hbm>>
      tpu.wait_dma2 semaphore(%arg9 : memref<!tpu.dma_semaphore, #tpu.memory_space<semaphore_mem>>) src(%dma_wait3A_79 : memref<128x128xf32, #tpu.memory_space<hbm>>) dst(%dma_wait3A_75 : memref<128x128xf32, #tpu.memory_space<vmem>>)
      %dma_start3A_80 = arith.constant 0 : i32
      %dma_start3A_81 = arith.constant 0 : i32
      %dma_start3A_82 = tpu.memref_slice %arg7[%scan3A_20, %dma_start3A_80, %dma_start3A_81] : memref<2x128x128xf32, #tpu.memory_space<vmem>> -> memref<1x128x128xf32, #tpu.memory_space<vmem>>
      %dma_start3A_83 = tpu.memref_squeeze %dma_start3A_82 : memref<1x128x128xf32, #tpu.memory_space<vmem>> -> memref<128x128xf32, #tpu.memory_space<vmem>>
      %dma_start3A_84 = arith.constant 0 : i32
      %dma_start3A_85 = tpu.memref_slice %arg6[%mul3A_63, %dma_start3A_84] : memref<80x128xi32, #tpu.memory_space<vmem>> -> memref<1x128xi32, #tpu.memory_space<vmem>>
      %dma_start3A_86 = tpu.memref_squeeze %dma_start3A_85 : memref<1x128xi32, #tpu.memory_space<vmem>> -> memref<128xi32, #tpu.memory_space<vmem>>
      %dma_start3A_87 = arith.constant 0 : i32
      %dma_start3A_88 = arith.constant 0 : i32
      %dma_start3A_89 = tpu.memref_slice %arg8[%dma_start3A_87, %dma_start3A_88] : memref<10112x128xf32, #tpu.memory_space<vmem_shared>> -> memref<10112x128xf32, #tpu.memory_space<vmem_shared>>
      tpu.enqueue_indirect_dma source(%dma_start3A_83 : memref<128x128xf32, #tpu.memory_space<vmem>>) target(%dma_start3A_89 : memref<10112x128xf32, #tpu.memory_space<vmem_shared>>) offsets(%dma_start3A_86 : memref<128xi32, #tpu.memory_space<vmem>>) semaphore(%arg11 : memref<!tpu.dma_semaphore, #tpu.memory_space<semaphore_mem>>) {add = true}
      %gt3A = arith.constant 0 : i32
      %gt3A_90 = arith.cmpi sgt, %scan3A_61, %gt3A : i32
      %convert_element_type3A = arith.extui %gt3A_90 : i1 to i32
      %cond3A = arith.constant 0 : i32
      %cond3A_91 = arith.cmpi ne, %convert_element_type3A, %cond3A : i32
      scf.if %cond3A_91 {
        %dma_wait3A_143 = arith.constant 0 : i32
        %dma_wait3A_144 = arith.constant 0 : i32
        %dma_wait3A_145 = tpu.memref_slice %arg7[%scan3A_21, %dma_wait3A_143, %dma_wait3A_144] : memref<2x128x128xf32, #tpu.memory_space<vmem>> -> memref<1x128x128xf32, #tpu.memory_space<vmem>>
        %dma_wait3A_146 = tpu.memref_squeeze %dma_wait3A_145 : memref<1x128x128xf32, #tpu.memory_space<vmem>> -> memref<128x128xf32, #tpu.memory_space<vmem>>
        %dma_wait3A_147 = arith.constant 0 : i32
        %dma_wait3A_148 = arith.constant 0 : i32
        %dma_wait3A_149 = tpu.memref_slice %arg8[%dma_wait3A_147, %dma_wait3A_148] : memref<10112x128xf32, #tpu.memory_space<vmem_shared>> -> memref<128x128xf32, #tpu.memory_space<vmem_shared>>
        %dma_wait3A_150 = arith.constant 0 : i32
        %dma_wait3A_151 = arith.constant 0 : i32
        %dma_wait3A_152 = tpu.memref_slice %arg8[%dma_wait3A_150, %dma_wait3A_151] : memref<10112x128xf32, #tpu.memory_space<vmem_shared>> -> memref<128x128xf32, #tpu.memory_space<vmem_shared>>
        %dma_wait3A_153 = arith.constant 0 : i32
        %dma_wait3A_154 = arith.constant 0 : i32
        %dma_wait3A_155 = tpu.memref_slice %arg7[%scan3A_21, %dma_wait3A_153, %dma_wait3A_154] : memref<2x128x128xf32, #tpu.memory_space<vmem>> -> memref<1x128x128xf32, #tpu.memory_space<vmem>>
        %dma_wait3A_156 = tpu.memref_squeeze %dma_wait3A_155 : memref<1x128x128xf32, #tpu.memory_space<vmem>> -> memref<128x128xf32, #tpu.memory_space<vmem>>
        tpu.wait_dma2 semaphore(%arg12 : memref<!tpu.dma_semaphore, #tpu.memory_space<semaphore_mem>>) src(%dma_wait3A_156 : memref<128x128xf32, #tpu.memory_space<vmem>>) dst(%dma_wait3A_152 : memref<128x128xf32, #tpu.memory_space<vmem_shared>>)
      } else {
      }
      %add3A_92 = arith.constant 1 : i32
      %add3A_93 = arith.addi %mul3A_63, %add3A_92 : i32
      %mul3A_94 = arith.constant 128 : i32
      %mul3A_95 = arith.muli %add3A_93, %mul3A_94 : i32
      %add3A_96 = arith.addi %mul3A_4, %mul3A_95 : i32
      %dma_start3A_97 = arith.constant 0 : i32
      %dma_start3A_98 = arith.constant 0 : i32
      %dma_start3A_99 = tpu.memref_slice %arg7[%scan3A_21, %dma_start3A_97, %dma_start3A_98] : memref<2x128x128xf32, #tpu.memory_space<vmem>> -> memref<1x128x128xf32, #tpu.memory_space<vmem>>
      %dma_start3A_100 = tpu.memref_squeeze %dma_start3A_99 : memref<1x128x128xf32, #tpu.memory_space<vmem>> -> memref<128x128xf32, #tpu.memory_space<vmem>>
      %dma_start3A_101 = arith.constant 0 : i32
      %dma_start3A_102 = tpu.memref_slice %arg3[%arg0, %add3A_96, %dma_start3A_101] : memref<2x163840x128xf32, #tpu.memory_space<hbm>> -> memref<1x128x128xf32, #tpu.memory_space<hbm>>
      %dma_start3A_103 = tpu.memref_squeeze %dma_start3A_102 : memref<1x128x128xf32, #tpu.memory_space<hbm>> -> memref<128x128xf32, #tpu.memory_space<hbm>>
      %dma_start3A_104 = arith.constant 0 : i32
      %dma_start3A_105 = arith.constant 0 : i32
      %dma_start3A_106 = tpu.memref_slice %arg7[%scan3A_21, %dma_start3A_104, %dma_start3A_105] : memref<2x128x128xf32, #tpu.memory_space<vmem>> -> memref<1x128x128xf32, #tpu.memory_space<vmem>>
      %dma_start3A_107 = tpu.memref_squeeze %dma_start3A_106 : memref<1x128x128xf32, #tpu.memory_space<vmem>> -> memref<128x128xf32, #tpu.memory_space<vmem>>
      %dma_start3A_108 = arith.constant 0 : i32
      %dma_start3A_109 = tpu.memref_slice %arg3[%arg0, %add3A_96, %dma_start3A_108] : memref<2x163840x128xf32, #tpu.memory_space<hbm>> -> memref<1x128x128xf32, #tpu.memory_space<hbm>>
      %dma_start3A_110 = tpu.memref_squeeze %dma_start3A_109 : memref<1x128x128xf32, #tpu.memory_space<hbm>> -> memref<128x128xf32, #tpu.memory_space<hbm>>
      tpu.enqueue_dma source(%dma_start3A_110 : memref<128x128xf32, #tpu.memory_space<hbm>>) target(%dma_start3A_107 : memref<128x128xf32, #tpu.memory_space<vmem>>) target_semaphore(%arg10 : memref<!tpu.dma_semaphore, #tpu.memory_space<semaphore_mem>>)
      %dma_wait3A_111 = arith.constant 0 : i32
      %dma_wait3A_112 = arith.constant 0 : i32
      %dma_wait3A_113 = tpu.memref_slice %arg7[%scan3A_21, %dma_wait3A_111, %dma_wait3A_112] : memref<2x128x128xf32, #tpu.memory_space<vmem>> -> memref<1x128x128xf32, #tpu.memory_space<vmem>>
      %dma_wait3A_114 = tpu.memref_squeeze %dma_wait3A_113 : memref<1x128x128xf32, #tpu.memory_space<vmem>> -> memref<128x128xf32, #tpu.memory_space<vmem>>
      %dma_wait3A_115 = arith.constant 0 : i32
      %dma_wait3A_116 = arith.constant 0 : i32
      %dma_wait3A_117 = tpu.memref_slice %arg3[%arg0, %dma_wait3A_115, %dma_wait3A_116] : memref<2x163840x128xf32, #tpu.memory_space<hbm>> -> memref<1x128x128xf32, #tpu.memory_space<hbm>>
      %dma_wait3A_118 = tpu.memref_squeeze %dma_wait3A_117 : memref<1x128x128xf32, #tpu.memory_space<hbm>> -> memref<128x128xf32, #tpu.memory_space<hbm>>
      %dma_wait3A_119 = arith.constant 0 : i32
      %dma_wait3A_120 = arith.constant 0 : i32
      %dma_wait3A_121 = tpu.memref_slice %arg7[%scan3A_21, %dma_wait3A_119, %dma_wait3A_120] : memref<2x128x128xf32, #tpu.memory_space<vmem>> -> memref<1x128x128xf32, #tpu.memory_space<vmem>>
      %dma_wait3A_122 = tpu.memref_squeeze %dma_wait3A_121 : memref<1x128x128xf32, #tpu.memory_space<vmem>> -> memref<128x128xf32, #tpu.memory_space<vmem>>
      %dma_wait3A_123 = arith.constant 0 : i32
      %dma_wait3A_124 = arith.constant 0 : i32
      %dma_wait3A_125 = tpu.memref_slice %arg3[%arg0, %dma_wait3A_123, %dma_wait3A_124] : memref<2x163840x128xf32, #tpu.memory_space<hbm>> -> memref<1x128x128xf32, #tpu.memory_space<hbm>>
      %dma_wait3A_126 = tpu.memref_squeeze %dma_wait3A_125 : memref<1x128x128xf32, #tpu.memory_space<hbm>> -> memref<128x128xf32, #tpu.memory_space<hbm>>
      tpu.wait_dma2 semaphore(%arg10 : memref<!tpu.dma_semaphore, #tpu.memory_space<semaphore_mem>>) src(%dma_wait3A_126 : memref<128x128xf32, #tpu.memory_space<hbm>>) dst(%dma_wait3A_122 : memref<128x128xf32, #tpu.memory_space<vmem>>)
      %add3A_127 = arith.constant 1 : i32
      %add3A_128 = arith.addi %mul3A_63, %add3A_127 : i32
      %dma_start3A_129 = arith.constant 0 : i32
      %dma_start3A_130 = arith.constant 0 : i32
      %dma_start3A_131 = tpu.memref_slice %arg7[%scan3A_21, %dma_start3A_129, %dma_start3A_130] : memref<2x128x128xf32, #tpu.memory_space<vmem>> -> memref<1x128x128xf32, #tpu.memory_space<vmem>>
      %dma_start3A_132 = tpu.memref_squeeze %dma_start3A_131 : memref<1x128x128xf32, #tpu.memory_space<vmem>> -> memref<128x128xf32, #tpu.memory_space<vmem>>
      %dma_start3A_133 = arith.constant 0 : i32
      %dma_start3A_134 = tpu.memref_slice %arg6[%add3A_128, %dma_start3A_133] : memref<80x128xi32, #tpu.memory_space<vmem>> -> memref<1x128xi32, #tpu.memory_space<vmem>>
      %dma_start3A_135 = tpu.memref_squeeze %dma_start3A_134 : memref<1x128xi32, #tpu.memory_space<vmem>> -> memref<128xi32, #tpu.memory_space<vmem>>
      %dma_start3A_136 = arith.constant 0 : i32
      %dma_start3A_137 = arith.constant 0 : i32
      %dma_start3A_138 = tpu.memref_slice %arg8[%dma_start3A_136, %dma_start3A_137] : memref<10112x128xf32, #tpu.memory_space<vmem_shared>> -> memref<10112x128xf32, #tpu.memory_space<vmem_shared>>
      tpu.enqueue_indirect_dma source(%dma_start3A_132 : memref<128x128xf32, #tpu.memory_space<vmem>>) target(%dma_start3A_138 : memref<10112x128xf32, #tpu.memory_space<vmem_shared>>) offsets(%dma_start3A_135 : memref<128xi32, #tpu.memory_space<vmem>>) semaphore(%arg12 : memref<!tpu.dma_semaphore, #tpu.memory_space<semaphore_mem>>) {add = true}
      %lt3A = arith.constant 39 : i32
      %lt3A_139 = arith.cmpi slt, %scan3A_61, %lt3A : i32
      %convert_element_type3A_140 = arith.extui %lt3A_139 : i1 to i32
      %cond3A_141 = arith.constant 0 : i32
      %cond3A_142 = arith.cmpi ne, %convert_element_type3A_140, %cond3A_141 : i32
      scf.if %cond3A_142 {
        %dma_wait3A_143 = arith.constant 0 : i32
        %dma_wait3A_144 = arith.constant 0 : i32
        %dma_wait3A_145 = tpu.memref_slice %arg7[%scan3A_20, %dma_wait3A_143, %dma_wait3A_144] : memref<2x128x128xf32, #tpu.memory_space<vmem>> -> memref<1x128x128xf32, #tpu.memory_space<vmem>>
        %dma_wait3A_146 = tpu.memref_squeeze %dma_wait3A_145 : memref<1x128x128xf32, #tpu.memory_space<vmem>> -> memref<128x128xf32, #tpu.memory_space<vmem>>
        %dma_wait3A_147 = arith.constant 0 : i32
        %dma_wait3A_148 = arith.constant 0 : i32
        %dma_wait3A_149 = tpu.memref_slice %arg8[%dma_wait3A_147, %dma_wait3A_148] : memref<10112x128xf32, #tpu.memory_space<vmem_shared>> -> memref<128x128xf32, #tpu.memory_space<vmem_shared>>
        %dma_wait3A_150 = arith.constant 0 : i32
        %dma_wait3A_151 = arith.constant 0 : i32
        %dma_wait3A_152 = tpu.memref_slice %arg8[%dma_wait3A_150, %dma_wait3A_151] : memref<10112x128xf32, #tpu.memory_space<vmem_shared>> -> memref<128x128xf32, #tpu.memory_space<vmem_shared>>
        %dma_wait3A_153 = arith.constant 0 : i32
        %dma_wait3A_154 = arith.constant 0 : i32
        %dma_wait3A_155 = tpu.memref_slice %arg7[%scan3A_20, %dma_wait3A_153, %dma_wait3A_154] : memref<2x128x128xf32, #tpu.memory_space<vmem>> -> memref<1x128x128xf32, #tpu.memory_space<vmem>>
        %dma_wait3A_156 = tpu.memref_squeeze %dma_wait3A_155 : memref<1x128x128xf32, #tpu.memory_space<vmem>> -> memref<128x128xf32, #tpu.memory_space<vmem>>
        tpu.wait_dma2 semaphore(%arg11 : memref<!tpu.dma_semaphore, #tpu.memory_space<semaphore_mem>>) src(%dma_wait3A_156 : memref<128x128xf32, #tpu.memory_space<vmem>>) dst(%dma_wait3A_152 : memref<128x128xf32, #tpu.memory_space<vmem_shared>>)
        %add3A_157 = arith.constant 2 : i32
        %add3A_158 = arith.addi %mul3A_63, %add3A_157 : i32
        %mul3A_159 = arith.constant 128 : i32
        %mul3A_160 = arith.muli %add3A_158, %mul3A_159 : i32
        %add3A_161 = arith.addi %mul3A_4, %mul3A_160 : i32
        %dma_start3A_162 = arith.constant 0 : i32
        %dma_start3A_163 = arith.constant 0 : i32
        %dma_start3A_164 = tpu.memref_slice %arg7[%scan3A_20, %dma_start3A_162, %dma_start3A_163] : memref<2x128x128xf32, #tpu.memory_space<vmem>> -> memref<1x128x128xf32, #tpu.memory_space<vmem>>
        %dma_start3A_165 = tpu.memref_squeeze %dma_start3A_164 : memref<1x128x128xf32, #tpu.memory_space<vmem>> -> memref<128x128xf32, #tpu.memory_space<vmem>>
        %dma_start3A_166 = arith.constant 0 : i32
        %dma_start3A_167 = tpu.memref_slice %arg3[%arg0, %add3A_161, %dma_start3A_166] : memref<2x163840x128xf32, #tpu.memory_space<hbm>> -> memref<1x128x128xf32, #tpu.memory_space<hbm>>
        %dma_start3A_168 = tpu.memref_squeeze %dma_start3A_167 : memref<1x128x128xf32, #tpu.memory_space<hbm>> -> memref<128x128xf32, #tpu.memory_space<hbm>>
        %dma_start3A_169 = arith.constant 0 : i32
        %dma_start3A_170 = arith.constant 0 : i32
        %dma_start3A_171 = tpu.memref_slice %arg7[%scan3A_20, %dma_start3A_169, %dma_start3A_170] : memref<2x128x128xf32, #tpu.memory_space<vmem>> -> memref<1x128x128xf32, #tpu.memory_space<vmem>>
        %dma_start3A_172 = tpu.memref_squeeze %dma_start3A_171 : memref<1x128x128xf32, #tpu.memory_space<vmem>> -> memref<128x128xf32, #tpu.memory_space<vmem>>
        %dma_start3A_173 = arith.constant 0 : i32
        %dma_start3A_174 = tpu.memref_slice %arg3[%arg0, %add3A_161, %dma_start3A_173] : memref<2x163840x128xf32, #tpu.memory_space<hbm>> -> memref<1x128x128xf32, #tpu.memory_space<hbm>>
        %dma_start3A_175 = tpu.memref_squeeze %dma_start3A_174 : memref<1x128x128xf32, #tpu.memory_space<hbm>> -> memref<128x128xf32, #tpu.memory_space<hbm>>
        tpu.enqueue_dma source(%dma_start3A_175 : memref<128x128xf32, #tpu.memory_space<hbm>>) target(%dma_start3A_172 : memref<128x128xf32, #tpu.memory_space<vmem>>) target_semaphore(%arg9 : memref<!tpu.dma_semaphore, #tpu.memory_space<semaphore_mem>>)
      } else {
      }
    }
    %scan3A_26 = arith.constant 40 : i32
    %dma_wait3A = arith.constant 0 : i32
    %dma_wait3A_27 = arith.constant 0 : i32
    %dma_wait3A_28 = arith.constant 0 : i32
    %dma_wait3A_29 = tpu.memref_slice %arg7[%dma_wait3A, %dma_wait3A_27, %dma_wait3A_28] : memref<2x128x128xf32, #tpu.memory_space<vmem>> -> memref<1x128x128xf32, #tpu.memory_space<vmem>>
    %dma_wait3A_30 = tpu.memref_squeeze %dma_wait3A_29 : memref<1x128x128xf32, #tpu.memory_space<vmem>> -> memref<128x128xf32, #tpu.memory_space<vmem>>
    %dma_wait3A_31 = arith.constant 0 : i32
    %dma_wait3A_32 = arith.constant 0 : i32
    %dma_wait3A_33 = tpu.memref_slice %arg8[%dma_wait3A_31, %dma_wait3A_32] : memref<10112x128xf32, #tpu.memory_space<vmem_shared>> -> memref<128x128xf32, #tpu.memory_space<vmem_shared>>
    %dma_wait3A_34 = arith.constant 0 : i32
    %dma_wait3A_35 = arith.constant 0 : i32
    %dma_wait3A_36 = tpu.memref_slice %arg8[%dma_wait3A_34, %dma_wait3A_35] : memref<10112x128xf32, #tpu.memory_space<vmem_shared>> -> memref<128x128xf32, #tpu.memory_space<vmem_shared>>
    %dma_wait3A_37 = arith.constant 0 : i32
    %dma_wait3A_38 = arith.constant 0 : i32
    %dma_wait3A_39 = tpu.memref_slice %arg7[%dma_wait3A, %dma_wait3A_37, %dma_wait3A_38] : memref<2x128x128xf32, #tpu.memory_space<vmem>> -> memref<1x128x128xf32, #tpu.memory_space<vmem>>
    %dma_wait3A_40 = tpu.memref_squeeze %dma_wait3A_39 : memref<1x128x128xf32, #tpu.memory_space<vmem>> -> memref<128x128xf32, #tpu.memory_space<vmem>>
    tpu.wait_dma2 semaphore(%arg11 : memref<!tpu.dma_semaphore, #tpu.memory_space<semaphore_mem>>) src(%dma_wait3A_40 : memref<128x128xf32, #tpu.memory_space<vmem>>) dst(%dma_wait3A_36 : memref<128x128xf32, #tpu.memory_space<vmem_shared>>)
    %dma_wait3A_41 = arith.constant 1 : i32
    %dma_wait3A_42 = arith.constant 0 : i32
    %dma_wait3A_43 = arith.constant 0 : i32
    %dma_wait3A_44 = tpu.memref_slice %arg7[%dma_wait3A_41, %dma_wait3A_42, %dma_wait3A_43] : memref<2x128x128xf32, #tpu.memory_space<vmem>> -> memref<1x128x128xf32, #tpu.memory_space<vmem>>
    %dma_wait3A_45 = tpu.memref_squeeze %dma_wait3A_44 : memref<1x128x128xf32, #tpu.memory_space<vmem>> -> memref<128x128xf32, #tpu.memory_space<vmem>>
    %dma_wait3A_46 = arith.constant 0 : i32
    %dma_wait3A_47 = arith.constant 0 : i32
    %dma_wait3A_48 = tpu.memref_slice %arg8[%dma_wait3A_46, %dma_wait3A_47] : memref<10112x128xf32, #tpu.memory_space<vmem_shared>> -> memref<128x128xf32, #tpu.memory_space<vmem_shared>>
    %dma_wait3A_49 = arith.constant 0 : i32
    %dma_wait3A_50 = arith.constant 0 : i32
    %dma_wait3A_51 = tpu.memref_slice %arg8[%dma_wait3A_49, %dma_wait3A_50] : memref<10112x128xf32, #tpu.memory_space<vmem_shared>> -> memref<128x128xf32, #tpu.memory_space<vmem_shared>>
    %dma_wait3A_52 = arith.constant 0 : i32
    %dma_wait3A_53 = arith.constant 0 : i32
    %dma_wait3A_54 = tpu.memref_slice %arg7[%dma_wait3A_41, %dma_wait3A_52, %dma_wait3A_53] : memref<2x128x128xf32, #tpu.memory_space<vmem>> -> memref<1x128x128xf32, #tpu.memory_space<vmem>>
    %dma_wait3A_55 = tpu.memref_squeeze %dma_wait3A_54 : memref<1x128x128xf32, #tpu.memory_space<vmem>> -> memref<128x128xf32, #tpu.memory_space<vmem>>
    tpu.wait_dma2 semaphore(%arg12 : memref<!tpu.dma_semaphore, #tpu.memory_space<semaphore_mem>>) src(%dma_wait3A_55 : memref<128x128xf32, #tpu.memory_space<vmem>>) dst(%dma_wait3A_51 : memref<128x128xf32, #tpu.memory_space<vmem_shared>>)
    %barrier3A_56 = arith.constant 0 : index
    tpu.barrier barrier_id(%barrier3A_56)
    %mul3A_57 = arith.constant 632 : i32
    %mul3A_58 = arith.muli %arg1, %mul3A_57 : i32
    %mul3A_59 = arith.constant 632 : i32
    %mul3A_60 = arith.muli %arg1, %mul3A_59 : i32
    "tpu.region"() ({
      %run_scoped3A = tpu.sem_alloc : memref<!tpu.dma_semaphore, #tpu.memory_space<semaphore_mem>>
      %dma_start3A_61 = arith.constant 0 : i32
      %dma_start3A_62 = tpu.memref_slice %arg5[%arg0, %mul3A_60, %dma_start3A_61] : memref<2x10240x128xf32, #tpu.memory_space<hbm>> -> memref<1x632x128xf32, #tpu.memory_space<hbm>>
      %dma_start3A_63 = tpu.memref_squeeze %dma_start3A_62 : memref<1x632x128xf32, #tpu.memory_space<hbm>> -> memref<632x128xf32, #tpu.memory_space<hbm>>
      %dma_start3A_64 = arith.constant 0 : i32
      %dma_start3A_65 = tpu.memref_slice %arg8[%mul3A_58, %dma_start3A_64] : memref<10112x128xf32, #tpu.memory_space<vmem_shared>> -> memref<632x128xf32, #tpu.memory_space<vmem_shared>>
      tpu.enqueue_dma source(%dma_start3A_65 : memref<632x128xf32, #tpu.memory_space<vmem_shared>>) target(%dma_start3A_63 : memref<632x128xf32, #tpu.memory_space<hbm>>) target_semaphore(%run_scoped3A : memref<!tpu.dma_semaphore, #tpu.memory_space<semaphore_mem>>)
      %dma_wait3A_66 = arith.constant 0 : i32
      %dma_wait3A_67 = tpu.memref_slice %arg5[%arg0, %mul3A_60, %dma_wait3A_66] : memref<2x10240x128xf32, #tpu.memory_space<hbm>> -> memref<1x632x128xf32, #tpu.memory_space<hbm>>
      %dma_wait3A_68 = tpu.memref_squeeze %dma_wait3A_67 : memref<1x632x128xf32, #tpu.memory_space<hbm>> -> memref<632x128xf32, #tpu.memory_space<hbm>>
      %dma_wait3A_69 = arith.constant 0 : i32
      %dma_wait3A_70 = tpu.memref_slice %arg8[%mul3A_58, %dma_wait3A_69] : memref<10112x128xf32, #tpu.memory_space<vmem_shared>> -> memref<632x128xf32, #tpu.memory_space<vmem_shared>>
      tpu.wait_dma2 semaphore(%run_scoped3A : memref<!tpu.dma_semaphore, #tpu.memory_space<semaphore_mem>>) src(%dma_wait3A_70 : memref<632x128xf32, #tpu.memory_space<vmem_shared>>) dst(%dma_wait3A_68 : memref<632x128xf32, #tpu.memory_space<hbm>>)
      tpu.yield
    }) : () -> ()
    return
  }
}

#map = affine_map<(d0, d1) -> (0)>
#map1 = affine_map<(d0, d1) -> (0, 0)>
#map2 = affine_map<(d0, d1) -> (0, 0, 0)>
module attributes {stable_mosaic.version = 14 : i64} {
  func.func @_p1_attr_sums(%arg0: i32, %arg1: i32, %arg2: memref<163840xi32, #tpu.memory_space<hbm>>, %arg3: memref<163840x16xf32, #tpu.memory_space<hbm>>, %arg4: memref<10240x128xf32, #tpu.memory_space<hbm>>, %arg5: memref<2x10240x32xf32, #tpu.memory_space<hbm>>, %arg6: memref<2x64xi32, #tpu.memory_space<vmem>>, %arg7: memref<2x64x16xf32, #tpu.memory_space<vmem>>, %arg8: memref<64x128xf32, #tpu.memory_space<vmem>>, %arg9: memref<32x128xf32, #tpu.memory_space<vmem>>, %arg10: memref<32x32xf32, #tpu.memory_space<vmem>>, %arg11: memref<10240x128xf32, #tpu.memory_space<vmem_shared>>, %arg12: memref<!tpu.dma_semaphore, #tpu.memory_space<semaphore_mem>>, %arg13: memref<!tpu.dma_semaphore, #tpu.memory_space<semaphore_mem>>) attributes {dimension_semantics = [#tpu.dimension_semantics<core_parallel>, #tpu.dimension_semantics<subcore_parallel>], iteration_bounds = array<i64: 2, 16>, scalar_prefetch = 0 : i64, scratch_operands = 8 : i64, tpu.core_type = #tpu.core_type<sc_vector_subcore>, window_params = [{transform_indices = #map}, {transform_indices = #map1}, {transform_indices = #map1}, {transform_indices = #map2}]} {
    %mul3A = arith.constant 2 : i32
    %mul3A_0 = arith.muli %arg1, %mul3A : i32
    %add3A = arith.addi %mul3A_0, %arg0 : i32
    %mul3A_1 = arith.constant 640 : i32
    %mul3A_2 = arith.muli %arg1, %mul3A_1 : i32
    %mul3A_3 = arith.constant 640 : i32
    %mul3A_4 = arith.muli %arg1, %mul3A_3 : i32
    "tpu.region"() ({
      %run_scoped3A = tpu.sem_alloc : memref<!tpu.dma_semaphore, #tpu.memory_space<semaphore_mem>>
      %dma_start3A_54 = arith.constant 0 : i32
      %dma_start3A_55 = tpu.memref_slice %arg11[%mul3A_4, %dma_start3A_54] : memref<10240x128xf32, #tpu.memory_space<vmem_shared>> -> memref<640x128xf32, #tpu.memory_space<vmem_shared>>
      %dma_start3A_56 = arith.constant 0 : i32
      %dma_start3A_57 = tpu.memref_slice %arg4[%mul3A_2, %dma_start3A_56] : memref<10240x128xf32, #tpu.memory_space<hbm>> -> memref<640x128xf32, #tpu.memory_space<hbm>>
      tpu.enqueue_dma source(%dma_start3A_57 : memref<640x128xf32, #tpu.memory_space<hbm>>) target(%dma_start3A_55 : memref<640x128xf32, #tpu.memory_space<vmem_shared>>) target_semaphore(%run_scoped3A : memref<!tpu.dma_semaphore, #tpu.memory_space<semaphore_mem>>)
      %dma_wait3A = arith.constant 0 : i32
      %dma_wait3A_58 = tpu.memref_slice %arg11[%mul3A_4, %dma_wait3A] : memref<10240x128xf32, #tpu.memory_space<vmem_shared>> -> memref<640x128xf32, #tpu.memory_space<vmem_shared>>
      %dma_wait3A_59 = arith.constant 0 : i32
      %dma_wait3A_60 = tpu.memref_slice %arg4[%mul3A_2, %dma_wait3A_59] : memref<10240x128xf32, #tpu.memory_space<hbm>> -> memref<640x128xf32, #tpu.memory_space<hbm>>
      tpu.wait_dma2 semaphore(%run_scoped3A : memref<!tpu.dma_semaphore, #tpu.memory_space<semaphore_mem>>) src(%dma_wait3A_60 : memref<640x128xf32, #tpu.memory_space<hbm>>) dst(%dma_wait3A_58 : memref<640x128xf32, #tpu.memory_space<vmem_shared>>)
      tpu.yield
    }) : () -> ()
    %broadcast_in_dim3A = arith.constant 0.000000e+00 : f32
    %broadcast_in_dim3A_5 = vector.broadcast %broadcast_in_dim3A : f32 to vector<16xf32>
    %iota3A = tpu.iota {dimensions = array<i32: 0>} : vector<16xi32>
    %eq3A = arith.constant 0 : i32
    %eq3A_6 = vector.broadcast %eq3A : i32 to vector<16xi32>
    %eq3A_7 = arith.cmpi eq, %iota3A, %eq3A_6 : vector<16xi32>
    %jit3A = arith.constant 1.000000e+00 : f32
    %jit3A_8 = arith.constant 0.000000e+00 : f32
    %broadcast_in_dim3A_9 = vector.broadcast %jit3A : f32 to vector<16xf32>
    %broadcast_in_dim3A_10 = vector.broadcast %jit3A_8 : f32 to vector<16xf32>
    %select_n3A = arith.select %eq3A_7, %broadcast_in_dim3A_9, %broadcast_in_dim3A_10 : vector<16xi1>, vector<16xf32>
    %scan3A = arith.constant 0 : i32
    %scan3A_11 = arith.constant 0 : i32
    %scan3A_12 = arith.constant 64 : i32
    %scan3A_13 = arith.addi %scan3A_11, %scan3A_12 : i32
    %scan3A_14 = arith.constant 1 : i32
    scf.for %scan3A_54 = %scan3A_11 to %scan3A_13 step %scan3A_14  : i32 {
      %swap3A = arith.index_cast %scan3A_54 : i32 to index
      %swap3A_55 = arith.constant 0 : index
      %swap3A_56 = tpu.vector_load %arg8[%swap3A, %swap3A_55] {strides = array<i32>} : memref<64x128xf32, #tpu.memory_space<vmem>>, vector<1x16xf32>,
      %swap3A_57 = vector.shape_cast %swap3A_56 : vector<1x16xf32> to vector<16xf32>
      %swap3A_58 = vector.shape_cast %broadcast_in_dim3A_5 : vector<16xf32> to vector<1x16xf32>
      tpu.vector_store %arg8[%swap3A, %swap3A_55], %swap3A_58 {strides = array<i32>} : memref<64x128xf32, #tpu.memory_space<vmem>>, vector<1x16xf32>,
      %swap3A_59 = arith.index_cast %scan3A_54 : i32 to index
      %swap3A_60 = arith.constant 16 : index
      %swap3A_61 = tpu.vector_load %arg8[%swap3A_59, %swap3A_60] {strides = array<i32>} : memref<64x128xf32, #tpu.memory_space<vmem>>, vector<1x16xf32>,
      %swap3A_62 = vector.shape_cast %swap3A_61 : vector<1x16xf32> to vector<16xf32>
      %swap3A_63 = vector.shape_cast %broadcast_in_dim3A_5 : vector<16xf32> to vector<1x16xf32>
      tpu.vector_store %arg8[%swap3A_59, %swap3A_60], %swap3A_63 {strides = array<i32>} : memref<64x128xf32, #tpu.memory_space<vmem>>, vector<1x16xf32>,
      %swap3A_64 = arith.index_cast %scan3A_54 : i32 to index
      %swap3A_65 = arith.constant 32 : index
      %swap3A_66 = tpu.vector_load %arg8[%swap3A_64, %swap3A_65] {strides = array<i32>} : memref<64x128xf32, #tpu.memory_space<vmem>>, vector<1x16xf32>,
      %swap3A_67 = vector.shape_cast %swap3A_66 : vector<1x16xf32> to vector<16xf32>
      %swap3A_68 = vector.shape_cast %broadcast_in_dim3A_5 : vector<16xf32> to vector<1x16xf32>
      tpu.vector_store %arg8[%swap3A_64, %swap3A_65], %swap3A_68 {strides = array<i32>} : memref<64x128xf32, #tpu.memory_space<vmem>>, vector<1x16xf32>,
      %swap3A_69 = arith.index_cast %scan3A_54 : i32 to index
      %swap3A_70 = arith.constant 48 : index
      %swap3A_71 = tpu.vector_load %arg8[%swap3A_69, %swap3A_70] {strides = array<i32>} : memref<64x128xf32, #tpu.memory_space<vmem>>, vector<1x16xf32>,
      %swap3A_72 = vector.shape_cast %swap3A_71 : vector<1x16xf32> to vector<16xf32>
      %swap3A_73 = vector.shape_cast %broadcast_in_dim3A_5 : vector<16xf32> to vector<1x16xf32>
      tpu.vector_store %arg8[%swap3A_69, %swap3A_70], %swap3A_73 {strides = array<i32>} : memref<64x128xf32, #tpu.memory_space<vmem>>, vector<1x16xf32>,
      %swap3A_74 = arith.index_cast %scan3A_54 : i32 to index
      %swap3A_75 = arith.constant 64 : index
      %swap3A_76 = tpu.vector_load %arg8[%swap3A_74, %swap3A_75] {strides = array<i32>} : memref<64x128xf32, #tpu.memory_space<vmem>>, vector<1x16xf32>,
      %swap3A_77 = vector.shape_cast %swap3A_76 : vector<1x16xf32> to vector<16xf32>
      %swap3A_78 = vector.shape_cast %broadcast_in_dim3A_5 : vector<16xf32> to vector<1x16xf32>
      tpu.vector_store %arg8[%swap3A_74, %swap3A_75], %swap3A_78 {strides = array<i32>} : memref<64x128xf32, #tpu.memory_space<vmem>>, vector<1x16xf32>,
      %swap3A_79 = arith.index_cast %scan3A_54 : i32 to index
      %swap3A_80 = arith.constant 80 : index
      %swap3A_81 = tpu.vector_load %arg8[%swap3A_79, %swap3A_80] {strides = array<i32>} : memref<64x128xf32, #tpu.memory_space<vmem>>, vector<1x16xf32>,
      %swap3A_82 = vector.shape_cast %swap3A_81 : vector<1x16xf32> to vector<16xf32>
      %swap3A_83 = vector.shape_cast %broadcast_in_dim3A_5 : vector<16xf32> to vector<1x16xf32>
      tpu.vector_store %arg8[%swap3A_79, %swap3A_80], %swap3A_83 {strides = array<i32>} : memref<64x128xf32, #tpu.memory_space<vmem>>, vector<1x16xf32>,
      %swap3A_84 = arith.index_cast %scan3A_54 : i32 to index
      %swap3A_85 = arith.constant 96 : index
      %swap3A_86 = tpu.vector_load %arg8[%swap3A_84, %swap3A_85] {strides = array<i32>} : memref<64x128xf32, #tpu.memory_space<vmem>>, vector<1x16xf32>,
      %swap3A_87 = vector.shape_cast %swap3A_86 : vector<1x16xf32> to vector<16xf32>
      %swap3A_88 = vector.shape_cast %broadcast_in_dim3A_5 : vector<16xf32> to vector<1x16xf32>
      tpu.vector_store %arg8[%swap3A_84, %swap3A_85], %swap3A_88 {strides = array<i32>} : memref<64x128xf32, #tpu.memory_space<vmem>>, vector<1x16xf32>,
      %swap3A_89 = arith.index_cast %scan3A_54 : i32 to index
      %swap3A_90 = arith.constant 112 : index
      %swap3A_91 = tpu.vector_load %arg8[%swap3A_89, %swap3A_90] {strides = array<i32>} : memref<64x128xf32, #tpu.memory_space<vmem>>, vector<1x16xf32>,
      %swap3A_92 = vector.shape_cast %swap3A_91 : vector<1x16xf32> to vector<16xf32>
      %swap3A_93 = vector.shape_cast %broadcast_in_dim3A_5 : vector<16xf32> to vector<1x16xf32>
      tpu.vector_store %arg8[%swap3A_89, %swap3A_90], %swap3A_93 {strides = array<i32>} : memref<64x128xf32, #tpu.memory_space<vmem>>, vector<1x16xf32>,
    }
    %scan3A_15 = arith.constant 64 : i32
    %barrier3A = arith.constant 0 : index
    tpu.barrier barrier_id(%barrier3A)
    %mul3A_16 = arith.constant 5120 : i32
    %mul3A_17 = arith.muli %add3A, %mul3A_16 : i32
    %add3A_18 = arith.constant 0 : i32
    %add3A_19 = arith.addi %mul3A_17, %add3A_18 : i32
    %dma_start3A = arith.constant 0 : i32
    %dma_start3A_20 = arith.constant 0 : i32
    %dma_start3A_21 = tpu.memref_slice %arg6[%dma_start3A, %dma_start3A_20] : memref<2x64xi32, #tpu.memory_space<vmem>> -> memref<1x64xi32, #tpu.memory_space<vmem>>
    %dma_start3A_22 = tpu.memref_squeeze %dma_start3A_21 : memref<1x64xi32, #tpu.memory_space<vmem>> -> memref<64xi32, #tpu.memory_space<vmem>>
    %dma_start3A_23 = tpu.memref_slice %arg2[%add3A_19] : memref<163840xi32, #tpu.memory_space<hbm>> -> memref<64xi32, #tpu.memory_space<hbm>>
    %dma_start3A_24 = arith.constant 0 : i32
    %dma_start3A_25 = tpu.memref_slice %arg6[%dma_start3A, %dma_start3A_24] : memref<2x64xi32, #tpu.memory_space<vmem>> -> memref<1x64xi32, #tpu.memory_space<vmem>>
    %dma_start3A_26 = tpu.memref_squeeze %dma_start3A_25 : memref<1x64xi32, #tpu.memory_space<vmem>> -> memref<64xi32, #tpu.memory_space<vmem>>
    %dma_start3A_27 = tpu.memref_slice %arg2[%add3A_19] : memref<163840xi32, #tpu.memory_space<hbm>> -> memref<64xi32, #tpu.memory_space<hbm>>
    tpu.enqueue_dma source(%dma_start3A_27 : memref<64xi32, #tpu.memory_space<hbm>>) target(%dma_start3A_26 : memref<64xi32, #tpu.memory_space<vmem>>) target_semaphore(%arg12 : memref<!tpu.dma_semaphore, #tpu.memory_space<semaphore_mem>>)
    %dma_start3A_28 = arith.constant 0 : i32
    %dma_start3A_29 = arith.constant 0 : i32
    %dma_start3A_30 = arith.constant 0 : i32
    %dma_start3A_31 = tpu.memref_slice %arg7[%dma_start3A_28, %dma_start3A_29, %dma_start3A_30] : memref<2x64x16xf32, #tpu.memory_space<vmem>> -> memref<1x64x16xf32, #tpu.memory_space<vmem>>
    %dma_start3A_32 = tpu.memref_squeeze %dma_start3A_31 : memref<1x64x16xf32, #tpu.memory_space<vmem>> -> memref<64x16xf32, #tpu.memory_space<vmem>>
    %dma_start3A_33 = arith.constant 0 : i32
    %dma_start3A_34 = tpu.memref_slice %arg3[%add3A_19, %dma_start3A_33] : memref<163840x16xf32, #tpu.memory_space<hbm>> -> memref<64x16xf32, #tpu.memory_space<hbm>>
    %dma_start3A_35 = arith.constant 0 : i32
    %dma_start3A_36 = arith.constant 0 : i32
    %dma_start3A_37 = tpu.memref_slice %arg7[%dma_start3A_28, %dma_start3A_35, %dma_start3A_36] : memref<2x64x16xf32, #tpu.memory_space<vmem>> -> memref<1x64x16xf32, #tpu.memory_space<vmem>>
    %dma_start3A_38 = tpu.memref_squeeze %dma_start3A_37 : memref<1x64x16xf32, #tpu.memory_space<vmem>> -> memref<64x16xf32, #tpu.memory_space<vmem>>
    %dma_start3A_39 = arith.constant 0 : i32
    %dma_start3A_40 = tpu.memref_slice %arg3[%add3A_19, %dma_start3A_39] : memref<163840x16xf32, #tpu.memory_space<hbm>> -> memref<64x16xf32, #tpu.memory_space<hbm>>
    tpu.enqueue_dma source(%dma_start3A_40 : memref<64x16xf32, #tpu.memory_space<hbm>>) target(%dma_start3A_38 : memref<64x16xf32, #tpu.memory_space<vmem>>) target_semaphore(%arg12 : memref<!tpu.dma_semaphore, #tpu.memory_space<semaphore_mem>>)
    %scan3A_41 = arith.constant 0 : i32
    %scan3A_42 = arith.constant 0 : i32
    %scan3A_43 = arith.constant 40 : i32
    %scan3A_44 = arith.addi %scan3A_42, %scan3A_43 : i32
    %scan3A_45 = arith.constant 1 : i32
    scf.for %scan3A_54 = %scan3A_42 to %scan3A_44 step %scan3A_45  : i32 {
      %mul3A_55 = arith.constant 2 : i32
      %mul3A_56 = arith.muli %mul3A_55, %scan3A_54 : i32
      %dma_wait3A = arith.constant 0 : i32
      %dma_wait3A_57 = arith.constant 0 : i32
      %dma_wait3A_58 = tpu.memref_slice %arg6[%dma_wait3A, %dma_wait3A_57] : memref<2x64xi32, #tpu.memory_space<vmem>> -> memref<1x64xi32, #tpu.memory_space<vmem>>
      %dma_wait3A_59 = tpu.memref_squeeze %dma_wait3A_58 : memref<1x64xi32, #tpu.memory_space<vmem>> -> memref<64xi32, #tpu.memory_space<vmem>>
      %dma_wait3A_60 = arith.constant 0 : i32
      %dma_wait3A_61 = tpu.memref_slice %arg2[%dma_wait3A_60] : memref<163840xi32, #tpu.memory_space<hbm>> -> memref<64xi32, #tpu.memory_space<hbm>>
      %dma_wait3A_62 = arith.constant 0 : i32
      %dma_wait3A_63 = tpu.memref_slice %arg6[%dma_wait3A, %dma_wait3A_62] : memref<2x64xi32, #tpu.memory_space<vmem>> -> memref<1x64xi32, #tpu.memory_space<vmem>>
      %dma_wait3A_64 = tpu.memref_squeeze %dma_wait3A_63 : memref<1x64xi32, #tpu.memory_space<vmem>> -> memref<64xi32, #tpu.memory_space<vmem>>
      %dma_wait3A_65 = arith.constant 0 : i32
      %dma_wait3A_66 = tpu.memref_slice %arg2[%dma_wait3A_65] : memref<163840xi32, #tpu.memory_space<hbm>> -> memref<64xi32, #tpu.memory_space<hbm>>
      tpu.wait_dma2 semaphore(%arg12 : memref<!tpu.dma_semaphore, #tpu.memory_space<semaphore_mem>>) src(%dma_wait3A_66 : memref<64xi32, #tpu.memory_space<hbm>>) dst(%dma_wait3A_64 : memref<64xi32, #tpu.memory_space<vmem>>)
      %dma_wait3A_67 = arith.constant 0 : i32
      %dma_wait3A_68 = arith.constant 0 : i32
      %dma_wait3A_69 = arith.constant 0 : i32
      %dma_wait3A_70 = tpu.memref_slice %arg7[%dma_wait3A_67, %dma_wait3A_68, %dma_wait3A_69] : memref<2x64x16xf32, #tpu.memory_space<vmem>> -> memref<1x64x16xf32, #tpu.memory_space<vmem>>
      %dma_wait3A_71 = tpu.memref_squeeze %dma_wait3A_70 : memref<1x64x16xf32, #tpu.memory_space<vmem>> -> memref<64x16xf32, #tpu.memory_space<vmem>>
      %dma_wait3A_72 = arith.constant 0 : i32
      %dma_wait3A_73 = arith.constant 0 : i32
      %dma_wait3A_74 = tpu.memref_slice %arg3[%dma_wait3A_72, %dma_wait3A_73] : memref<163840x16xf32, #tpu.memory_space<hbm>> -> memref<64x16xf32, #tpu.memory_space<hbm>>
      %dma_wait3A_75 = arith.constant 0 : i32
      %dma_wait3A_76 = arith.constant 0 : i32
      %dma_wait3A_77 = tpu.memref_slice %arg7[%dma_wait3A_67, %dma_wait3A_75, %dma_wait3A_76] : memref<2x64x16xf32, #tpu.memory_space<vmem>> -> memref<1x64x16xf32, #tpu.memory_space<vmem>>
      %dma_wait3A_78 = tpu.memref_squeeze %dma_wait3A_77 : memref<1x64x16xf32, #tpu.memory_space<vmem>> -> memref<64x16xf32, #tpu.memory_space<vmem>>
      %dma_wait3A_79 = arith.constant 0 : i32
      %dma_wait3A_80 = arith.constant 0 : i32
      %dma_wait3A_81 = tpu.memref_slice %arg3[%dma_wait3A_79, %dma_wait3A_80] : memref<163840x16xf32, #tpu.memory_space<hbm>> -> memref<64x16xf32, #tpu.memory_space<hbm>>
      tpu.wait_dma2 semaphore(%arg12 : memref<!tpu.dma_semaphore, #tpu.memory_space<semaphore_mem>>) src(%dma_wait3A_81 : memref<64x16xf32, #tpu.memory_space<hbm>>) dst(%dma_wait3A_78 : memref<64x16xf32, #tpu.memory_space<vmem>>)
      %add3A_82 = arith.constant 1 : i32
      %add3A_83 = arith.addi %mul3A_56, %add3A_82 : i32
      %mul3A_84 = arith.constant 5120 : i32
      %mul3A_85 = arith.muli %add3A, %mul3A_84 : i32
      %mul3A_86 = arith.constant 64 : i32
      %mul3A_87 = arith.muli %add3A_83, %mul3A_86 : i32
      %add3A_88 = arith.addi %mul3A_85, %mul3A_87 : i32
      %dma_start3A_89 = arith.constant 1 : i32
      %dma_start3A_90 = arith.constant 0 : i32
      %dma_start3A_91 = tpu.memref_slice %arg6[%dma_start3A_89, %dma_start3A_90] : memref<2x64xi32, #tpu.memory_space<vmem>> -> memref<1x64xi32, #tpu.memory_space<vmem>>
      %dma_start3A_92 = tpu.memref_squeeze %dma_start3A_91 : memref<1x64xi32, #tpu.memory_space<vmem>> -> memref<64xi32, #tpu.memory_space<vmem>>
      %dma_start3A_93 = tpu.memref_slice %arg2[%add3A_88] : memref<163840xi32, #tpu.memory_space<hbm>> -> memref<64xi32, #tpu.memory_space<hbm>>
      %dma_start3A_94 = arith.constant 0 : i32
      %dma_start3A_95 = tpu.memref_slice %arg6[%dma_start3A_89, %dma_start3A_94] : memref<2x64xi32, #tpu.memory_space<vmem>> -> memref<1x64xi32, #tpu.memory_space<vmem>>
      %dma_start3A_96 = tpu.memref_squeeze %dma_start3A_95 : memref<1x64xi32, #tpu.memory_space<vmem>> -> memref<64xi32, #tpu.memory_space<vmem>>
      %dma_start3A_97 = tpu.memref_slice %arg2[%add3A_88] : memref<163840xi32, #tpu.memory_space<hbm>> -> memref<64xi32, #tpu.memory_space<hbm>>
      tpu.enqueue_dma source(%dma_start3A_97 : memref<64xi32, #tpu.memory_space<hbm>>) target(%dma_start3A_96 : memref<64xi32, #tpu.memory_space<vmem>>) target_semaphore(%arg13 : memref<!tpu.dma_semaphore, #tpu.memory_space<semaphore_mem>>)
      %dma_start3A_98 = arith.constant 1 : i32
      %dma_start3A_99 = arith.constant 0 : i32
      %dma_start3A_100 = arith.constant 0 : i32
      %dma_start3A_101 = tpu.memref_slice %arg7[%dma_start3A_98, %dma_start3A_99, %dma_start3A_100] : memref<2x64x16xf32, #tpu.memory_space<vmem>> -> memref<1x64x16xf32, #tpu.memory_space<vmem>>
      %dma_start3A_102 = tpu.memref_squeeze %dma_start3A_101 : memref<1x64x16xf32, #tpu.memory_space<vmem>> -> memref<64x16xf32, #tpu.memory_space<vmem>>
      %dma_start3A_103 = arith.constant 0 : i32
      %dma_start3A_104 = tpu.memref_slice %arg3[%add3A_88, %dma_start3A_103] : memref<163840x16xf32, #tpu.memory_space<hbm>> -> memref<64x16xf32, #tpu.memory_space<hbm>>
      %dma_start3A_105 = arith.constant 0 : i32
      %dma_start3A_106 = arith.constant 0 : i32
      %dma_start3A_107 = tpu.memref_slice %arg7[%dma_start3A_98, %dma_start3A_105, %dma_start3A_106] : memref<2x64x16xf32, #tpu.memory_space<vmem>> -> memref<1x64x16xf32, #tpu.memory_space<vmem>>
      %dma_start3A_108 = tpu.memref_squeeze %dma_start3A_107 : memref<1x64x16xf32, #tpu.memory_space<vmem>> -> memref<64x16xf32, #tpu.memory_space<vmem>>
      %dma_start3A_109 = arith.constant 0 : i32
      %dma_start3A_110 = tpu.memref_slice %arg3[%add3A_88, %dma_start3A_109] : memref<163840x16xf32, #tpu.memory_space<hbm>> -> memref<64x16xf32, #tpu.memory_space<hbm>>
      tpu.enqueue_dma source(%dma_start3A_110 : memref<64x16xf32, #tpu.memory_space<hbm>>) target(%dma_start3A_108 : memref<64x16xf32, #tpu.memory_space<vmem>>) target_semaphore(%arg13 : memref<!tpu.dma_semaphore, #tpu.memory_space<semaphore_mem>>)
      %scan3A_111 = arith.constant 0 : i32
      %scan3A_112 = arith.constant 0 : i32
      %scan3A_113 = arith.constant 64 : i32
      %scan3A_114 = arith.addi %scan3A_112, %scan3A_113 : i32
      %scan3A_115 = arith.constant 1 : i32
      scf.for %scan3A_152 = %scan3A_112 to %scan3A_114 step %scan3A_115  : i32 {
        %get3A = arith.constant 0 : i32
        %get3A_153 = arith.index_cast %get3A : i32 to index
        %get3A_154 = arith.index_cast %scan3A_152 : i32 to index
        %get3A_155 = arith.constant 0 : index
        %get3A_156 = tpu.vector_load %arg7[%get3A_153, %get3A_154, %get3A_155] {strides = array<i32>} : memref<2x64x16xf32, #tpu.memory_space<vmem>>, vector<1x1x16xf32>,
        %get3A_157 = vector.shape_cast %get3A_156 : vector<1x1x16xf32> to vector<16xf32>
        %swap3A = arith.index_cast %scan3A_152 : i32 to index
        %swap3A_158 = arith.constant 0 : index
        %swap3A_159 = tpu.vector_load %arg8[%swap3A, %swap3A_158] {strides = array<i32>} : memref<64x128xf32, #tpu.memory_space<vmem>>, vector<1x16xf32>,
        %swap3A_160 = vector.shape_cast %swap3A_159 : vector<1x16xf32> to vector<16xf32>
        %swap3A_161 = vector.shape_cast %get3A_157 : vector<16xf32> to vector<1x16xf32>
        tpu.vector_store %arg8[%swap3A, %swap3A_158], %swap3A_161 {strides = array<i32>} : memref<64x128xf32, #tpu.memory_space<vmem>>, vector<1x16xf32>,
        %swap3A_162 = arith.index_cast %scan3A_152 : i32 to index
        %swap3A_163 = arith.constant 16 : index
        %swap3A_164 = tpu.vector_load %arg8[%swap3A_162, %swap3A_163] {strides = array<i32>} : memref<64x128xf32, #tpu.memory_space<vmem>>, vector<1x16xf32>,
        %swap3A_165 = vector.shape_cast %swap3A_164 : vector<1x16xf32> to vector<16xf32>
        %swap3A_166 = vector.shape_cast %select_n3A : vector<16xf32> to vector<1x16xf32>
        tpu.vector_store %arg8[%swap3A_162, %swap3A_163], %swap3A_166 {strides = array<i32>} : memref<64x128xf32, #tpu.memory_space<vmem>>, vector<1x16xf32>,
      }
      %scan3A_116 = arith.constant 64 : i32
      %run_scoped3A = arith.constant 0 : i32
      "tpu.region"() ({
        %run_scoped3A_152 = tpu.sem_alloc : memref<!tpu.dma_semaphore, #tpu.memory_space<semaphore_mem>>
        %dma_start3A_153 = arith.constant 0 : i32
        %dma_start3A_154 = tpu.memref_slice %arg6[%run_scoped3A, %dma_start3A_153] : memref<2x64xi32, #tpu.memory_space<vmem>> -> memref<1x64xi32, #tpu.memory_space<vmem>>
        %dma_start3A_155 = tpu.memref_squeeze %dma_start3A_154 : memref<1x64xi32, #tpu.memory_space<vmem>> -> memref<64xi32, #tpu.memory_space<vmem>>
        %dma_start3A_156 = arith.constant 0 : i32
        %dma_start3A_157 = arith.constant 0 : i32
        %dma_start3A_158 = tpu.memref_slice %arg11[%dma_start3A_156, %dma_start3A_157] : memref<10240x128xf32, #tpu.memory_space<vmem_shared>> -> memref<10240x128xf32, #tpu.memory_space<vmem_shared>>
        tpu.enqueue_indirect_dma source(%arg8 : memref<64x128xf32, #tpu.memory_space<vmem>>) target(%dma_start3A_158 : memref<10240x128xf32, #tpu.memory_space<vmem_shared>>) offsets(%dma_start3A_155 : memref<64xi32, #tpu.memory_space<vmem>>) semaphore(%run_scoped3A_152 : memref<!tpu.dma_semaphore, #tpu.memory_space<semaphore_mem>>) {add = true}
        %dma_wait3A_159 = arith.constant 0 : i32
        %dma_wait3A_160 = tpu.memref_slice %arg6[%run_scoped3A, %dma_wait3A_159] : memref<2x64xi32, #tpu.memory_space<vmem>> -> memref<1x64xi32, #tpu.memory_space<vmem>>
        %dma_wait3A_161 = tpu.memref_squeeze %dma_wait3A_160 : memref<1x64xi32, #tpu.memory_space<vmem>> -> memref<64xi32, #tpu.memory_space<vmem>>
        %dma_wait3A_162 = arith.constant 0 : i32
        %dma_wait3A_163 = arith.constant 0 : i32
        %dma_wait3A_164 = tpu.memref_slice %arg11[%dma_wait3A_162, %dma_wait3A_163] : memref<10240x128xf32, #tpu.memory_space<vmem_shared>> -> memref<10240x128xf32, #tpu.memory_space<vmem_shared>>
        tpu.wait_indirect_dma semaphore(%run_scoped3A_152 : memref<!tpu.dma_semaphore, #tpu.memory_space<semaphore_mem>>) src(%arg8 : memref<64x128xf32, #tpu.memory_space<vmem>>) dst(%dma_wait3A_164 : memref<10240x128xf32, #tpu.memory_space<vmem_shared>>)
        tpu.yield
      }) : () -> ()
      %dma_wait3A_117 = arith.constant 1 : i32
      %dma_wait3A_118 = arith.constant 0 : i32
      %dma_wait3A_119 = tpu.memref_slice %arg6[%dma_wait3A_117, %dma_wait3A_118] : memref<2x64xi32, #tpu.memory_space<vmem>> -> memref<1x64xi32, #tpu.memory_space<vmem>>
      %dma_wait3A_120 = tpu.memref_squeeze %dma_wait3A_119 : memref<1x64xi32, #tpu.memory_space<vmem>> -> memref<64xi32, #tpu.memory_space<vmem>>
      %dma_wait3A_121 = arith.constant 0 : i32
      %dma_wait3A_122 = tpu.memref_slice %arg2[%dma_wait3A_121] : memref<163840xi32, #tpu.memory_space<hbm>> -> memref<64xi32, #tpu.memory_space<hbm>>
      %dma_wait3A_123 = arith.constant 0 : i32
      %dma_wait3A_124 = tpu.memref_slice %arg6[%dma_wait3A_117, %dma_wait3A_123] : memref<2x64xi32, #tpu.memory_space<vmem>> -> memref<1x64xi32, #tpu.memory_space<vmem>>
      %dma_wait3A_125 = tpu.memref_squeeze %dma_wait3A_124 : memref<1x64xi32, #tpu.memory_space<vmem>> -> memref<64xi32, #tpu.memory_space<vmem>>
      %dma_wait3A_126 = arith.constant 0 : i32
      %dma_wait3A_127 = tpu.memref_slice %arg2[%dma_wait3A_126] : memref<163840xi32, #tpu.memory_space<hbm>> -> memref<64xi32, #tpu.memory_space<hbm>>
      tpu.wait_dma2 semaphore(%arg13 : memref<!tpu.dma_semaphore, #tpu.memory_space<semaphore_mem>>) src(%dma_wait3A_127 : memref<64xi32, #tpu.memory_space<hbm>>) dst(%dma_wait3A_125 : memref<64xi32, #tpu.memory_space<vmem>>)
      %dma_wait3A_128 = arith.constant 1 : i32
      %dma_wait3A_129 = arith.constant 0 : i32
      %dma_wait3A_130 = arith.constant 0 : i32
      %dma_wait3A_131 = tpu.memref_slice %arg7[%dma_wait3A_128, %dma_wait3A_129, %dma_wait3A_130] : memref<2x64x16xf32, #tpu.memory_space<vmem>> -> memref<1x64x16xf32, #tpu.memory_space<vmem>>
      %dma_wait3A_132 = tpu.memref_squeeze %dma_wait3A_131 : memref<1x64x16xf32, #tpu.memory_space<vmem>> -> memref<64x16xf32, #tpu.memory_space<vmem>>
      %dma_wait3A_133 = arith.constant 0 : i32
      %dma_wait3A_134 = arith.constant 0 : i32
      %dma_wait3A_135 = tpu.memref_slice %arg3[%dma_wait3A_133, %dma_wait3A_134] : memref<163840x16xf32, #tpu.memory_space<hbm>> -> memref<64x16xf32, #tpu.memory_space<hbm>>
      %dma_wait3A_136 = arith.constant 0 : i32
      %dma_wait3A_137 = arith.constant 0 : i32
      %dma_wait3A_138 = tpu.memref_slice %arg7[%dma_wait3A_128, %dma_wait3A_136, %dma_wait3A_137] : memref<2x64x16xf32, #tpu.memory_space<vmem>> -> memref<1x64x16xf32, #tpu.memory_space<vmem>>
      %dma_wait3A_139 = tpu.memref_squeeze %dma_wait3A_138 : memref<1x64x16xf32, #tpu.memory_space<vmem>> -> memref<64x16xf32, #tpu.memory_space<vmem>>
      %dma_wait3A_140 = arith.constant 0 : i32
      %dma_wait3A_141 = arith.constant 0 : i32
      %dma_wait3A_142 = tpu.memref_slice %arg3[%dma_wait3A_140, %dma_wait3A_141] : memref<163840x16xf32, #tpu.memory_space<hbm>> -> memref<64x16xf32, #tpu.memory_space<hbm>>
      tpu.wait_dma2 semaphore(%arg13 : memref<!tpu.dma_semaphore, #tpu.memory_space<semaphore_mem>>) src(%dma_wait3A_142 : memref<64x16xf32, #tpu.memory_space<hbm>>) dst(%dma_wait3A_139 : memref<64x16xf32, #tpu.memory_space<vmem>>)
      %lt3A = arith.constant 39 : i32
      %lt3A_143 = arith.cmpi slt, %scan3A_54, %lt3A : i32
      %convert_element_type3A = arith.extui %lt3A_143 : i1 to i32
      %cond3A = arith.constant 0 : i32
      %cond3A_144 = arith.cmpi ne, %convert_element_type3A, %cond3A : i32
      scf.if %cond3A_144 {
        %add3A_152 = arith.constant 2 : i32
        %add3A_153 = arith.addi %mul3A_56, %add3A_152 : i32
        %mul3A_154 = arith.constant 5120 : i32
        %mul3A_155 = arith.muli %add3A, %mul3A_154 : i32
        %mul3A_156 = arith.constant 64 : i32
        %mul3A_157 = arith.muli %add3A_153, %mul3A_156 : i32
        %add3A_158 = arith.addi %mul3A_155, %mul3A_157 : i32
        %dma_start3A_159 = arith.constant 0 : i32
        %dma_start3A_160 = arith.constant 0 : i32
        %dma_start3A_161 = tpu.memref_slice %arg6[%dma_start3A_159, %dma_start3A_160] : memref<2x64xi32, #tpu.memory_space<vmem>> -> memref<1x64xi32, #tpu.memory_space<vmem>>
        %dma_start3A_162 = tpu.memref_squeeze %dma_start3A_161 : memref<1x64xi32, #tpu.memory_space<vmem>> -> memref<64xi32, #tpu.memory_space<vmem>>
        %dma_start3A_163 = tpu.memref_slice %arg2[%add3A_158] : memref<163840xi32, #tpu.memory_space<hbm>> -> memref<64xi32, #tpu.memory_space<hbm>>
        %dma_start3A_164 = arith.constant 0 : i32
        %dma_start3A_165 = tpu.memref_slice %arg6[%dma_start3A_159, %dma_start3A_164] : memref<2x64xi32, #tpu.memory_space<vmem>> -> memref<1x64xi32, #tpu.memory_space<vmem>>
        %dma_start3A_166 = tpu.memref_squeeze %dma_start3A_165 : memref<1x64xi32, #tpu.memory_space<vmem>> -> memref<64xi32, #tpu.memory_space<vmem>>
        %dma_start3A_167 = tpu.memref_slice %arg2[%add3A_158] : memref<163840xi32, #tpu.memory_space<hbm>> -> memref<64xi32, #tpu.memory_space<hbm>>
        tpu.enqueue_dma source(%dma_start3A_167 : memref<64xi32, #tpu.memory_space<hbm>>) target(%dma_start3A_166 : memref<64xi32, #tpu.memory_space<vmem>>) target_semaphore(%arg12 : memref<!tpu.dma_semaphore, #tpu.memory_space<semaphore_mem>>)
        %dma_start3A_168 = arith.constant 0 : i32
        %dma_start3A_169 = arith.constant 0 : i32
        %dma_start3A_170 = arith.constant 0 : i32
        %dma_start3A_171 = tpu.memref_slice %arg7[%dma_start3A_168, %dma_start3A_169, %dma_start3A_170] : memref<2x64x16xf32, #tpu.memory_space<vmem>> -> memref<1x64x16xf32, #tpu.memory_space<vmem>>
        %dma_start3A_172 = tpu.memref_squeeze %dma_start3A_171 : memref<1x64x16xf32, #tpu.memory_space<vmem>> -> memref<64x16xf32, #tpu.memory_space<vmem>>
        %dma_start3A_173 = arith.constant 0 : i32
        %dma_start3A_174 = tpu.memref_slice %arg3[%add3A_158, %dma_start3A_173] : memref<163840x16xf32, #tpu.memory_space<hbm>> -> memref<64x16xf32, #tpu.memory_space<hbm>>
        %dma_start3A_175 = arith.constant 0 : i32
        %dma_start3A_176 = arith.constant 0 : i32
        %dma_start3A_177 = tpu.memref_slice %arg7[%dma_start3A_168, %dma_start3A_175, %dma_start3A_176] : memref<2x64x16xf32, #tpu.memory_space<vmem>> -> memref<1x64x16xf32, #tpu.memory_space<vmem>>
        %dma_start3A_178 = tpu.memref_squeeze %dma_start3A_177 : memref<1x64x16xf32, #tpu.memory_space<vmem>> -> memref<64x16xf32, #tpu.memory_space<vmem>>
        %dma_start3A_179 = arith.constant 0 : i32
        %dma_start3A_180 = tpu.memref_slice %arg3[%add3A_158, %dma_start3A_179] : memref<163840x16xf32, #tpu.memory_space<hbm>> -> memref<64x16xf32, #tpu.memory_space<hbm>>
        tpu.enqueue_dma source(%dma_start3A_180 : memref<64x16xf32, #tpu.memory_space<hbm>>) target(%dma_start3A_178 : memref<64x16xf32, #tpu.memory_space<vmem>>) target_semaphore(%arg12 : memref<!tpu.dma_semaphore, #tpu.memory_space<semaphore_mem>>)
      } else {
      }
      %scan3A_145 = arith.constant 0 : i32
      %scan3A_146 = arith.constant 0 : i32
      %scan3A_147 = arith.constant 64 : i32
      %scan3A_148 = arith.addi %scan3A_146, %scan3A_147 : i32
      %scan3A_149 = arith.constant 1 : i32
      scf.for %scan3A_152 = %scan3A_146 to %scan3A_148 step %scan3A_149  : i32 {
        %get3A = arith.constant 1 : i32
        %get3A_153 = arith.index_cast %get3A : i32 to index
        %get3A_154 = arith.index_cast %scan3A_152 : i32 to index
        %get3A_155 = arith.constant 0 : index
        %get3A_156 = tpu.vector_load %arg7[%get3A_153, %get3A_154, %get3A_155] {strides = array<i32>} : memref<2x64x16xf32, #tpu.memory_space<vmem>>, vector<1x1x16xf32>,
        %get3A_157 = vector.shape_cast %get3A_156 : vector<1x1x16xf32> to vector<16xf32>
        %swap3A = arith.index_cast %scan3A_152 : i32 to index
        %swap3A_158 = arith.constant 0 : index
        %swap3A_159 = tpu.vector_load %arg8[%swap3A, %swap3A_158] {strides = array<i32>} : memref<64x128xf32, #tpu.memory_space<vmem>>, vector<1x16xf32>,
        %swap3A_160 = vector.shape_cast %swap3A_159 : vector<1x16xf32> to vector<16xf32>
        %swap3A_161 = vector.shape_cast %get3A_157 : vector<16xf32> to vector<1x16xf32>
        tpu.vector_store %arg8[%swap3A, %swap3A_158], %swap3A_161 {strides = array<i32>} : memref<64x128xf32, #tpu.memory_space<vmem>>, vector<1x16xf32>,
        %swap3A_162 = arith.index_cast %scan3A_152 : i32 to index
        %swap3A_163 = arith.constant 16 : index
        %swap3A_164 = tpu.vector_load %arg8[%swap3A_162, %swap3A_163] {strides = array<i32>} : memref<64x128xf32, #tpu.memory_space<vmem>>, vector<1x16xf32>,
        %swap3A_165 = vector.shape_cast %swap3A_164 : vector<1x16xf32> to vector<16xf32>
        %swap3A_166 = vector.shape_cast %select_n3A : vector<16xf32> to vector<1x16xf32>
        tpu.vector_store %arg8[%swap3A_162, %swap3A_163], %swap3A_166 {strides = array<i32>} : memref<64x128xf32, #tpu.memory_space<vmem>>, vector<1x16xf32>,
      }
      %scan3A_150 = arith.constant 64 : i32
      %run_scoped3A_151 = arith.constant 1 : i32
      "tpu.region"() ({
        %run_scoped3A_152 = tpu.sem_alloc : memref<!tpu.dma_semaphore, #tpu.memory_space<semaphore_mem>>
        %dma_start3A_153 = arith.constant 0 : i32
        %dma_start3A_154 = tpu.memref_slice %arg6[%run_scoped3A_151, %dma_start3A_153] : memref<2x64xi32, #tpu.memory_space<vmem>> -> memref<1x64xi32, #tpu.memory_space<vmem>>
        %dma_start3A_155 = tpu.memref_squeeze %dma_start3A_154 : memref<1x64xi32, #tpu.memory_space<vmem>> -> memref<64xi32, #tpu.memory_space<vmem>>
        %dma_start3A_156 = arith.constant 0 : i32
        %dma_start3A_157 = arith.constant 0 : i32
        %dma_start3A_158 = tpu.memref_slice %arg11[%dma_start3A_156, %dma_start3A_157] : memref<10240x128xf32, #tpu.memory_space<vmem_shared>> -> memref<10240x128xf32, #tpu.memory_space<vmem_shared>>
        tpu.enqueue_indirect_dma source(%arg8 : memref<64x128xf32, #tpu.memory_space<vmem>>) target(%dma_start3A_158 : memref<10240x128xf32, #tpu.memory_space<vmem_shared>>) offsets(%dma_start3A_155 : memref<64xi32, #tpu.memory_space<vmem>>) semaphore(%run_scoped3A_152 : memref<!tpu.dma_semaphore, #tpu.memory_space<semaphore_mem>>) {add = true}
        %dma_wait3A_159 = arith.constant 0 : i32
        %dma_wait3A_160 = tpu.memref_slice %arg6[%run_scoped3A_151, %dma_wait3A_159] : memref<2x64xi32, #tpu.memory_space<vmem>> -> memref<1x64xi32, #tpu.memory_space<vmem>>
        %dma_wait3A_161 = tpu.memref_squeeze %dma_wait3A_160 : memref<1x64xi32, #tpu.memory_space<vmem>> -> memref<64xi32, #tpu.memory_space<vmem>>
        %dma_wait3A_162 = arith.constant 0 : i32
        %dma_wait3A_163 = arith.constant 0 : i32
        %dma_wait3A_164 = tpu.memref_slice %arg11[%dma_wait3A_162, %dma_wait3A_163] : memref<10240x128xf32, #tpu.memory_space<vmem_shared>> -> memref<10240x128xf32, #tpu.memory_space<vmem_shared>>
        tpu.wait_indirect_dma semaphore(%run_scoped3A_152 : memref<!tpu.dma_semaphore, #tpu.memory_space<semaphore_mem>>) src(%arg8 : memref<64x128xf32, #tpu.memory_space<vmem>>) dst(%dma_wait3A_164 : memref<10240x128xf32, #tpu.memory_space<vmem_shared>>)
        tpu.yield
      }) : () -> ()
    }
    %scan3A_46 = arith.constant 40 : i32
    %barrier3A_47 = arith.constant 0 : index
    tpu.barrier barrier_id(%barrier3A_47)
    %scan3A_48 = arith.constant 0 : i32
    %scan3A_49 = arith.constant 0 : i32
    %scan3A_50 = arith.constant 20 : i32
    %scan3A_51 = arith.addi %scan3A_49, %scan3A_50 : i32
    %scan3A_52 = arith.constant 1 : i32
    scf.for %scan3A_54 = %scan3A_49 to %scan3A_51 step %scan3A_52  : i32 {
      %mul3A_55 = arith.constant 640 : i32
      %mul3A_56 = arith.muli %arg1, %mul3A_55 : i32
      %mul3A_57 = arith.constant 32 : i32
      %mul3A_58 = arith.muli %scan3A_54, %mul3A_57 : i32
      %add3A_59 = arith.addi %mul3A_56, %mul3A_58 : i32
      "tpu.region"() ({
        %run_scoped3A = tpu.sem_alloc : memref<!tpu.dma_semaphore, #tpu.memory_space<semaphore_mem>>
        %dma_start3A_66 = arith.constant 0 : i32
        %dma_start3A_67 = tpu.memref_slice %arg11[%add3A_59, %dma_start3A_66] : memref<10240x128xf32, #tpu.memory_space<vmem_shared>> -> memref<32x128xf32, #tpu.memory_space<vmem_shared>>
        %dma_start3A_68 = arith.constant 0 : i32
        %dma_start3A_69 = tpu.memref_slice %arg11[%add3A_59, %dma_start3A_68] : memref<10240x128xf32, #tpu.memory_space<vmem_shared>> -> memref<32x128xf32, #tpu.memory_space<vmem_shared>>
        tpu.enqueue_dma source(%dma_start3A_69 : memref<32x128xf32, #tpu.memory_space<vmem_shared>>) target(%arg9 : memref<32x128xf32, #tpu.memory_space<vmem>>) target_semaphore(%run_scoped3A : memref<!tpu.dma_semaphore, #tpu.memory_space<semaphore_mem>>)
        %dma_wait3A = arith.constant 0 : i32
        %dma_wait3A_70 = tpu.memref_slice %arg11[%add3A_59, %dma_wait3A] : memref<10240x128xf32, #tpu.memory_space<vmem_shared>> -> memref<32x128xf32, #tpu.memory_space<vmem_shared>>
        %dma_wait3A_71 = arith.constant 0 : i32
        %dma_wait3A_72 = tpu.memref_slice %arg11[%add3A_59, %dma_wait3A_71] : memref<10240x128xf32, #tpu.memory_space<vmem_shared>> -> memref<32x128xf32, #tpu.memory_space<vmem_shared>>
        tpu.wait_dma2 semaphore(%run_scoped3A : memref<!tpu.dma_semaphore, #tpu.memory_space<semaphore_mem>>) src(%dma_wait3A_72 : memref<32x128xf32, #tpu.memory_space<vmem_shared>>) dst(%arg9 : memref<32x128xf32, #tpu.memory_space<vmem>>)
        tpu.yield
      }) : () -> ()
      %scan3A_60 = arith.constant 0 : i32
      %scan3A_61 = arith.constant 0 : i32
      %scan3A_62 = arith.constant 32 : i32
      %scan3A_63 = arith.addi %scan3A_61, %scan3A_62 : i32
      %scan3A_64 = arith.constant 1 : i32
      scf.for %scan3A_66 = %scan3A_61 to %scan3A_63 step %scan3A_64  : i32 {
        %get3A = arith.index_cast %scan3A_66 : i32 to index
        %get3A_67 = arith.constant 0 : index
        %get3A_68 = tpu.vector_load %arg9[%get3A, %get3A_67] {strides = array<i32>} : memref<32x128xf32, #tpu.memory_space<vmem>>, vector<1x16xf32>,
        %get3A_69 = vector.shape_cast %get3A_68 : vector<1x16xf32> to vector<16xf32>
        %swap3A = arith.index_cast %scan3A_66 : i32 to index
        %swap3A_70 = arith.constant 0 : index
        %swap3A_71 = tpu.vector_load %arg10[%swap3A, %swap3A_70] {strides = array<i32>} : memref<32x32xf32, #tpu.memory_space<vmem>>, vector<1x16xf32>,
        %swap3A_72 = vector.shape_cast %swap3A_71 : vector<1x16xf32> to vector<16xf32>
        %swap3A_73 = vector.shape_cast %get3A_69 : vector<16xf32> to vector<1x16xf32>
        tpu.vector_store %arg10[%swap3A, %swap3A_70], %swap3A_73 {strides = array<i32>} : memref<32x32xf32, #tpu.memory_space<vmem>>, vector<1x16xf32>,
        %get3A_74 = arith.index_cast %scan3A_66 : i32 to index
        %get3A_75 = arith.constant 16 : index
        %get3A_76 = tpu.vector_load %arg9[%get3A_74, %get3A_75] {strides = array<i32>} : memref<32x128xf32, #tpu.memory_space<vmem>>, vector<1x16xf32>,
        %get3A_77 = vector.shape_cast %get3A_76 : vector<1x16xf32> to vector<16xf32>
        %swap3A_78 = arith.index_cast %scan3A_66 : i32 to index
        %swap3A_79 = arith.constant 16 : index
        %swap3A_80 = tpu.vector_load %arg10[%swap3A_78, %swap3A_79] {strides = array<i32>} : memref<32x32xf32, #tpu.memory_space<vmem>>, vector<1x16xf32>,
        %swap3A_81 = vector.shape_cast %swap3A_80 : vector<1x16xf32> to vector<16xf32>
        %swap3A_82 = vector.shape_cast %get3A_77 : vector<16xf32> to vector<1x16xf32>
        tpu.vector_store %arg10[%swap3A_78, %swap3A_79], %swap3A_82 {strides = array<i32>} : memref<32x32xf32, #tpu.memory_space<vmem>>, vector<1x16xf32>,
      }
      %scan3A_65 = arith.constant 32 : i32
      "tpu.region"() ({
        %run_scoped3A = tpu.sem_alloc : memref<!tpu.dma_semaphore, #tpu.memory_space<semaphore_mem>>
        %dma_start3A_66 = arith.constant 0 : i32
        %dma_start3A_67 = tpu.memref_slice %arg5[%arg0, %add3A_59, %dma_start3A_66] : memref<2x10240x32xf32, #tpu.memory_space<hbm>> -> memref<1x32x32xf32, #tpu.memory_space<hbm>>
        %dma_start3A_68 = tpu.memref_squeeze %dma_start3A_67 : memref<1x32x32xf32, #tpu.memory_space<hbm>> -> memref<32x32xf32, #tpu.memory_space<hbm>>
        %dma_start3A_69 = arith.constant 0 : i32
        %dma_start3A_70 = tpu.memref_slice %arg5[%arg0, %add3A_59, %dma_start3A_69] : memref<2x10240x32xf32, #tpu.memory_space<hbm>> -> memref<1x32x32xf32, #tpu.memory_space<hbm>>
        %dma_start3A_71 = tpu.memref_squeeze %dma_start3A_70 : memref<1x32x32xf32, #tpu.memory_space<hbm>> -> memref<32x32xf32, #tpu.memory_space<hbm>>
        tpu.enqueue_dma source(%arg10 : memref<32x32xf32, #tpu.memory_space<vmem>>) target(%dma_start3A_71 : memref<32x32xf32, #tpu.memory_space<hbm>>) target_semaphore(%run_scoped3A : memref<!tpu.dma_semaphore, #tpu.memory_space<semaphore_mem>>)
        %dma_wait3A = arith.constant 0 : i32
        %dma_wait3A_72 = tpu.memref_slice %arg5[%arg0, %add3A_59, %dma_wait3A] : memref<2x10240x32xf32, #tpu.memory_space<hbm>> -> memref<1x32x32xf32, #tpu.memory_space<hbm>>
        %dma_wait3A_73 = tpu.memref_squeeze %dma_wait3A_72 : memref<1x32x32xf32, #tpu.memory_space<hbm>> -> memref<32x32xf32, #tpu.memory_space<hbm>>
        %dma_wait3A_74 = arith.constant 0 : i32
        %dma_wait3A_75 = tpu.memref_slice %arg5[%arg0, %add3A_59, %dma_wait3A_74] : memref<2x10240x32xf32, #tpu.memory_space<hbm>> -> memref<1x32x32xf32, #tpu.memory_space<hbm>>
        %dma_wait3A_76 = tpu.memref_squeeze %dma_wait3A_75 : memref<1x32x32xf32, #tpu.memory_space<hbm>> -> memref<32x32xf32, #tpu.memory_space<hbm>>
        tpu.wait_dma2 semaphore(%run_scoped3A : memref<!tpu.dma_semaphore, #tpu.memory_space<semaphore_mem>>) src(%arg10 : memref<32x32xf32, #tpu.memory_space<vmem>>) dst(%dma_wait3A_76 : memref<32x32xf32, #tpu.memory_space<hbm>>)
        tpu.yield
      }) : () -> ()
    }
    %scan3A_53 = arith.constant 20 : i32
    return
  }
}

#map = affine_map<(d0, d1) -> (0)>
#map1 = affine_map<(d0, d1) -> (0, 0)>
#map2 = affine_map<(d0, d1) -> (0, 0, 0)>
module attributes {stable_mosaic.version = 14 : i64} {
  func.func @_p3_gather(%arg0: i32, %arg1: i32, %arg2: memref<163840xi32, #tpu.memory_space<hbm>>, %arg3: memref<163840xi32, #tpu.memory_space<hbm>>, %arg4: memref<10000x128xi32, #tpu.memory_space<hbm>>, %arg5: memref<10000x128xi32, #tpu.memory_space<hbm>>, %arg6: memref<1280x128x128xi32, #tpu.memory_space<hbm>>, %arg7: memref<1280x128x128xi32, #tpu.memory_space<hbm>>, %arg8: memref<10240xi32, #tpu.memory_space<vmem>>, %arg9: memref<2x2x128x128xi32, #tpu.memory_space<vmem>>, %arg10: memref<!tpu.dma_semaphore, #tpu.memory_space<semaphore_mem>>, %arg11: memref<!tpu.dma_semaphore, #tpu.memory_space<semaphore_mem>>, %arg12: memref<!tpu.dma_semaphore, #tpu.memory_space<semaphore_mem>>, %arg13: memref<!tpu.dma_semaphore, #tpu.memory_space<semaphore_mem>>) attributes {dimension_semantics = [#tpu.dimension_semantics<core_parallel>, #tpu.dimension_semantics<subcore_parallel>], iteration_bounds = array<i64: 2, 16>, scalar_prefetch = 0 : i64, scratch_operands = 6 : i64, tpu.core_type = #tpu.core_type<sc_vector_subcore>, window_params = [{transform_indices = #map}, {transform_indices = #map}, {transform_indices = #map1}, {transform_indices = #map1}, {transform_indices = #map2}, {transform_indices = #map2}]} {
    %eq3A = arith.constant 0 : i32
    %eq3A_0 = arith.cmpi eq, %arg0, %eq3A : i32
    %convert_element_type3A = arith.extui %eq3A_0 : i1 to i32
    %cond3A = arith.constant 0 : i32
    %cond3A_1 = arith.cmpi ne, %convert_element_type3A, %cond3A : i32
    scf.if %cond3A_1 {
      %mul3A = arith.constant 10240 : i32
      %mul3A_7 = arith.muli %arg1, %mul3A : i32
      "tpu.region"() ({
        %run_scoped3A = tpu.sem_alloc : memref<!tpu.dma_semaphore, #tpu.memory_space<semaphore_mem>>
        %dma_start3A_83 = tpu.memref_slice %arg2[%mul3A_7] : memref<163840xi32, #tpu.memory_space<hbm>> -> memref<10240xi32, #tpu.memory_space<hbm>>
        %dma_start3A_84 = tpu.memref_slice %arg2[%mul3A_7] : memref<163840xi32, #tpu.memory_space<hbm>> -> memref<10240xi32, #tpu.memory_space<hbm>>
        tpu.enqueue_dma source(%dma_start3A_84 : memref<10240xi32, #tpu.memory_space<hbm>>) target(%arg8 : memref<10240xi32, #tpu.memory_space<vmem>>) target_semaphore(%run_scoped3A : memref<!tpu.dma_semaphore, #tpu.memory_space<semaphore_mem>>)
        %dma_wait3A_85 = tpu.memref_slice %arg2[%mul3A_7] : memref<163840xi32, #tpu.memory_space<hbm>> -> memref<10240xi32, #tpu.memory_space<hbm>>
        %dma_wait3A_86 = tpu.memref_slice %arg2[%mul3A_7] : memref<163840xi32, #tpu.memory_space<hbm>> -> memref<10240xi32, #tpu.memory_space<hbm>>
        tpu.wait_dma2 semaphore(%run_scoped3A : memref<!tpu.dma_semaphore, #tpu.memory_space<semaphore_mem>>) src(%dma_wait3A_86 : memref<10240xi32, #tpu.memory_space<hbm>>) dst(%arg8 : memref<10240xi32, #tpu.memory_space<vmem>>)
        tpu.yield
      }) : () -> ()
      %dma_start3A = arith.constant 0 : i32
      %dma_start3A_8 = arith.constant 0 : i32
      %dma_start3A_9 = arith.constant 0 : i32
      %dma_start3A_10 = arith.constant 0 : i32
      %dma_start3A_11 = arith.constant 0 : i32
      %dma_start3A_12 = tpu.memref_slice %arg9[%dma_start3A, %dma_start3A_9, %dma_start3A_10, %dma_start3A_11] : memref<2x2x128x128xi32, #tpu.memory_space<vmem>> -> memref<1x2x128x128xi32, #tpu.memory_space<vmem>>
      %dma_start3A_13 = tpu.memref_squeeze %dma_start3A_12 : memref<1x2x128x128xi32, #tpu.memory_space<vmem>> -> memref<2x128x128xi32, #tpu.memory_space<vmem>>
      %dma_start3A_14 = arith.constant 0 : i32
      %dma_start3A_15 = arith.constant 0 : i32
      %dma_start3A_16 = tpu.memref_slice %dma_start3A_13[%dma_start3A_8, %dma_start3A_14, %dma_start3A_15] : memref<2x128x128xi32, #tpu.memory_space<vmem>> -> memref<1x128x128xi32, #tpu.memory_space<vmem>>
      %dma_start3A_17 = tpu.memref_squeeze %dma_start3A_16 : memref<1x128x128xi32, #tpu.memory_space<vmem>> -> memref<128x128xi32, #tpu.memory_space<vmem>>
      %dma_start3A_18 = arith.constant 0 : i32
      %dma_start3A_19 = tpu.memref_slice %arg8[%dma_start3A_18] : memref<10240xi32, #tpu.memory_space<vmem>> -> memref<128xi32, #tpu.memory_space<vmem>>
      %dma_start3A_20 = arith.constant 0 : i32
      %dma_start3A_21 = arith.constant 0 : i32
      %dma_start3A_22 = tpu.memref_slice %arg4[%dma_start3A_20, %dma_start3A_21] : memref<10000x128xi32, #tpu.memory_space<hbm>> -> memref<10000x128xi32, #tpu.memory_space<hbm>>
      tpu.enqueue_indirect_dma source(%dma_start3A_22 : memref<10000x128xi32, #tpu.memory_space<hbm>>) target(%dma_start3A_17 : memref<128x128xi32, #tpu.memory_space<vmem>>) offsets(%dma_start3A_19 : memref<128xi32, #tpu.memory_space<vmem>>) semaphore(%arg10 : memref<!tpu.dma_semaphore, #tpu.memory_space<semaphore_mem>>)
      %dma_start3A_23 = arith.constant 0 : i32
      %dma_start3A_24 = arith.constant 1 : i32
      %dma_start3A_25 = arith.constant 0 : i32
      %dma_start3A_26 = arith.constant 0 : i32
      %dma_start3A_27 = arith.constant 0 : i32
      %dma_start3A_28 = tpu.memref_slice %arg9[%dma_start3A_23, %dma_start3A_25, %dma_start3A_26, %dma_start3A_27] : memref<2x2x128x128xi32, #tpu.memory_space<vmem>> -> memref<1x2x128x128xi32, #tpu.memory_space<vmem>>
      %dma_start3A_29 = tpu.memref_squeeze %dma_start3A_28 : memref<1x2x128x128xi32, #tpu.memory_space<vmem>> -> memref<2x128x128xi32, #tpu.memory_space<vmem>>
      %dma_start3A_30 = arith.constant 0 : i32
      %dma_start3A_31 = arith.constant 0 : i32
      %dma_start3A_32 = tpu.memref_slice %dma_start3A_29[%dma_start3A_24, %dma_start3A_30, %dma_start3A_31] : memref<2x128x128xi32, #tpu.memory_space<vmem>> -> memref<1x128x128xi32, #tpu.memory_space<vmem>>
      %dma_start3A_33 = tpu.memref_squeeze %dma_start3A_32 : memref<1x128x128xi32, #tpu.memory_space<vmem>> -> memref<128x128xi32, #tpu.memory_space<vmem>>
      %dma_start3A_34 = arith.constant 128 : i32
      %dma_start3A_35 = tpu.memref_slice %arg8[%dma_start3A_34] : memref<10240xi32, #tpu.memory_space<vmem>> -> memref<128xi32, #tpu.memory_space<vmem>>
      %dma_start3A_36 = arith.constant 0 : i32
      %dma_start3A_37 = arith.constant 0 : i32
      %dma_start3A_38 = tpu.memref_slice %arg4[%dma_start3A_36, %dma_start3A_37] : memref<10000x128xi32, #tpu.memory_space<hbm>> -> memref<10000x128xi32, #tpu.memory_space<hbm>>
      tpu.enqueue_indirect_dma source(%dma_start3A_38 : memref<10000x128xi32, #tpu.memory_space<hbm>>) target(%dma_start3A_33 : memref<128x128xi32, #tpu.memory_space<vmem>>) offsets(%dma_start3A_35 : memref<128xi32, #tpu.memory_space<vmem>>) semaphore(%arg10 : memref<!tpu.dma_semaphore, #tpu.memory_space<semaphore_mem>>)
      %scan3A = arith.constant 0 : i32
      %scan3A_39 = arith.constant 0 : i32
      %scan3A_40 = arith.constant 1 : i32
      %scan3A_41 = arith.constant 0 : i32
      %scan3A_42 = arith.constant 20 : i32
      %scan3A_43 = arith.addi %scan3A_41, %scan3A_42 : i32
      %scan3A_44 = arith.constant 1 : i32
      scf.for %scan3A_83 = %scan3A_41 to %scan3A_43 step %scan3A_44  : i32 {
        %mul3A_84 = arith.constant 2 : i32
        %mul3A_85 = arith.muli %mul3A_84, %scan3A_83 : i32
        %dma_wait3A_86 = arith.constant 0 : i32
        %dma_wait3A_87 = arith.constant 0 : i32
        %dma_wait3A_88 = arith.constant 0 : i32
        %dma_wait3A_89 = tpu.memref_slice %arg9[%scan3A_39, %dma_wait3A_86, %dma_wait3A_87, %dma_wait3A_88] : memref<2x2x128x128xi32, #tpu.memory_space<vmem>> -> memref<1x2x128x128xi32, #tpu.memory_space<vmem>>
        %dma_wait3A_90 = tpu.memref_squeeze %dma_wait3A_89 : memref<1x2x128x128xi32, #tpu.memory_space<vmem>> -> memref<2x128x128xi32, #tpu.memory_space<vmem>>
        %dma_wait3A_91 = arith.constant 0 : i32
        %dma_wait3A_92 = arith.constant 0 : i32
        %dma_wait3A_93 = arith.constant 0 : i32
        %dma_wait3A_94 = tpu.memref_slice %arg6[%dma_wait3A_91, %dma_wait3A_92, %dma_wait3A_93] : memref<1280x128x128xi32, #tpu.memory_space<hbm>> -> memref<2x128x128xi32, #tpu.memory_space<hbm>>
        %dma_wait3A_95 = arith.constant 0 : i32
        %dma_wait3A_96 = arith.constant 0 : i32
        %dma_wait3A_97 = arith.constant 0 : i32
        %dma_wait3A_98 = tpu.memref_slice %arg9[%scan3A_39, %dma_wait3A_95, %dma_wait3A_96, %dma_wait3A_97] : memref<2x2x128x128xi32, #tpu.memory_space<vmem>> -> memref<1x2x128x128xi32, #tpu.memory_space<vmem>>
        %dma_wait3A_99 = tpu.memref_squeeze %dma_wait3A_98 : memref<1x2x128x128xi32, #tpu.memory_space<vmem>> -> memref<2x128x128xi32, #tpu.memory_space<vmem>>
        %dma_wait3A_100 = arith.constant 0 : i32
        %dma_wait3A_101 = arith.constant 0 : i32
        %dma_wait3A_102 = arith.constant 0 : i32
        %dma_wait3A_103 = tpu.memref_slice %arg6[%dma_wait3A_100, %dma_wait3A_101, %dma_wait3A_102] : memref<1280x128x128xi32, #tpu.memory_space<hbm>> -> memref<2x128x128xi32, #tpu.memory_space<hbm>>
        tpu.wait_dma2 semaphore(%arg10 : memref<!tpu.dma_semaphore, #tpu.memory_space<semaphore_mem>>) src(%dma_wait3A_103 : memref<2x128x128xi32, #tpu.memory_space<hbm>>) dst(%dma_wait3A_99 : memref<2x128x128xi32, #tpu.memory_space<vmem>>)
        %mul3A_104 = arith.constant 40 : i32
        %mul3A_105 = arith.muli %arg1, %mul3A_104 : i32
        %mul3A_106 = arith.constant 2 : i32
        %mul3A_107 = arith.muli %mul3A_105, %mul3A_106 : i32
        %mul3A_108 = arith.constant 2 : i32
        %mul3A_109 = arith.muli %mul3A_85, %mul3A_108 : i32
        %add3A = arith.addi %mul3A_107, %mul3A_109 : i32
        %dma_start3A_110 = arith.constant 0 : i32
        %dma_start3A_111 = arith.constant 0 : i32
        %dma_start3A_112 = arith.constant 0 : i32
        %dma_start3A_113 = tpu.memref_slice %arg9[%scan3A_39, %dma_start3A_110, %dma_start3A_111, %dma_start3A_112] : memref<2x2x128x128xi32, #tpu.memory_space<vmem>> -> memref<1x2x128x128xi32, #tpu.memory_space<vmem>>
        %dma_start3A_114 = tpu.memref_squeeze %dma_start3A_113 : memref<1x2x128x128xi32, #tpu.memory_space<vmem>> -> memref<2x128x128xi32, #tpu.memory_space<vmem>>
        %dma_start3A_115 = arith.constant 0 : i32
        %dma_start3A_116 = arith.constant 0 : i32
        %dma_start3A_117 = tpu.memref_slice %arg6[%add3A, %dma_start3A_115, %dma_start3A_116] : memref<1280x128x128xi32, #tpu.memory_space<hbm>> -> memref<2x128x128xi32, #tpu.memory_space<hbm>>
        %dma_start3A_118 = arith.constant 0 : i32
        %dma_start3A_119 = arith.constant 0 : i32
        %dma_start3A_120 = tpu.memref_slice %arg6[%add3A, %dma_start3A_118, %dma_start3A_119] : memref<1280x128x128xi32, #tpu.memory_space<hbm>> -> memref<2x128x128xi32, #tpu.memory_space<hbm>>
        %dma_start3A_121 = arith.constant 0 : i32
        %dma_start3A_122 = arith.constant 0 : i32
        %dma_start3A_123 = arith.constant 0 : i32
        %dma_start3A_124 = tpu.memref_slice %arg9[%scan3A_39, %dma_start3A_121, %dma_start3A_122, %dma_start3A_123] : memref<2x2x128x128xi32, #tpu.memory_space<vmem>> -> memref<1x2x128x128xi32, #tpu.memory_space<vmem>>
        %dma_start3A_125 = tpu.memref_squeeze %dma_start3A_124 : memref<1x2x128x128xi32, #tpu.memory_space<vmem>> -> memref<2x128x128xi32, #tpu.memory_space<vmem>>
        tpu.enqueue_dma source(%dma_start3A_125 : memref<2x128x128xi32, #tpu.memory_space<vmem>>) target(%dma_start3A_120 : memref<2x128x128xi32, #tpu.memory_space<hbm>>) target_semaphore(%arg12 : memref<!tpu.dma_semaphore, #tpu.memory_space<semaphore_mem>>)
        %gt3A = arith.constant 0 : i32
        %gt3A_126 = arith.cmpi sgt, %scan3A_83, %gt3A : i32
        %convert_element_type3A_127 = arith.extui %gt3A_126 : i1 to i32
        %cond3A_128 = arith.constant 0 : i32
        %cond3A_129 = arith.cmpi ne, %convert_element_type3A_127, %cond3A_128 : i32
        scf.if %cond3A_129 {
          %dma_wait3A_219 = arith.constant 0 : i32
          %dma_wait3A_220 = arith.constant 0 : i32
          %dma_wait3A_221 = arith.constant 0 : i32
          %dma_wait3A_222 = tpu.memref_slice %arg9[%scan3A_40, %dma_wait3A_219, %dma_wait3A_220, %dma_wait3A_221] : memref<2x2x128x128xi32, #tpu.memory_space<vmem>> -> memref<1x2x128x128xi32, #tpu.memory_space<vmem>>
          %dma_wait3A_223 = tpu.memref_squeeze %dma_wait3A_222 : memref<1x2x128x128xi32, #tpu.memory_space<vmem>> -> memref<2x128x128xi32, #tpu.memory_space<vmem>>
          %dma_wait3A_224 = arith.constant 0 : i32
          %dma_wait3A_225 = arith.constant 0 : i32
          %dma_wait3A_226 = arith.constant 0 : i32
          %dma_wait3A_227 = tpu.memref_slice %arg6[%dma_wait3A_224, %dma_wait3A_225, %dma_wait3A_226] : memref<1280x128x128xi32, #tpu.memory_space<hbm>> -> memref<2x128x128xi32, #tpu.memory_space<hbm>>
          %dma_wait3A_228 = arith.constant 0 : i32
          %dma_wait3A_229 = arith.constant 0 : i32
          %dma_wait3A_230 = arith.constant 0 : i32
          %dma_wait3A_231 = tpu.memref_slice %arg6[%dma_wait3A_228, %dma_wait3A_229, %dma_wait3A_230] : memref<1280x128x128xi32, #tpu.memory_space<hbm>> -> memref<2x128x128xi32, #tpu.memory_space<hbm>>
          %dma_wait3A_232 = arith.constant 0 : i32
          %dma_wait3A_233 = arith.constant 0 : i32
          %dma_wait3A_234 = arith.constant 0 : i32
          %dma_wait3A_235 = tpu.memref_slice %arg9[%scan3A_40, %dma_wait3A_232, %dma_wait3A_233, %dma_wait3A_234] : memref<2x2x128x128xi32, #tpu.memory_space<vmem>> -> memref<1x2x128x128xi32, #tpu.memory_space<vmem>>
          %dma_wait3A_236 = tpu.memref_squeeze %dma_wait3A_235 : memref<1x2x128x128xi32, #tpu.memory_space<vmem>> -> memref<2x128x128xi32, #tpu.memory_space<vmem>>
          tpu.wait_dma2 semaphore(%arg13 : memref<!tpu.dma_semaphore, #tpu.memory_space<semaphore_mem>>) src(%dma_wait3A_236 : memref<2x128x128xi32, #tpu.memory_space<vmem>>) dst(%dma_wait3A_231 : memref<2x128x128xi32, #tpu.memory_space<hbm>>)
        } else {
        }
        %add3A_130 = arith.constant 1 : i32
        %add3A_131 = arith.addi %mul3A_85, %add3A_130 : i32
        %mul3A_132 = arith.constant 2 : i32
        %mul3A_133 = arith.muli %add3A_131, %mul3A_132 : i32
        %add3A_134 = arith.constant 0 : i32
        %add3A_135 = arith.addi %mul3A_133, %add3A_134 : i32
        %mul3A_136 = arith.constant 128 : i32
        %mul3A_137 = arith.muli %add3A_135, %mul3A_136 : i32
        %dma_start3A_138 = arith.constant 0 : i32
        %dma_start3A_139 = arith.constant 0 : i32
        %dma_start3A_140 = arith.constant 0 : i32
        %dma_start3A_141 = arith.constant 0 : i32
        %dma_start3A_142 = tpu.memref_slice %arg9[%scan3A_40, %dma_start3A_139, %dma_start3A_140, %dma_start3A_141] : memref<2x2x128x128xi32, #tpu.memory_space<vmem>> -> memref<1x2x128x128xi32, #tpu.memory_space<vmem>>
        %dma_start3A_143 = tpu.memref_squeeze %dma_start3A_142 : memref<1x2x128x128xi32, #tpu.memory_space<vmem>> -> memref<2x128x128xi32, #tpu.memory_space<vmem>>
        %dma_start3A_144 = arith.constant 0 : i32
        %dma_start3A_145 = arith.constant 0 : i32
        %dma_start3A_146 = tpu.memref_slice %dma_start3A_143[%dma_start3A_138, %dma_start3A_144, %dma_start3A_145] : memref<2x128x128xi32, #tpu.memory_space<vmem>> -> memref<1x128x128xi32, #tpu.memory_space<vmem>>
        %dma_start3A_147 = tpu.memref_squeeze %dma_start3A_146 : memref<1x128x128xi32, #tpu.memory_space<vmem>> -> memref<128x128xi32, #tpu.memory_space<vmem>>
        %dma_start3A_148 = tpu.memref_slice %arg8[%mul3A_137] : memref<10240xi32, #tpu.memory_space<vmem>> -> memref<128xi32, #tpu.memory_space<vmem>>
        %dma_start3A_149 = arith.constant 0 : i32
        %dma_start3A_150 = arith.constant 0 : i32
        %dma_start3A_151 = tpu.memref_slice %arg4[%dma_start3A_149, %dma_start3A_150] : memref<10000x128xi32, #tpu.memory_space<hbm>> -> memref<10000x128xi32, #tpu.memory_space<hbm>>
        tpu.enqueue_indirect_dma source(%dma_start3A_151 : memref<10000x128xi32, #tpu.memory_space<hbm>>) target(%dma_start3A_147 : memref<128x128xi32, #tpu.memory_space<vmem>>) offsets(%dma_start3A_148 : memref<128xi32, #tpu.memory_space<vmem>>) semaphore(%arg11 : memref<!tpu.dma_semaphore, #tpu.memory_space<semaphore_mem>>)
        %mul3A_152 = arith.constant 2 : i32
        %mul3A_153 = arith.muli %add3A_131, %mul3A_152 : i32
        %add3A_154 = arith.constant 1 : i32
        %add3A_155 = arith.addi %mul3A_153, %add3A_154 : i32
        %mul3A_156 = arith.constant 128 : i32
        %mul3A_157 = arith.muli %add3A_155, %mul3A_156 : i32
        %dma_start3A_158 = arith.constant 1 : i32
        %dma_start3A_159 = arith.constant 0 : i32
        %dma_start3A_160 = arith.constant 0 : i32
        %dma_start3A_161 = arith.constant 0 : i32
        %dma_start3A_162 = tpu.memref_slice %arg9[%scan3A_40, %dma_start3A_159, %dma_start3A_160, %dma_start3A_161] : memref<2x2x128x128xi32, #tpu.memory_space<vmem>> -> memref<1x2x128x128xi32, #tpu.memory_space<vmem>>
        %dma_start3A_163 = tpu.memref_squeeze %dma_start3A_162 : memref<1x2x128x128xi32, #tpu.memory_space<vmem>> -> memref<2x128x128xi32, #tpu.memory_space<vmem>>
        %dma_start3A_164 = arith.constant 0 : i32
        %dma_start3A_165 = arith.constant 0 : i32
        %dma_start3A_166 = tpu.memref_slice %dma_start3A_163[%dma_start3A_158, %dma_start3A_164, %dma_start3A_165] : memref<2x128x128xi32, #tpu.memory_space<vmem>> -> memref<1x128x128xi32, #tpu.memory_space<vmem>>
        %dma_start3A_167 = tpu.memref_squeeze %dma_start3A_166 : memref<1x128x128xi32, #tpu.memory_space<vmem>> -> memref<128x128xi32, #tpu.memory_space<vmem>>
        %dma_start3A_168 = tpu.memref_slice %arg8[%mul3A_157] : memref<10240xi32, #tpu.memory_space<vmem>> -> memref<128xi32, #tpu.memory_space<vmem>>
        %dma_start3A_169 = arith.constant 0 : i32
        %dma_start3A_170 = arith.constant 0 : i32
        %dma_start3A_171 = tpu.memref_slice %arg4[%dma_start3A_169, %dma_start3A_170] : memref<10000x128xi32, #tpu.memory_space<hbm>> -> memref<10000x128xi32, #tpu.memory_space<hbm>>
        tpu.enqueue_indirect_dma source(%dma_start3A_171 : memref<10000x128xi32, #tpu.memory_space<hbm>>) target(%dma_start3A_167 : memref<128x128xi32, #tpu.memory_space<vmem>>) offsets(%dma_start3A_168 : memref<128xi32, #tpu.memory_space<vmem>>) semaphore(%arg11 : memref<!tpu.dma_semaphore, #tpu.memory_space<semaphore_mem>>)
        %dma_wait3A_172 = arith.constant 0 : i32
        %dma_wait3A_173 = arith.constant 0 : i32
        %dma_wait3A_174 = arith.constant 0 : i32
        %dma_wait3A_175 = tpu.memref_slice %arg9[%scan3A_40, %dma_wait3A_172, %dma_wait3A_173, %dma_wait3A_174] : memref<2x2x128x128xi32, #tpu.memory_space<vmem>> -> memref<1x2x128x128xi32, #tpu.memory_space<vmem>>
        %dma_wait3A_176 = tpu.memref_squeeze %dma_wait3A_175 : memref<1x2x128x128xi32, #tpu.memory_space<vmem>> -> memref<2x128x128xi32, #tpu.memory_space<vmem>>
        %dma_wait3A_177 = arith.constant 0 : i32
        %dma_wait3A_178 = arith.constant 0 : i32
        %dma_wait3A_179 = arith.constant 0 : i32
        %dma_wait3A_180 = tpu.memref_slice %arg6[%dma_wait3A_177, %dma_wait3A_178, %dma_wait3A_179] : memref<1280x128x128xi32, #tpu.memory_space<hbm>> -> memref<2x128x128xi32, #tpu.memory_space<hbm>>
        %dma_wait3A_181 = arith.constant 0 : i32
        %dma_wait3A_182 = arith.constant 0 : i32
        %dma_wait3A_183 = arith.constant 0 : i32
        %dma_wait3A_184 = tpu.memref_slice %arg9[%scan3A_40, %dma_wait3A_181, %dma_wait3A_182, %dma_wait3A_183] : memref<2x2x128x128xi32, #tpu.memory_space<vmem>> -> memref<1x2x128x128xi32, #tpu.memory_space<vmem>>
        %dma_wait3A_185 = tpu.memref_squeeze %dma_wait3A_184 : memref<1x2x128x128xi32, #tpu.memory_space<vmem>> -> memref<2x128x128xi32, #tpu.memory_space<vmem>>
        %dma_wait3A_186 = arith.constant 0 : i32
        %dma_wait3A_187 = arith.constant 0 : i32
        %dma_wait3A_188 = arith.constant 0 : i32
        %dma_wait3A_189 = tpu.memref_slice %arg6[%dma_wait3A_186, %dma_wait3A_187, %dma_wait3A_188] : memref<1280x128x128xi32, #tpu.memory_space<hbm>> -> memref<2x128x128xi32, #tpu.memory_space<hbm>>
        tpu.wait_dma2 semaphore(%arg11 : memref<!tpu.dma_semaphore, #tpu.memory_space<semaphore_mem>>) src(%dma_wait3A_189 : memref<2x128x128xi32, #tpu.memory_space<hbm>>) dst(%dma_wait3A_185 : memref<2x128x128xi32, #tpu.memory_space<vmem>>)
        %add3A_190 = arith.constant 1 : i32
        %add3A_191 = arith.addi %mul3A_85, %add3A_190 : i32
        %mul3A_192 = arith.constant 40 : i32
        %mul3A_193 = arith.muli %arg1, %mul3A_192 : i32
        %mul3A_194 = arith.constant 2 : i32
        %mul3A_195 = arith.muli %mul3A_193, %mul3A_194 : i32
        %mul3A_196 = arith.constant 2 : i32
        %mul3A_197 = arith.muli %add3A_191, %mul3A_196 : i32
        %add3A_198 = arith.addi %mul3A_195, %mul3A_197 : i32
        %dma_start3A_199 = arith.constant 0 : i32
        %dma_start3A_200 = arith.constant 0 : i32
        %dma_start3A_201 = arith.constant 0 : i32
        %dma_start3A_202 = tpu.memref_slice %arg9[%scan3A_40, %dma_start3A_199, %dma_start3A_200, %dma_start3A_201] : memref<2x2x128x128xi32, #tpu.memory_space<vmem>> -> memref<1x2x128x128xi32, #tpu.memory_space<vmem>>
        %dma_start3A_203 = tpu.memref_squeeze %dma_start3A_202 : memref<1x2x128x128xi32, #tpu.memory_space<vmem>> -> memref<2x128x128xi32, #tpu.memory_space<vmem>>
        %dma_start3A_204 = arith.constant 0 : i32
        %dma_start3A_205 = arith.constant 0 : i32
        %dma_start3A_206 = tpu.memref_slice %arg6[%add3A_198, %dma_start3A_204, %dma_start3A_205] : memref<1280x128x128xi32, #tpu.memory_space<hbm>> -> memref<2x128x128xi32, #tpu.memory_space<hbm>>
        %dma_start3A_207 = arith.constant 0 : i32
        %dma_start3A_208 = arith.constant 0 : i32
        %dma_start3A_209 = tpu.memref_slice %arg6[%add3A_198, %dma_start3A_207, %dma_start3A_208] : memref<1280x128x128xi32, #tpu.memory_space<hbm>> -> memref<2x128x128xi32, #tpu.memory_space<hbm>>
        %dma_start3A_210 = arith.constant 0 : i32
        %dma_start3A_211 = arith.constant 0 : i32
        %dma_start3A_212 = arith.constant 0 : i32
        %dma_start3A_213 = tpu.memref_slice %arg9[%scan3A_40, %dma_start3A_210, %dma_start3A_211, %dma_start3A_212] : memref<2x2x128x128xi32, #tpu.memory_space<vmem>> -> memref<1x2x128x128xi32, #tpu.memory_space<vmem>>
        %dma_start3A_214 = tpu.memref_squeeze %dma_start3A_213 : memref<1x2x128x128xi32, #tpu.memory_space<vmem>> -> memref<2x128x128xi32, #tpu.memory_space<vmem>>
        tpu.enqueue_dma source(%dma_start3A_214 : memref<2x128x128xi32, #tpu.memory_space<vmem>>) target(%dma_start3A_209 : memref<2x128x128xi32, #tpu.memory_space<hbm>>) target_semaphore(%arg13 : memref<!tpu.dma_semaphore, #tpu.memory_space<semaphore_mem>>)
        %lt3A = arith.constant 19 : i32
        %lt3A_215 = arith.cmpi slt, %scan3A_83, %lt3A : i32
        %convert_element_type3A_216 = arith.extui %lt3A_215 : i1 to i32
        %cond3A_217 = arith.constant 0 : i32
        %cond3A_218 = arith.cmpi ne, %convert_element_type3A_216, %cond3A_217 : i32
        scf.if %cond3A_218 {
          %dma_wait3A_219 = arith.constant 0 : i32
          %dma_wait3A_220 = arith.constant 0 : i32
          %dma_wait3A_221 = arith.constant 0 : i32
          %dma_wait3A_222 = tpu.memref_slice %arg9[%scan3A_39, %dma_wait3A_219, %dma_wait3A_220, %dma_wait3A_221] : memref<2x2x128x128xi32, #tpu.memory_space<vmem>> -> memref<1x2x128x128xi32, #tpu.memory_space<vmem>>
          %dma_wait3A_223 = tpu.memref_squeeze %dma_wait3A_222 : memref<1x2x128x128xi32, #tpu.memory_space<vmem>> -> memref<2x128x128xi32, #tpu.memory_space<vmem>>
          %dma_wait3A_224 = arith.constant 0 : i32
          %dma_wait3A_225 = arith.constant 0 : i32
          %dma_wait3A_226 = arith.constant 0 : i32
          %dma_wait3A_227 = tpu.memref_slice %arg6[%dma_wait3A_224, %dma_wait3A_225, %dma_wait3A_226] : memref<1280x128x128xi32, #tpu.memory_space<hbm>> -> memref<2x128x128xi32, #tpu.memory_space<hbm>>
          %dma_wait3A_228 = arith.constant 0 : i32
          %dma_wait3A_229 = arith.constant 0 : i32
          %dma_wait3A_230 = arith.constant 0 : i32
          %dma_wait3A_231 = tpu.memref_slice %arg6[%dma_wait3A_228, %dma_wait3A_229, %dma_wait3A_230] : memref<1280x128x128xi32, #tpu.memory_space<hbm>> -> memref<2x128x128xi32, #tpu.memory_space<hbm>>
          %dma_wait3A_232 = arith.constant 0 : i32
          %dma_wait3A_233 = arith.constant 0 : i32
          %dma_wait3A_234 = arith.constant 0 : i32
          %dma_wait3A_235 = tpu.memref_slice %arg9[%scan3A_39, %dma_wait3A_232, %dma_wait3A_233, %dma_wait3A_234] : memref<2x2x128x128xi32, #tpu.memory_space<vmem>> -> memref<1x2x128x128xi32, #tpu.memory_space<vmem>>
          %dma_wait3A_236 = tpu.memref_squeeze %dma_wait3A_235 : memref<1x2x128x128xi32, #tpu.memory_space<vmem>> -> memref<2x128x128xi32, #tpu.memory_space<vmem>>
          tpu.wait_dma2 semaphore(%arg12 : memref<!tpu.dma_semaphore, #tpu.memory_space<semaphore_mem>>) src(%dma_wait3A_236 : memref<2x128x128xi32, #tpu.memory_space<vmem>>) dst(%dma_wait3A_231 : memref<2x128x128xi32, #tpu.memory_space<hbm>>)
          %add3A_237 = arith.constant 2 : i32
          %add3A_238 = arith.addi %mul3A_85, %add3A_237 : i32
          %mul3A_239 = arith.constant 2 : i32
          %mul3A_240 = arith.muli %add3A_238, %mul3A_239 : i32
          %add3A_241 = arith.constant 0 : i32
          %add3A_242 = arith.addi %mul3A_240, %add3A_241 : i32
          %mul3A_243 = arith.constant 128 : i32
          %mul3A_244 = arith.muli %add3A_242, %mul3A_243 : i32
          %dma_start3A_245 = arith.constant 0 : i32
          %dma_start3A_246 = arith.constant 0 : i32
          %dma_start3A_247 = arith.constant 0 : i32
          %dma_start3A_248 = arith.constant 0 : i32
          %dma_start3A_249 = tpu.memref_slice %arg9[%scan3A_39, %dma_start3A_246, %dma_start3A_247, %dma_start3A_248] : memref<2x2x128x128xi32, #tpu.memory_space<vmem>> -> memref<1x2x128x128xi32, #tpu.memory_space<vmem>>
          %dma_start3A_250 = tpu.memref_squeeze %dma_start3A_249 : memref<1x2x128x128xi32, #tpu.memory_space<vmem>> -> memref<2x128x128xi32, #tpu.memory_space<vmem>>
          %dma_start3A_251 = arith.constant 0 : i32
          %dma_start3A_252 = arith.constant 0 : i32
          %dma_start3A_253 = tpu.memref_slice %dma_start3A_250[%dma_start3A_245, %dma_start3A_251, %dma_start3A_252] : memref<2x128x128xi32, #tpu.memory_space<vmem>> -> memref<1x128x128xi32, #tpu.memory_space<vmem>>
          %dma_start3A_254 = tpu.memref_squeeze %dma_start3A_253 : memref<1x128x128xi32, #tpu.memory_space<vmem>> -> memref<128x128xi32, #tpu.memory_space<vmem>>
          %dma_start3A_255 = tpu.memref_slice %arg8[%mul3A_244] : memref<10240xi32, #tpu.memory_space<vmem>> -> memref<128xi32, #tpu.memory_space<vmem>>
          %dma_start3A_256 = arith.constant 0 : i32
          %dma_start3A_257 = arith.constant 0 : i32
          %dma_start3A_258 = tpu.memref_slice %arg4[%dma_start3A_256, %dma_start3A_257] : memref<10000x128xi32, #tpu.memory_space<hbm>> -> memref<10000x128xi32, #tpu.memory_space<hbm>>
          tpu.enqueue_indirect_dma source(%dma_start3A_258 : memref<10000x128xi32, #tpu.memory_space<hbm>>) target(%dma_start3A_254 : memref<128x128xi32, #tpu.memory_space<vmem>>) offsets(%dma_start3A_255 : memref<128xi32, #tpu.memory_space<vmem>>) semaphore(%arg10 : memref<!tpu.dma_semaphore, #tpu.memory_space<semaphore_mem>>)
          %mul3A_259 = arith.constant 2 : i32
          %mul3A_260 = arith.muli %add3A_238, %mul3A_259 : i32
          %add3A_261 = arith.constant 1 : i32
          %add3A_262 = arith.addi %mul3A_260, %add3A_261 : i32
          %mul3A_263 = arith.constant 128 : i32
          %mul3A_264 = arith.muli %add3A_262, %mul3A_263 : i32
          %dma_start3A_265 = arith.constant 1 : i32
          %dma_start3A_266 = arith.constant 0 : i32
          %dma_start3A_267 = arith.constant 0 : i32
          %dma_start3A_268 = arith.constant 0 : i32
          %dma_start3A_269 = tpu.memref_slice %arg9[%scan3A_39, %dma_start3A_266, %dma_start3A_267, %dma_start3A_268] : memref<2x2x128x128xi32, #tpu.memory_space<vmem>> -> memref<1x2x128x128xi32, #tpu.memory_space<vmem>>
          %dma_start3A_270 = tpu.memref_squeeze %dma_start3A_269 : memref<1x2x128x128xi32, #tpu.memory_space<vmem>> -> memref<2x128x128xi32, #tpu.memory_space<vmem>>
          %dma_start3A_271 = arith.constant 0 : i32
          %dma_start3A_272 = arith.constant 0 : i32
          %dma_start3A_273 = tpu.memref_slice %dma_start3A_270[%dma_start3A_265, %dma_start3A_271, %dma_start3A_272] : memref<2x128x128xi32, #tpu.memory_space<vmem>> -> memref<1x128x128xi32, #tpu.memory_space<vmem>>
          %dma_start3A_274 = tpu.memref_squeeze %dma_start3A_273 : memref<1x128x128xi32, #tpu.memory_space<vmem>> -> memref<128x128xi32, #tpu.memory_space<vmem>>
          %dma_start3A_275 = tpu.memref_slice %arg8[%mul3A_264] : memref<10240xi32, #tpu.memory_space<vmem>> -> memref<128xi32, #tpu.memory_space<vmem>>
          %dma_start3A_276 = arith.constant 0 : i32
          %dma_start3A_277 = arith.constant 0 : i32
          %dma_start3A_278 = tpu.memref_slice %arg4[%dma_start3A_276, %dma_start3A_277] : memref<10000x128xi32, #tpu.memory_space<hbm>> -> memref<10000x128xi32, #tpu.memory_space<hbm>>
          tpu.enqueue_indirect_dma source(%dma_start3A_278 : memref<10000x128xi32, #tpu.memory_space<hbm>>) target(%dma_start3A_274 : memref<128x128xi32, #tpu.memory_space<vmem>>) offsets(%dma_start3A_275 : memref<128xi32, #tpu.memory_space<vmem>>) semaphore(%arg10 : memref<!tpu.dma_semaphore, #tpu.memory_space<semaphore_mem>>)
        } else {
        }
      }
      %scan3A_45 = arith.constant 20 : i32
      %dma_wait3A = arith.constant 0 : i32
      %dma_wait3A_46 = arith.constant 0 : i32
      %dma_wait3A_47 = arith.constant 0 : i32
      %dma_wait3A_48 = arith.constant 0 : i32
      %dma_wait3A_49 = tpu.memref_slice %arg9[%dma_wait3A, %dma_wait3A_46, %dma_wait3A_47, %dma_wait3A_48] : memref<2x2x128x128xi32, #tpu.memory_space<vmem>> -> memref<1x2x128x128xi32, #tpu.memory_space<vmem>>
      %dma_wait3A_50 = tpu.memref_squeeze %dma_wait3A_49 : memref<1x2x128x128xi32, #tpu.memory_space<vmem>> -> memref<2x128x128xi32, #tpu.memory_space<vmem>>
      %dma_wait3A_51 = arith.constant 0 : i32
      %dma_wait3A_52 = arith.constant 0 : i32
      %dma_wait3A_53 = arith.constant 0 : i32
      %dma_wait3A_54 = tpu.memref_slice %arg6[%dma_wait3A_51, %dma_wait3A_52, %dma_wait3A_53] : memref<1280x128x128xi32, #tpu.memory_space<hbm>> -> memref<2x128x128xi32, #tpu.memory_space<hbm>>
      %dma_wait3A_55 = arith.constant 0 : i32
      %dma_wait3A_56 = arith.constant 0 : i32
      %dma_wait3A_57 = arith.constant 0 : i32
      %dma_wait3A_58 = tpu.memref_slice %arg6[%dma_wait3A_55, %dma_wait3A_56, %dma_wait3A_57] : memref<1280x128x128xi32, #tpu.memory_space<hbm>> -> memref<2x128x128xi32, #tpu.memory_space<hbm>>
      %dma_wait3A_59 = arith.constant 0 : i32
      %dma_wait3A_60 = arith.constant 0 : i32
      %dma_wait3A_61 = arith.constant 0 : i32
      %dma_wait3A_62 = tpu.memref_slice %arg9[%dma_wait3A, %dma_wait3A_59, %dma_wait3A_60, %dma_wait3A_61] : memref<2x2x128x128xi32, #tpu.memory_space<vmem>> -> memref<1x2x128x128xi32, #tpu.memory_space<vmem>>
      %dma_wait3A_63 = tpu.memref_squeeze %dma_wait3A_62 : memref<1x2x128x128xi32, #tpu.memory_space<vmem>> -> memref<2x128x128xi32, #tpu.memory_space<vmem>>
      tpu.wait_dma2 semaphore(%arg12 : memref<!tpu.dma_semaphore, #tpu.memory_space<semaphore_mem>>) src(%dma_wait3A_63 : memref<2x128x128xi32, #tpu.memory_space<vmem>>) dst(%dma_wait3A_58 : memref<2x128x128xi32, #tpu.memory_space<hbm>>)
      %dma_wait3A_64 = arith.constant 1 : i32
      %dma_wait3A_65 = arith.constant 0 : i32
      %dma_wait3A_66 = arith.constant 0 : i32
      %dma_wait3A_67 = arith.constant 0 : i32
      %dma_wait3A_68 = tpu.memref_slice %arg9[%dma_wait3A_64, %dma_wait3A_65, %dma_wait3A_66, %dma_wait3A_67] : memref<2x2x128x128xi32, #tpu.memory_space<vmem>> -> memref<1x2x128x128xi32, #tpu.memory_space<vmem>>
      %dma_wait3A_69 = tpu.memref_squeeze %dma_wait3A_68 : memref<1x2x128x128xi32, #tpu.memory_space<vmem>> -> memref<2x128x128xi32, #tpu.memory_space<vmem>>
      %dma_wait3A_70 = arith.constant 0 : i32
      %dma_wait3A_71 = arith.constant 0 : i32
      %dma_wait3A_72 = arith.constant 0 : i32
      %dma_wait3A_73 = tpu.memref_slice %arg6[%dma_wait3A_70, %dma_wait3A_71, %dma_wait3A_72] : memref<1280x128x128xi32, #tpu.memory_space<hbm>> -> memref<2x128x128xi32, #tpu.memory_space<hbm>>
      %dma_wait3A_74 = arith.constant 0 : i32
      %dma_wait3A_75 = arith.constant 0 : i32
      %dma_wait3A_76 = arith.constant 0 : i32
      %dma_wait3A_77 = tpu.memref_slice %arg6[%dma_wait3A_74, %dma_wait3A_75, %dma_wait3A_76] : memref<1280x128x128xi32, #tpu.memory_space<hbm>> -> memref<2x128x128xi32, #tpu.memory_space<hbm>>
      %dma_wait3A_78 = arith.constant 0 : i32
      %dma_wait3A_79 = arith.constant 0 : i32
      %dma_wait3A_80 = arith.constant 0 : i32
      %dma_wait3A_81 = tpu.memref_slice %arg9[%dma_wait3A_64, %dma_wait3A_78, %dma_wait3A_79, %dma_wait3A_80] : memref<2x2x128x128xi32, #tpu.memory_space<vmem>> -> memref<1x2x128x128xi32, #tpu.memory_space<vmem>>
      %dma_wait3A_82 = tpu.memref_squeeze %dma_wait3A_81 : memref<1x2x128x128xi32, #tpu.memory_space<vmem>> -> memref<2x128x128xi32, #tpu.memory_space<vmem>>
      tpu.wait_dma2 semaphore(%arg13 : memref<!tpu.dma_semaphore, #tpu.memory_space<semaphore_mem>>) src(%dma_wait3A_82 : memref<2x128x128xi32, #tpu.memory_space<vmem>>) dst(%dma_wait3A_77 : memref<2x128x128xi32, #tpu.memory_space<hbm>>)
    } else {
    }
    %eq3A_2 = arith.constant 1 : i32
    %eq3A_3 = arith.cmpi eq, %arg0, %eq3A_2 : i32
    %convert_element_type3A_4 = arith.extui %eq3A_3 : i1 to i32
    %cond3A_5 = arith.constant 0 : i32
    %cond3A_6 = arith.cmpi ne, %convert_element_type3A_4, %cond3A_5 : i32
    scf.if %cond3A_6 {
      %mul3A = arith.constant 10240 : i32
      %mul3A_7 = arith.muli %arg1, %mul3A : i32
      "tpu.region"() ({
        %run_scoped3A = tpu.sem_alloc : memref<!tpu.dma_semaphore, #tpu.memory_space<semaphore_mem>>
        %dma_start3A_83 = tpu.memref_slice %arg3[%mul3A_7] : memref<163840xi32, #tpu.memory_space<hbm>> -> memref<10240xi32, #tpu.memory_space<hbm>>
        %dma_start3A_84 = tpu.memref_slice %arg3[%mul3A_7] : memref<163840xi32, #tpu.memory_space<hbm>> -> memref<10240xi32, #tpu.memory_space<hbm>>
        tpu.enqueue_dma source(%dma_start3A_84 : memref<10240xi32, #tpu.memory_space<hbm>>) target(%arg8 : memref<10240xi32, #tpu.memory_space<vmem>>) target_semaphore(%run_scoped3A : memref<!tpu.dma_semaphore, #tpu.memory_space<semaphore_mem>>)
        %dma_wait3A_85 = tpu.memref_slice %arg3[%mul3A_7] : memref<163840xi32, #tpu.memory_space<hbm>> -> memref<10240xi32, #tpu.memory_space<hbm>>
        %dma_wait3A_86 = tpu.memref_slice %arg3[%mul3A_7] : memref<163840xi32, #tpu.memory_space<hbm>> -> memref<10240xi32, #tpu.memory_space<hbm>>
        tpu.wait_dma2 semaphore(%run_scoped3A : memref<!tpu.dma_semaphore, #tpu.memory_space<semaphore_mem>>) src(%dma_wait3A_86 : memref<10240xi32, #tpu.memory_space<hbm>>) dst(%arg8 : memref<10240xi32, #tpu.memory_space<vmem>>)
        tpu.yield
      }) : () -> ()
      %dma_start3A = arith.constant 0 : i32
      %dma_start3A_8 = arith.constant 0 : i32
      %dma_start3A_9 = arith.constant 0 : i32
      %dma_start3A_10 = arith.constant 0 : i32
      %dma_start3A_11 = arith.constant 0 : i32
      %dma_start3A_12 = tpu.memref_slice %arg9[%dma_start3A, %dma_start3A_9, %dma_start3A_10, %dma_start3A_11] : memref<2x2x128x128xi32, #tpu.memory_space<vmem>> -> memref<1x2x128x128xi32, #tpu.memory_space<vmem>>
      %dma_start3A_13 = tpu.memref_squeeze %dma_start3A_12 : memref<1x2x128x128xi32, #tpu.memory_space<vmem>> -> memref<2x128x128xi32, #tpu.memory_space<vmem>>
      %dma_start3A_14 = arith.constant 0 : i32
      %dma_start3A_15 = arith.constant 0 : i32
      %dma_start3A_16 = tpu.memref_slice %dma_start3A_13[%dma_start3A_8, %dma_start3A_14, %dma_start3A_15] : memref<2x128x128xi32, #tpu.memory_space<vmem>> -> memref<1x128x128xi32, #tpu.memory_space<vmem>>
      %dma_start3A_17 = tpu.memref_squeeze %dma_start3A_16 : memref<1x128x128xi32, #tpu.memory_space<vmem>> -> memref<128x128xi32, #tpu.memory_space<vmem>>
      %dma_start3A_18 = arith.constant 0 : i32
      %dma_start3A_19 = tpu.memref_slice %arg8[%dma_start3A_18] : memref<10240xi32, #tpu.memory_space<vmem>> -> memref<128xi32, #tpu.memory_space<vmem>>
      %dma_start3A_20 = arith.constant 0 : i32
      %dma_start3A_21 = arith.constant 0 : i32
      %dma_start3A_22 = tpu.memref_slice %arg5[%dma_start3A_20, %dma_start3A_21] : memref<10000x128xi32, #tpu.memory_space<hbm>> -> memref<10000x128xi32, #tpu.memory_space<hbm>>
      tpu.enqueue_indirect_dma source(%dma_start3A_22 : memref<10000x128xi32, #tpu.memory_space<hbm>>) target(%dma_start3A_17 : memref<128x128xi32, #tpu.memory_space<vmem>>) offsets(%dma_start3A_19 : memref<128xi32, #tpu.memory_space<vmem>>) semaphore(%arg10 : memref<!tpu.dma_semaphore, #tpu.memory_space<semaphore_mem>>)
      %dma_start3A_23 = arith.constant 0 : i32
      %dma_start3A_24 = arith.constant 1 : i32
      %dma_start3A_25 = arith.constant 0 : i32
      %dma_start3A_26 = arith.constant 0 : i32
      %dma_start3A_27 = arith.constant 0 : i32
      %dma_start3A_28 = tpu.memref_slice %arg9[%dma_start3A_23, %dma_start3A_25, %dma_start3A_26, %dma_start3A_27] : memref<2x2x128x128xi32, #tpu.memory_space<vmem>> -> memref<1x2x128x128xi32, #tpu.memory_space<vmem>>
      %dma_start3A_29 = tpu.memref_squeeze %dma_start3A_28 : memref<1x2x128x128xi32, #tpu.memory_space<vmem>> -> memref<2x128x128xi32, #tpu.memory_space<vmem>>
      %dma_start3A_30 = arith.constant 0 : i32
      %dma_start3A_31 = arith.constant 0 : i32
      %dma_start3A_32 = tpu.memref_slice %dma_start3A_29[%dma_start3A_24, %dma_start3A_30, %dma_start3A_31] : memref<2x128x128xi32, #tpu.memory_space<vmem>> -> memref<1x128x128xi32, #tpu.memory_space<vmem>>
      %dma_start3A_33 = tpu.memref_squeeze %dma_start3A_32 : memref<1x128x128xi32, #tpu.memory_space<vmem>> -> memref<128x128xi32, #tpu.memory_space<vmem>>
      %dma_start3A_34 = arith.constant 128 : i32
      %dma_start3A_35 = tpu.memref_slice %arg8[%dma_start3A_34] : memref<10240xi32, #tpu.memory_space<vmem>> -> memref<128xi32, #tpu.memory_space<vmem>>
      %dma_start3A_36 = arith.constant 0 : i32
      %dma_start3A_37 = arith.constant 0 : i32
      %dma_start3A_38 = tpu.memref_slice %arg5[%dma_start3A_36, %dma_start3A_37] : memref<10000x128xi32, #tpu.memory_space<hbm>> -> memref<10000x128xi32, #tpu.memory_space<hbm>>
      tpu.enqueue_indirect_dma source(%dma_start3A_38 : memref<10000x128xi32, #tpu.memory_space<hbm>>) target(%dma_start3A_33 : memref<128x128xi32, #tpu.memory_space<vmem>>) offsets(%dma_start3A_35 : memref<128xi32, #tpu.memory_space<vmem>>) semaphore(%arg10 : memref<!tpu.dma_semaphore, #tpu.memory_space<semaphore_mem>>)
      %scan3A = arith.constant 0 : i32
      %scan3A_39 = arith.constant 0 : i32
      %scan3A_40 = arith.constant 1 : i32
      %scan3A_41 = arith.constant 0 : i32
      %scan3A_42 = arith.constant 20 : i32
      %scan3A_43 = arith.addi %scan3A_41, %scan3A_42 : i32
      %scan3A_44 = arith.constant 1 : i32
      scf.for %scan3A_83 = %scan3A_41 to %scan3A_43 step %scan3A_44  : i32 {
        %mul3A_84 = arith.constant 2 : i32
        %mul3A_85 = arith.muli %mul3A_84, %scan3A_83 : i32
        %dma_wait3A_86 = arith.constant 0 : i32
        %dma_wait3A_87 = arith.constant 0 : i32
        %dma_wait3A_88 = arith.constant 0 : i32
        %dma_wait3A_89 = tpu.memref_slice %arg9[%scan3A_39, %dma_wait3A_86, %dma_wait3A_87, %dma_wait3A_88] : memref<2x2x128x128xi32, #tpu.memory_space<vmem>> -> memref<1x2x128x128xi32, #tpu.memory_space<vmem>>
        %dma_wait3A_90 = tpu.memref_squeeze %dma_wait3A_89 : memref<1x2x128x128xi32, #tpu.memory_space<vmem>> -> memref<2x128x128xi32, #tpu.memory_space<vmem>>
        %dma_wait3A_91 = arith.constant 0 : i32
        %dma_wait3A_92 = arith.constant 0 : i32
        %dma_wait3A_93 = arith.constant 0 : i32
        %dma_wait3A_94 = tpu.memref_slice %arg7[%dma_wait3A_91, %dma_wait3A_92, %dma_wait3A_93] : memref<1280x128x128xi32, #tpu.memory_space<hbm>> -> memref<2x128x128xi32, #tpu.memory_space<hbm>>
        %dma_wait3A_95 = arith.constant 0 : i32
        %dma_wait3A_96 = arith.constant 0 : i32
        %dma_wait3A_97 = arith.constant 0 : i32
        %dma_wait3A_98 = tpu.memref_slice %arg9[%scan3A_39, %dma_wait3A_95, %dma_wait3A_96, %dma_wait3A_97] : memref<2x2x128x128xi32, #tpu.memory_space<vmem>> -> memref<1x2x128x128xi32, #tpu.memory_space<vmem>>
        %dma_wait3A_99 = tpu.memref_squeeze %dma_wait3A_98 : memref<1x2x128x128xi32, #tpu.memory_space<vmem>> -> memref<2x128x128xi32, #tpu.memory_space<vmem>>
        %dma_wait3A_100 = arith.constant 0 : i32
        %dma_wait3A_101 = arith.constant 0 : i32
        %dma_wait3A_102 = arith.constant 0 : i32
        %dma_wait3A_103 = tpu.memref_slice %arg7[%dma_wait3A_100, %dma_wait3A_101, %dma_wait3A_102] : memref<1280x128x128xi32, #tpu.memory_space<hbm>> -> memref<2x128x128xi32, #tpu.memory_space<hbm>>
        tpu.wait_dma2 semaphore(%arg10 : memref<!tpu.dma_semaphore, #tpu.memory_space<semaphore_mem>>) src(%dma_wait3A_103 : memref<2x128x128xi32, #tpu.memory_space<hbm>>) dst(%dma_wait3A_99 : memref<2x128x128xi32, #tpu.memory_space<vmem>>)
        %mul3A_104 = arith.constant 40 : i32
        %mul3A_105 = arith.muli %arg1, %mul3A_104 : i32
        %mul3A_106 = arith.constant 2 : i32
        %mul3A_107 = arith.muli %mul3A_105, %mul3A_106 : i32
        %mul3A_108 = arith.constant 2 : i32
        %mul3A_109 = arith.muli %mul3A_85, %mul3A_108 : i32
        %add3A = arith.addi %mul3A_107, %mul3A_109 : i32
        %dma_start3A_110 = arith.constant 0 : i32
        %dma_start3A_111 = arith.constant 0 : i32
        %dma_start3A_112 = arith.constant 0 : i32
        %dma_start3A_113 = tpu.memref_slice %arg9[%scan3A_39, %dma_start3A_110, %dma_start3A_111, %dma_start3A_112] : memref<2x2x128x128xi32, #tpu.memory_space<vmem>> -> memref<1x2x128x128xi32, #tpu.memory_space<vmem>>
        %dma_start3A_114 = tpu.memref_squeeze %dma_start3A_113 : memref<1x2x128x128xi32, #tpu.memory_space<vmem>> -> memref<2x128x128xi32, #tpu.memory_space<vmem>>
        %dma_start3A_115 = arith.constant 0 : i32
        %dma_start3A_116 = arith.constant 0 : i32
        %dma_start3A_117 = tpu.memref_slice %arg7[%add3A, %dma_start3A_115, %dma_start3A_116] : memref<1280x128x128xi32, #tpu.memory_space<hbm>> -> memref<2x128x128xi32, #tpu.memory_space<hbm>>
        %dma_start3A_118 = arith.constant 0 : i32
        %dma_start3A_119 = arith.constant 0 : i32
        %dma_start3A_120 = tpu.memref_slice %arg7[%add3A, %dma_start3A_118, %dma_start3A_119] : memref<1280x128x128xi32, #tpu.memory_space<hbm>> -> memref<2x128x128xi32, #tpu.memory_space<hbm>>
        %dma_start3A_121 = arith.constant 0 : i32
        %dma_start3A_122 = arith.constant 0 : i32
        %dma_start3A_123 = arith.constant 0 : i32
        %dma_start3A_124 = tpu.memref_slice %arg9[%scan3A_39, %dma_start3A_121, %dma_start3A_122, %dma_start3A_123] : memref<2x2x128x128xi32, #tpu.memory_space<vmem>> -> memref<1x2x128x128xi32, #tpu.memory_space<vmem>>
        %dma_start3A_125 = tpu.memref_squeeze %dma_start3A_124 : memref<1x2x128x128xi32, #tpu.memory_space<vmem>> -> memref<2x128x128xi32, #tpu.memory_space<vmem>>
        tpu.enqueue_dma source(%dma_start3A_125 : memref<2x128x128xi32, #tpu.memory_space<vmem>>) target(%dma_start3A_120 : memref<2x128x128xi32, #tpu.memory_space<hbm>>) target_semaphore(%arg12 : memref<!tpu.dma_semaphore, #tpu.memory_space<semaphore_mem>>)
        %gt3A = arith.constant 0 : i32
        %gt3A_126 = arith.cmpi sgt, %scan3A_83, %gt3A : i32
        %convert_element_type3A_127 = arith.extui %gt3A_126 : i1 to i32
        %cond3A_128 = arith.constant 0 : i32
        %cond3A_129 = arith.cmpi ne, %convert_element_type3A_127, %cond3A_128 : i32
        scf.if %cond3A_129 {
          %dma_wait3A_219 = arith.constant 0 : i32
          %dma_wait3A_220 = arith.constant 0 : i32
          %dma_wait3A_221 = arith.constant 0 : i32
          %dma_wait3A_222 = tpu.memref_slice %arg9[%scan3A_40, %dma_wait3A_219, %dma_wait3A_220, %dma_wait3A_221] : memref<2x2x128x128xi32, #tpu.memory_space<vmem>> -> memref<1x2x128x128xi32, #tpu.memory_space<vmem>>
          %dma_wait3A_223 = tpu.memref_squeeze %dma_wait3A_222 : memref<1x2x128x128xi32, #tpu.memory_space<vmem>> -> memref<2x128x128xi32, #tpu.memory_space<vmem>>
          %dma_wait3A_224 = arith.constant 0 : i32
          %dma_wait3A_225 = arith.constant 0 : i32
          %dma_wait3A_226 = arith.constant 0 : i32
          %dma_wait3A_227 = tpu.memref_slice %arg7[%dma_wait3A_224, %dma_wait3A_225, %dma_wait3A_226] : memref<1280x128x128xi32, #tpu.memory_space<hbm>> -> memref<2x128x128xi32, #tpu.memory_space<hbm>>
          %dma_wait3A_228 = arith.constant 0 : i32
          %dma_wait3A_229 = arith.constant 0 : i32
          %dma_wait3A_230 = arith.constant 0 : i32
          %dma_wait3A_231 = tpu.memref_slice %arg7[%dma_wait3A_228, %dma_wait3A_229, %dma_wait3A_230] : memref<1280x128x128xi32, #tpu.memory_space<hbm>> -> memref<2x128x128xi32, #tpu.memory_space<hbm>>
          %dma_wait3A_232 = arith.constant 0 : i32
          %dma_wait3A_233 = arith.constant 0 : i32
          %dma_wait3A_234 = arith.constant 0 : i32
          %dma_wait3A_235 = tpu.memref_slice %arg9[%scan3A_40, %dma_wait3A_232, %dma_wait3A_233, %dma_wait3A_234] : memref<2x2x128x128xi32, #tpu.memory_space<vmem>> -> memref<1x2x128x128xi32, #tpu.memory_space<vmem>>
          %dma_wait3A_236 = tpu.memref_squeeze %dma_wait3A_235 : memref<1x2x128x128xi32, #tpu.memory_space<vmem>> -> memref<2x128x128xi32, #tpu.memory_space<vmem>>
          tpu.wait_dma2 semaphore(%arg13 : memref<!tpu.dma_semaphore, #tpu.memory_space<semaphore_mem>>) src(%dma_wait3A_236 : memref<2x128x128xi32, #tpu.memory_space<vmem>>) dst(%dma_wait3A_231 : memref<2x128x128xi32, #tpu.memory_space<hbm>>)
        } else {
        }
        %add3A_130 = arith.constant 1 : i32
        %add3A_131 = arith.addi %mul3A_85, %add3A_130 : i32
        %mul3A_132 = arith.constant 2 : i32
        %mul3A_133 = arith.muli %add3A_131, %mul3A_132 : i32
        %add3A_134 = arith.constant 0 : i32
        %add3A_135 = arith.addi %mul3A_133, %add3A_134 : i32
        %mul3A_136 = arith.constant 128 : i32
        %mul3A_137 = arith.muli %add3A_135, %mul3A_136 : i32
        %dma_start3A_138 = arith.constant 0 : i32
        %dma_start3A_139 = arith.constant 0 : i32
        %dma_start3A_140 = arith.constant 0 : i32
        %dma_start3A_141 = arith.constant 0 : i32
        %dma_start3A_142 = tpu.memref_slice %arg9[%scan3A_40, %dma_start3A_139, %dma_start3A_140, %dma_start3A_141] : memref<2x2x128x128xi32, #tpu.memory_space<vmem>> -> memref<1x2x128x128xi32, #tpu.memory_space<vmem>>
        %dma_start3A_143 = tpu.memref_squeeze %dma_start3A_142 : memref<1x2x128x128xi32, #tpu.memory_space<vmem>> -> memref<2x128x128xi32, #tpu.memory_space<vmem>>
        %dma_start3A_144 = arith.constant 0 : i32
        %dma_start3A_145 = arith.constant 0 : i32
        %dma_start3A_146 = tpu.memref_slice %dma_start3A_143[%dma_start3A_138, %dma_start3A_144, %dma_start3A_145] : memref<2x128x128xi32, #tpu.memory_space<vmem>> -> memref<1x128x128xi32, #tpu.memory_space<vmem>>
        %dma_start3A_147 = tpu.memref_squeeze %dma_start3A_146 : memref<1x128x128xi32, #tpu.memory_space<vmem>> -> memref<128x128xi32, #tpu.memory_space<vmem>>
        %dma_start3A_148 = tpu.memref_slice %arg8[%mul3A_137] : memref<10240xi32, #tpu.memory_space<vmem>> -> memref<128xi32, #tpu.memory_space<vmem>>
        %dma_start3A_149 = arith.constant 0 : i32
        %dma_start3A_150 = arith.constant 0 : i32
        %dma_start3A_151 = tpu.memref_slice %arg5[%dma_start3A_149, %dma_start3A_150] : memref<10000x128xi32, #tpu.memory_space<hbm>> -> memref<10000x128xi32, #tpu.memory_space<hbm>>
        tpu.enqueue_indirect_dma source(%dma_start3A_151 : memref<10000x128xi32, #tpu.memory_space<hbm>>) target(%dma_start3A_147 : memref<128x128xi32, #tpu.memory_space<vmem>>) offsets(%dma_start3A_148 : memref<128xi32, #tpu.memory_space<vmem>>) semaphore(%arg11 : memref<!tpu.dma_semaphore, #tpu.memory_space<semaphore_mem>>)
        %mul3A_152 = arith.constant 2 : i32
        %mul3A_153 = arith.muli %add3A_131, %mul3A_152 : i32
        %add3A_154 = arith.constant 1 : i32
        %add3A_155 = arith.addi %mul3A_153, %add3A_154 : i32
        %mul3A_156 = arith.constant 128 : i32
        %mul3A_157 = arith.muli %add3A_155, %mul3A_156 : i32
        %dma_start3A_158 = arith.constant 1 : i32
        %dma_start3A_159 = arith.constant 0 : i32
        %dma_start3A_160 = arith.constant 0 : i32
        %dma_start3A_161 = arith.constant 0 : i32
        %dma_start3A_162 = tpu.memref_slice %arg9[%scan3A_40, %dma_start3A_159, %dma_start3A_160, %dma_start3A_161] : memref<2x2x128x128xi32, #tpu.memory_space<vmem>> -> memref<1x2x128x128xi32, #tpu.memory_space<vmem>>
        %dma_start3A_163 = tpu.memref_squeeze %dma_start3A_162 : memref<1x2x128x128xi32, #tpu.memory_space<vmem>> -> memref<2x128x128xi32, #tpu.memory_space<vmem>>
        %dma_start3A_164 = arith.constant 0 : i32
        %dma_start3A_165 = arith.constant 0 : i32
        %dma_start3A_166 = tpu.memref_slice %dma_start3A_163[%dma_start3A_158, %dma_start3A_164, %dma_start3A_165] : memref<2x128x128xi32, #tpu.memory_space<vmem>> -> memref<1x128x128xi32, #tpu.memory_space<vmem>>
        %dma_start3A_167 = tpu.memref_squeeze %dma_start3A_166 : memref<1x128x128xi32, #tpu.memory_space<vmem>> -> memref<128x128xi32, #tpu.memory_space<vmem>>
        %dma_start3A_168 = tpu.memref_slice %arg8[%mul3A_157] : memref<10240xi32, #tpu.memory_space<vmem>> -> memref<128xi32, #tpu.memory_space<vmem>>
        %dma_start3A_169 = arith.constant 0 : i32
        %dma_start3A_170 = arith.constant 0 : i32
        %dma_start3A_171 = tpu.memref_slice %arg5[%dma_start3A_169, %dma_start3A_170] : memref<10000x128xi32, #tpu.memory_space<hbm>> -> memref<10000x128xi32, #tpu.memory_space<hbm>>
        tpu.enqueue_indirect_dma source(%dma_start3A_171 : memref<10000x128xi32, #tpu.memory_space<hbm>>) target(%dma_start3A_167 : memref<128x128xi32, #tpu.memory_space<vmem>>) offsets(%dma_start3A_168 : memref<128xi32, #tpu.memory_space<vmem>>) semaphore(%arg11 : memref<!tpu.dma_semaphore, #tpu.memory_space<semaphore_mem>>)
        %dma_wait3A_172 = arith.constant 0 : i32
        %dma_wait3A_173 = arith.constant 0 : i32
        %dma_wait3A_174 = arith.constant 0 : i32
        %dma_wait3A_175 = tpu.memref_slice %arg9[%scan3A_40, %dma_wait3A_172, %dma_wait3A_173, %dma_wait3A_174] : memref<2x2x128x128xi32, #tpu.memory_space<vmem>> -> memref<1x2x128x128xi32, #tpu.memory_space<vmem>>
        %dma_wait3A_176 = tpu.memref_squeeze %dma_wait3A_175 : memref<1x2x128x128xi32, #tpu.memory_space<vmem>> -> memref<2x128x128xi32, #tpu.memory_space<vmem>>
        %dma_wait3A_177 = arith.constant 0 : i32
        %dma_wait3A_178 = arith.constant 0 : i32
        %dma_wait3A_179 = arith.constant 0 : i32
        %dma_wait3A_180 = tpu.memref_slice %arg7[%dma_wait3A_177, %dma_wait3A_178, %dma_wait3A_179] : memref<1280x128x128xi32, #tpu.memory_space<hbm>> -> memref<2x128x128xi32, #tpu.memory_space<hbm>>
        %dma_wait3A_181 = arith.constant 0 : i32
        %dma_wait3A_182 = arith.constant 0 : i32
        %dma_wait3A_183 = arith.constant 0 : i32
        %dma_wait3A_184 = tpu.memref_slice %arg9[%scan3A_40, %dma_wait3A_181, %dma_wait3A_182, %dma_wait3A_183] : memref<2x2x128x128xi32, #tpu.memory_space<vmem>> -> memref<1x2x128x128xi32, #tpu.memory_space<vmem>>
        %dma_wait3A_185 = tpu.memref_squeeze %dma_wait3A_184 : memref<1x2x128x128xi32, #tpu.memory_space<vmem>> -> memref<2x128x128xi32, #tpu.memory_space<vmem>>
        %dma_wait3A_186 = arith.constant 0 : i32
        %dma_wait3A_187 = arith.constant 0 : i32
        %dma_wait3A_188 = arith.constant 0 : i32
        %dma_wait3A_189 = tpu.memref_slice %arg7[%dma_wait3A_186, %dma_wait3A_187, %dma_wait3A_188] : memref<1280x128x128xi32, #tpu.memory_space<hbm>> -> memref<2x128x128xi32, #tpu.memory_space<hbm>>
        tpu.wait_dma2 semaphore(%arg11 : memref<!tpu.dma_semaphore, #tpu.memory_space<semaphore_mem>>) src(%dma_wait3A_189 : memref<2x128x128xi32, #tpu.memory_space<hbm>>) dst(%dma_wait3A_185 : memref<2x128x128xi32, #tpu.memory_space<vmem>>)
        %add3A_190 = arith.constant 1 : i32
        %add3A_191 = arith.addi %mul3A_85, %add3A_190 : i32
        %mul3A_192 = arith.constant 40 : i32
        %mul3A_193 = arith.muli %arg1, %mul3A_192 : i32
        %mul3A_194 = arith.constant 2 : i32
        %mul3A_195 = arith.muli %mul3A_193, %mul3A_194 : i32
        %mul3A_196 = arith.constant 2 : i32
        %mul3A_197 = arith.muli %add3A_191, %mul3A_196 : i32
        %add3A_198 = arith.addi %mul3A_195, %mul3A_197 : i32
        %dma_start3A_199 = arith.constant 0 : i32
        %dma_start3A_200 = arith.constant 0 : i32
        %dma_start3A_201 = arith.constant 0 : i32
        %dma_start3A_202 = tpu.memref_slice %arg9[%scan3A_40, %dma_start3A_199, %dma_start3A_200, %dma_start3A_201] : memref<2x2x128x128xi32, #tpu.memory_space<vmem>> -> memref<1x2x128x128xi32, #tpu.memory_space<vmem>>
        %dma_start3A_203 = tpu.memref_squeeze %dma_start3A_202 : memref<1x2x128x128xi32, #tpu.memory_space<vmem>> -> memref<2x128x128xi32, #tpu.memory_space<vmem>>
        %dma_start3A_204 = arith.constant 0 : i32
        %dma_start3A_205 = arith.constant 0 : i32
        %dma_start3A_206 = tpu.memref_slice %arg7[%add3A_198, %dma_start3A_204, %dma_start3A_205] : memref<1280x128x128xi32, #tpu.memory_space<hbm>> -> memref<2x128x128xi32, #tpu.memory_space<hbm>>
        %dma_start3A_207 = arith.constant 0 : i32
        %dma_start3A_208 = arith.constant 0 : i32
        %dma_start3A_209 = tpu.memref_slice %arg7[%add3A_198, %dma_start3A_207, %dma_start3A_208] : memref<1280x128x128xi32, #tpu.memory_space<hbm>> -> memref<2x128x128xi32, #tpu.memory_space<hbm>>
        %dma_start3A_210 = arith.constant 0 : i32
        %dma_start3A_211 = arith.constant 0 : i32
        %dma_start3A_212 = arith.constant 0 : i32
        %dma_start3A_213 = tpu.memref_slice %arg9[%scan3A_40, %dma_start3A_210, %dma_start3A_211, %dma_start3A_212] : memref<2x2x128x128xi32, #tpu.memory_space<vmem>> -> memref<1x2x128x128xi32, #tpu.memory_space<vmem>>
        %dma_start3A_214 = tpu.memref_squeeze %dma_start3A_213 : memref<1x2x128x128xi32, #tpu.memory_space<vmem>> -> memref<2x128x128xi32, #tpu.memory_space<vmem>>
        tpu.enqueue_dma source(%dma_start3A_214 : memref<2x128x128xi32, #tpu.memory_space<vmem>>) target(%dma_start3A_209 : memref<2x128x128xi32, #tpu.memory_space<hbm>>) target_semaphore(%arg13 : memref<!tpu.dma_semaphore, #tpu.memory_space<semaphore_mem>>)
        %lt3A = arith.constant 19 : i32
        %lt3A_215 = arith.cmpi slt, %scan3A_83, %lt3A : i32
        %convert_element_type3A_216 = arith.extui %lt3A_215 : i1 to i32
        %cond3A_217 = arith.constant 0 : i32
        %cond3A_218 = arith.cmpi ne, %convert_element_type3A_216, %cond3A_217 : i32
        scf.if %cond3A_218 {
          %dma_wait3A_219 = arith.constant 0 : i32
          %dma_wait3A_220 = arith.constant 0 : i32
          %dma_wait3A_221 = arith.constant 0 : i32
          %dma_wait3A_222 = tpu.memref_slice %arg9[%scan3A_39, %dma_wait3A_219, %dma_wait3A_220, %dma_wait3A_221] : memref<2x2x128x128xi32, #tpu.memory_space<vmem>> -> memref<1x2x128x128xi32, #tpu.memory_space<vmem>>
          %dma_wait3A_223 = tpu.memref_squeeze %dma_wait3A_222 : memref<1x2x128x128xi32, #tpu.memory_space<vmem>> -> memref<2x128x128xi32, #tpu.memory_space<vmem>>
          %dma_wait3A_224 = arith.constant 0 : i32
          %dma_wait3A_225 = arith.constant 0 : i32
          %dma_wait3A_226 = arith.constant 0 : i32
          %dma_wait3A_227 = tpu.memref_slice %arg7[%dma_wait3A_224, %dma_wait3A_225, %dma_wait3A_226] : memref<1280x128x128xi32, #tpu.memory_space<hbm>> -> memref<2x128x128xi32, #tpu.memory_space<hbm>>
          %dma_wait3A_228 = arith.constant 0 : i32
          %dma_wait3A_229 = arith.constant 0 : i32
          %dma_wait3A_230 = arith.constant 0 : i32
          %dma_wait3A_231 = tpu.memref_slice %arg7[%dma_wait3A_228, %dma_wait3A_229, %dma_wait3A_230] : memref<1280x128x128xi32, #tpu.memory_space<hbm>> -> memref<2x128x128xi32, #tpu.memory_space<hbm>>
          %dma_wait3A_232 = arith.constant 0 : i32
          %dma_wait3A_233 = arith.constant 0 : i32
          %dma_wait3A_234 = arith.constant 0 : i32
          %dma_wait3A_235 = tpu.memref_slice %arg9[%scan3A_39, %dma_wait3A_232, %dma_wait3A_233, %dma_wait3A_234] : memref<2x2x128x128xi32, #tpu.memory_space<vmem>> -> memref<1x2x128x128xi32, #tpu.memory_space<vmem>>
          %dma_wait3A_236 = tpu.memref_squeeze %dma_wait3A_235 : memref<1x2x128x128xi32, #tpu.memory_space<vmem>> -> memref<2x128x128xi32, #tpu.memory_space<vmem>>
          tpu.wait_dma2 semaphore(%arg12 : memref<!tpu.dma_semaphore, #tpu.memory_space<semaphore_mem>>) src(%dma_wait3A_236 : memref<2x128x128xi32, #tpu.memory_space<vmem>>) dst(%dma_wait3A_231 : memref<2x128x128xi32, #tpu.memory_space<hbm>>)
          %add3A_237 = arith.constant 2 : i32
          %add3A_238 = arith.addi %mul3A_85, %add3A_237 : i32
          %mul3A_239 = arith.constant 2 : i32
          %mul3A_240 = arith.muli %add3A_238, %mul3A_239 : i32
          %add3A_241 = arith.constant 0 : i32
          %add3A_242 = arith.addi %mul3A_240, %add3A_241 : i32
          %mul3A_243 = arith.constant 128 : i32
          %mul3A_244 = arith.muli %add3A_242, %mul3A_243 : i32
          %dma_start3A_245 = arith.constant 0 : i32
          %dma_start3A_246 = arith.constant 0 : i32
          %dma_start3A_247 = arith.constant 0 : i32
          %dma_start3A_248 = arith.constant 0 : i32
          %dma_start3A_249 = tpu.memref_slice %arg9[%scan3A_39, %dma_start3A_246, %dma_start3A_247, %dma_start3A_248] : memref<2x2x128x128xi32, #tpu.memory_space<vmem>> -> memref<1x2x128x128xi32, #tpu.memory_space<vmem>>
          %dma_start3A_250 = tpu.memref_squeeze %dma_start3A_249 : memref<1x2x128x128xi32, #tpu.memory_space<vmem>> -> memref<2x128x128xi32, #tpu.memory_space<vmem>>
          %dma_start3A_251 = arith.constant 0 : i32
          %dma_start3A_252 = arith.constant 0 : i32
          %dma_start3A_253 = tpu.memref_slice %dma_start3A_250[%dma_start3A_245, %dma_start3A_251, %dma_start3A_252] : memref<2x128x128xi32, #tpu.memory_space<vmem>> -> memref<1x128x128xi32, #tpu.memory_space<vmem>>
          %dma_start3A_254 = tpu.memref_squeeze %dma_start3A_253 : memref<1x128x128xi32, #tpu.memory_space<vmem>> -> memref<128x128xi32, #tpu.memory_space<vmem>>
          %dma_start3A_255 = tpu.memref_slice %arg8[%mul3A_244] : memref<10240xi32, #tpu.memory_space<vmem>> -> memref<128xi32, #tpu.memory_space<vmem>>
          %dma_start3A_256 = arith.constant 0 : i32
          %dma_start3A_257 = arith.constant 0 : i32
          %dma_start3A_258 = tpu.memref_slice %arg5[%dma_start3A_256, %dma_start3A_257] : memref<10000x128xi32, #tpu.memory_space<hbm>> -> memref<10000x128xi32, #tpu.memory_space<hbm>>
          tpu.enqueue_indirect_dma source(%dma_start3A_258 : memref<10000x128xi32, #tpu.memory_space<hbm>>) target(%dma_start3A_254 : memref<128x128xi32, #tpu.memory_space<vmem>>) offsets(%dma_start3A_255 : memref<128xi32, #tpu.memory_space<vmem>>) semaphore(%arg10 : memref<!tpu.dma_semaphore, #tpu.memory_space<semaphore_mem>>)
          %mul3A_259 = arith.constant 2 : i32
          %mul3A_260 = arith.muli %add3A_238, %mul3A_259 : i32
          %add3A_261 = arith.constant 1 : i32
          %add3A_262 = arith.addi %mul3A_260, %add3A_261 : i32
          %mul3A_263 = arith.constant 128 : i32
          %mul3A_264 = arith.muli %add3A_262, %mul3A_263 : i32
          %dma_start3A_265 = arith.constant 1 : i32
          %dma_start3A_266 = arith.constant 0 : i32
          %dma_start3A_267 = arith.constant 0 : i32
          %dma_start3A_268 = arith.constant 0 : i32
          %dma_start3A_269 = tpu.memref_slice %arg9[%scan3A_39, %dma_start3A_266, %dma_start3A_267, %dma_start3A_268] : memref<2x2x128x128xi32, #tpu.memory_space<vmem>> -> memref<1x2x128x128xi32, #tpu.memory_space<vmem>>
          %dma_start3A_270 = tpu.memref_squeeze %dma_start3A_269 : memref<1x2x128x128xi32, #tpu.memory_space<vmem>> -> memref<2x128x128xi32, #tpu.memory_space<vmem>>
          %dma_start3A_271 = arith.constant 0 : i32
          %dma_start3A_272 = arith.constant 0 : i32
          %dma_start3A_273 = tpu.memref_slice %dma_start3A_270[%dma_start3A_265, %dma_start3A_271, %dma_start3A_272] : memref<2x128x128xi32, #tpu.memory_space<vmem>> -> memref<1x128x128xi32, #tpu.memory_space<vmem>>
          %dma_start3A_274 = tpu.memref_squeeze %dma_start3A_273 : memref<1x128x128xi32, #tpu.memory_space<vmem>> -> memref<128x128xi32, #tpu.memory_space<vmem>>
          %dma_start3A_275 = tpu.memref_slice %arg8[%mul3A_264] : memref<10240xi32, #tpu.memory_space<vmem>> -> memref<128xi32, #tpu.memory_space<vmem>>
          %dma_start3A_276 = arith.constant 0 : i32
          %dma_start3A_277 = arith.constant 0 : i32
          %dma_start3A_278 = tpu.memref_slice %arg5[%dma_start3A_276, %dma_start3A_277] : memref<10000x128xi32, #tpu.memory_space<hbm>> -> memref<10000x128xi32, #tpu.memory_space<hbm>>
          tpu.enqueue_indirect_dma source(%dma_start3A_278 : memref<10000x128xi32, #tpu.memory_space<hbm>>) target(%dma_start3A_274 : memref<128x128xi32, #tpu.memory_space<vmem>>) offsets(%dma_start3A_275 : memref<128xi32, #tpu.memory_space<vmem>>) semaphore(%arg10 : memref<!tpu.dma_semaphore, #tpu.memory_space<semaphore_mem>>)
        } else {
        }
      }
      %scan3A_45 = arith.constant 20 : i32
      %dma_wait3A = arith.constant 0 : i32
      %dma_wait3A_46 = arith.constant 0 : i32
      %dma_wait3A_47 = arith.constant 0 : i32
      %dma_wait3A_48 = arith.constant 0 : i32
      %dma_wait3A_49 = tpu.memref_slice %arg9[%dma_wait3A, %dma_wait3A_46, %dma_wait3A_47, %dma_wait3A_48] : memref<2x2x128x128xi32, #tpu.memory_space<vmem>> -> memref<1x2x128x128xi32, #tpu.memory_space<vmem>>
      %dma_wait3A_50 = tpu.memref_squeeze %dma_wait3A_49 : memref<1x2x128x128xi32, #tpu.memory_space<vmem>> -> memref<2x128x128xi32, #tpu.memory_space<vmem>>
      %dma_wait3A_51 = arith.constant 0 : i32
      %dma_wait3A_52 = arith.constant 0 : i32
      %dma_wait3A_53 = arith.constant 0 : i32
      %dma_wait3A_54 = tpu.memref_slice %arg7[%dma_wait3A_51, %dma_wait3A_52, %dma_wait3A_53] : memref<1280x128x128xi32, #tpu.memory_space<hbm>> -> memref<2x128x128xi32, #tpu.memory_space<hbm>>
      %dma_wait3A_55 = arith.constant 0 : i32
      %dma_wait3A_56 = arith.constant 0 : i32
      %dma_wait3A_57 = arith.constant 0 : i32
      %dma_wait3A_58 = tpu.memref_slice %arg7[%dma_wait3A_55, %dma_wait3A_56, %dma_wait3A_57] : memref<1280x128x128xi32, #tpu.memory_space<hbm>> -> memref<2x128x128xi32, #tpu.memory_space<hbm>>
      %dma_wait3A_59 = arith.constant 0 : i32
      %dma_wait3A_60 = arith.constant 0 : i32
      %dma_wait3A_61 = arith.constant 0 : i32
      %dma_wait3A_62 = tpu.memref_slice %arg9[%dma_wait3A, %dma_wait3A_59, %dma_wait3A_60, %dma_wait3A_61] : memref<2x2x128x128xi32, #tpu.memory_space<vmem>> -> memref<1x2x128x128xi32, #tpu.memory_space<vmem>>
      %dma_wait3A_63 = tpu.memref_squeeze %dma_wait3A_62 : memref<1x2x128x128xi32, #tpu.memory_space<vmem>> -> memref<2x128x128xi32, #tpu.memory_space<vmem>>
      tpu.wait_dma2 semaphore(%arg12 : memref<!tpu.dma_semaphore, #tpu.memory_space<semaphore_mem>>) src(%dma_wait3A_63 : memref<2x128x128xi32, #tpu.memory_space<vmem>>) dst(%dma_wait3A_58 : memref<2x128x128xi32, #tpu.memory_space<hbm>>)
      %dma_wait3A_64 = arith.constant 1 : i32
      %dma_wait3A_65 = arith.constant 0 : i32
      %dma_wait3A_66 = arith.constant 0 : i32
      %dma_wait3A_67 = arith.constant 0 : i32
      %dma_wait3A_68 = tpu.memref_slice %arg9[%dma_wait3A_64, %dma_wait3A_65, %dma_wait3A_66, %dma_wait3A_67] : memref<2x2x128x128xi32, #tpu.memory_space<vmem>> -> memref<1x2x128x128xi32, #tpu.memory_space<vmem>>
      %dma_wait3A_69 = tpu.memref_squeeze %dma_wait3A_68 : memref<1x2x128x128xi32, #tpu.memory_space<vmem>> -> memref<2x128x128xi32, #tpu.memory_space<vmem>>
      %dma_wait3A_70 = arith.constant 0 : i32
      %dma_wait3A_71 = arith.constant 0 : i32
      %dma_wait3A_72 = arith.constant 0 : i32
      %dma_wait3A_73 = tpu.memref_slice %arg7[%dma_wait3A_70, %dma_wait3A_71, %dma_wait3A_72] : memref<1280x128x128xi32, #tpu.memory_space<hbm>> -> memref<2x128x128xi32, #tpu.memory_space<hbm>>
      %dma_wait3A_74 = arith.constant 0 : i32
      %dma_wait3A_75 = arith.constant 0 : i32
      %dma_wait3A_76 = arith.constant 0 : i32
      %dma_wait3A_77 = tpu.memref_slice %arg7[%dma_wait3A_74, %dma_wait3A_75, %dma_wait3A_76] : memref<1280x128x128xi32, #tpu.memory_space<hbm>> -> memref<2x128x128xi32, #tpu.memory_space<hbm>>
      %dma_wait3A_78 = arith.constant 0 : i32
      %dma_wait3A_79 = arith.constant 0 : i32
      %dma_wait3A_80 = arith.constant 0 : i32
      %dma_wait3A_81 = tpu.memref_slice %arg9[%dma_wait3A_64, %dma_wait3A_78, %dma_wait3A_79, %dma_wait3A_80] : memref<2x2x128x128xi32, #tpu.memory_space<vmem>> -> memref<1x2x128x128xi32, #tpu.memory_space<vmem>>
      %dma_wait3A_82 = tpu.memref_squeeze %dma_wait3A_81 : memref<1x2x128x128xi32, #tpu.memory_space<vmem>> -> memref<2x128x128xi32, #tpu.memory_space<vmem>>
      tpu.wait_dma2 semaphore(%arg13 : memref<!tpu.dma_semaphore, #tpu.memory_space<semaphore_mem>>) src(%dma_wait3A_82 : memref<2x128x128xi32, #tpu.memory_space<vmem>>) dst(%dma_wait3A_77 : memref<2x128x128xi32, #tpu.memory_space<hbm>>)
    } else {
    }
    return
  }
}

#map = affine_map<(d0, d1) -> (0)>
#map1 = affine_map<(d0, d1) -> (0, 0)>
#map2 = affine_map<(d0, d1) -> (0, 0, 0)>
module attributes {stable_mosaic.version = 14 : i64} {
  func.func @_p5b_den_scatter(%arg0: i32, %arg1: i32, %arg2: memref<163840xi32, #tpu.memory_space<hbm>>, %arg3: memref<163840x16xf32, #tpu.memory_space<hbm>>, %arg4: memref<10240x128xf32, #tpu.memory_space<hbm>>, %arg5: memref<2x10240x16xf32, #tpu.memory_space<hbm>>, %arg6: memref<2x64xi32, #tpu.memory_space<vmem>>, %arg7: memref<2x64x16xf32, #tpu.memory_space<vmem>>, %arg8: memref<64x128xf32, #tpu.memory_space<vmem>>, %arg9: memref<32x128xf32, #tpu.memory_space<vmem>>, %arg10: memref<32x16xf32, #tpu.memory_space<vmem>>, %arg11: memref<10240x128xf32, #tpu.memory_space<vmem_shared>>, %arg12: memref<!tpu.dma_semaphore, #tpu.memory_space<semaphore_mem>>, %arg13: memref<!tpu.dma_semaphore, #tpu.memory_space<semaphore_mem>>) attributes {dimension_semantics = [#tpu.dimension_semantics<core_parallel>, #tpu.dimension_semantics<subcore_parallel>], iteration_bounds = array<i64: 2, 16>, scalar_prefetch = 0 : i64, scratch_operands = 8 : i64, tpu.core_type = #tpu.core_type<sc_vector_subcore>, window_params = [{transform_indices = #map}, {transform_indices = #map1}, {transform_indices = #map1}, {transform_indices = #map2}]} {
    %mul3A = arith.constant 2 : i32
    %mul3A_0 = arith.muli %arg1, %mul3A : i32
    %add3A = arith.addi %mul3A_0, %arg0 : i32
    %mul3A_1 = arith.constant 640 : i32
    %mul3A_2 = arith.muli %arg1, %mul3A_1 : i32
    %mul3A_3 = arith.constant 640 : i32
    %mul3A_4 = arith.muli %arg1, %mul3A_3 : i32
    "tpu.region"() ({
      %run_scoped3A = tpu.sem_alloc : memref<!tpu.dma_semaphore, #tpu.memory_space<semaphore_mem>>
      %dma_start3A_49 = arith.constant 0 : i32
      %dma_start3A_50 = tpu.memref_slice %arg11[%mul3A_4, %dma_start3A_49] : memref<10240x128xf32, #tpu.memory_space<vmem_shared>> -> memref<640x128xf32, #tpu.memory_space<vmem_shared>>
      %dma_start3A_51 = arith.constant 0 : i32
      %dma_start3A_52 = tpu.memref_slice %arg4[%mul3A_2, %dma_start3A_51] : memref<10240x128xf32, #tpu.memory_space<hbm>> -> memref<640x128xf32, #tpu.memory_space<hbm>>
      tpu.enqueue_dma source(%dma_start3A_52 : memref<640x128xf32, #tpu.memory_space<hbm>>) target(%dma_start3A_50 : memref<640x128xf32, #tpu.memory_space<vmem_shared>>) target_semaphore(%run_scoped3A : memref<!tpu.dma_semaphore, #tpu.memory_space<semaphore_mem>>)
      %dma_wait3A = arith.constant 0 : i32
      %dma_wait3A_53 = tpu.memref_slice %arg11[%mul3A_4, %dma_wait3A] : memref<10240x128xf32, #tpu.memory_space<vmem_shared>> -> memref<640x128xf32, #tpu.memory_space<vmem_shared>>
      %dma_wait3A_54 = arith.constant 0 : i32
      %dma_wait3A_55 = tpu.memref_slice %arg4[%mul3A_2, %dma_wait3A_54] : memref<10240x128xf32, #tpu.memory_space<hbm>> -> memref<640x128xf32, #tpu.memory_space<hbm>>
      tpu.wait_dma2 semaphore(%run_scoped3A : memref<!tpu.dma_semaphore, #tpu.memory_space<semaphore_mem>>) src(%dma_wait3A_55 : memref<640x128xf32, #tpu.memory_space<hbm>>) dst(%dma_wait3A_53 : memref<640x128xf32, #tpu.memory_space<vmem_shared>>)
      tpu.yield
    }) : () -> ()
    %broadcast_in_dim3A = arith.constant 0.000000e+00 : f32
    %broadcast_in_dim3A_5 = vector.broadcast %broadcast_in_dim3A : f32 to vector<16xf32>
    %scan3A = arith.constant 0 : i32
    %scan3A_6 = arith.constant 0 : i32
    %scan3A_7 = arith.constant 64 : i32
    %scan3A_8 = arith.addi %scan3A_6, %scan3A_7 : i32
    %scan3A_9 = arith.constant 1 : i32
    scf.for %scan3A_49 = %scan3A_6 to %scan3A_8 step %scan3A_9  : i32 {
      %swap3A = arith.index_cast %scan3A_49 : i32 to index
      %swap3A_50 = arith.constant 0 : index
      %swap3A_51 = tpu.vector_load %arg8[%swap3A, %swap3A_50] {strides = array<i32>} : memref<64x128xf32, #tpu.memory_space<vmem>>, vector<1x16xf32>,
      %swap3A_52 = vector.shape_cast %swap3A_51 : vector<1x16xf32> to vector<16xf32>
      %swap3A_53 = vector.shape_cast %broadcast_in_dim3A_5 : vector<16xf32> to vector<1x16xf32>
      tpu.vector_store %arg8[%swap3A, %swap3A_50], %swap3A_53 {strides = array<i32>} : memref<64x128xf32, #tpu.memory_space<vmem>>, vector<1x16xf32>,
      %swap3A_54 = arith.index_cast %scan3A_49 : i32 to index
      %swap3A_55 = arith.constant 16 : index
      %swap3A_56 = tpu.vector_load %arg8[%swap3A_54, %swap3A_55] {strides = array<i32>} : memref<64x128xf32, #tpu.memory_space<vmem>>, vector<1x16xf32>,
      %swap3A_57 = vector.shape_cast %swap3A_56 : vector<1x16xf32> to vector<16xf32>
      %swap3A_58 = vector.shape_cast %broadcast_in_dim3A_5 : vector<16xf32> to vector<1x16xf32>
      tpu.vector_store %arg8[%swap3A_54, %swap3A_55], %swap3A_58 {strides = array<i32>} : memref<64x128xf32, #tpu.memory_space<vmem>>, vector<1x16xf32>,
      %swap3A_59 = arith.index_cast %scan3A_49 : i32 to index
      %swap3A_60 = arith.constant 32 : index
      %swap3A_61 = tpu.vector_load %arg8[%swap3A_59, %swap3A_60] {strides = array<i32>} : memref<64x128xf32, #tpu.memory_space<vmem>>, vector<1x16xf32>,
      %swap3A_62 = vector.shape_cast %swap3A_61 : vector<1x16xf32> to vector<16xf32>
      %swap3A_63 = vector.shape_cast %broadcast_in_dim3A_5 : vector<16xf32> to vector<1x16xf32>
      tpu.vector_store %arg8[%swap3A_59, %swap3A_60], %swap3A_63 {strides = array<i32>} : memref<64x128xf32, #tpu.memory_space<vmem>>, vector<1x16xf32>,
      %swap3A_64 = arith.index_cast %scan3A_49 : i32 to index
      %swap3A_65 = arith.constant 48 : index
      %swap3A_66 = tpu.vector_load %arg8[%swap3A_64, %swap3A_65] {strides = array<i32>} : memref<64x128xf32, #tpu.memory_space<vmem>>, vector<1x16xf32>,
      %swap3A_67 = vector.shape_cast %swap3A_66 : vector<1x16xf32> to vector<16xf32>
      %swap3A_68 = vector.shape_cast %broadcast_in_dim3A_5 : vector<16xf32> to vector<1x16xf32>
      tpu.vector_store %arg8[%swap3A_64, %swap3A_65], %swap3A_68 {strides = array<i32>} : memref<64x128xf32, #tpu.memory_space<vmem>>, vector<1x16xf32>,
      %swap3A_69 = arith.index_cast %scan3A_49 : i32 to index
      %swap3A_70 = arith.constant 64 : index
      %swap3A_71 = tpu.vector_load %arg8[%swap3A_69, %swap3A_70] {strides = array<i32>} : memref<64x128xf32, #tpu.memory_space<vmem>>, vector<1x16xf32>,
      %swap3A_72 = vector.shape_cast %swap3A_71 : vector<1x16xf32> to vector<16xf32>
      %swap3A_73 = vector.shape_cast %broadcast_in_dim3A_5 : vector<16xf32> to vector<1x16xf32>
      tpu.vector_store %arg8[%swap3A_69, %swap3A_70], %swap3A_73 {strides = array<i32>} : memref<64x128xf32, #tpu.memory_space<vmem>>, vector<1x16xf32>,
      %swap3A_74 = arith.index_cast %scan3A_49 : i32 to index
      %swap3A_75 = arith.constant 80 : index
      %swap3A_76 = tpu.vector_load %arg8[%swap3A_74, %swap3A_75] {strides = array<i32>} : memref<64x128xf32, #tpu.memory_space<vmem>>, vector<1x16xf32>,
      %swap3A_77 = vector.shape_cast %swap3A_76 : vector<1x16xf32> to vector<16xf32>
      %swap3A_78 = vector.shape_cast %broadcast_in_dim3A_5 : vector<16xf32> to vector<1x16xf32>
      tpu.vector_store %arg8[%swap3A_74, %swap3A_75], %swap3A_78 {strides = array<i32>} : memref<64x128xf32, #tpu.memory_space<vmem>>, vector<1x16xf32>,
      %swap3A_79 = arith.index_cast %scan3A_49 : i32 to index
      %swap3A_80 = arith.constant 96 : index
      %swap3A_81 = tpu.vector_load %arg8[%swap3A_79, %swap3A_80] {strides = array<i32>} : memref<64x128xf32, #tpu.memory_space<vmem>>, vector<1x16xf32>,
      %swap3A_82 = vector.shape_cast %swap3A_81 : vector<1x16xf32> to vector<16xf32>
      %swap3A_83 = vector.shape_cast %broadcast_in_dim3A_5 : vector<16xf32> to vector<1x16xf32>
      tpu.vector_store %arg8[%swap3A_79, %swap3A_80], %swap3A_83 {strides = array<i32>} : memref<64x128xf32, #tpu.memory_space<vmem>>, vector<1x16xf32>,
      %swap3A_84 = arith.index_cast %scan3A_49 : i32 to index
      %swap3A_85 = arith.constant 112 : index
      %swap3A_86 = tpu.vector_load %arg8[%swap3A_84, %swap3A_85] {strides = array<i32>} : memref<64x128xf32, #tpu.memory_space<vmem>>, vector<1x16xf32>,
      %swap3A_87 = vector.shape_cast %swap3A_86 : vector<1x16xf32> to vector<16xf32>
      %swap3A_88 = vector.shape_cast %broadcast_in_dim3A_5 : vector<16xf32> to vector<1x16xf32>
      tpu.vector_store %arg8[%swap3A_84, %swap3A_85], %swap3A_88 {strides = array<i32>} : memref<64x128xf32, #tpu.memory_space<vmem>>, vector<1x16xf32>,
    }
    %scan3A_10 = arith.constant 64 : i32
    %barrier3A = arith.constant 0 : index
    tpu.barrier barrier_id(%barrier3A)
    %mul3A_11 = arith.constant 5120 : i32
    %mul3A_12 = arith.muli %add3A, %mul3A_11 : i32
    %add3A_13 = arith.constant 0 : i32
    %add3A_14 = arith.addi %mul3A_12, %add3A_13 : i32
    %dma_start3A = arith.constant 0 : i32
    %dma_start3A_15 = arith.constant 0 : i32
    %dma_start3A_16 = tpu.memref_slice %arg6[%dma_start3A, %dma_start3A_15] : memref<2x64xi32, #tpu.memory_space<vmem>> -> memref<1x64xi32, #tpu.memory_space<vmem>>
    %dma_start3A_17 = tpu.memref_squeeze %dma_start3A_16 : memref<1x64xi32, #tpu.memory_space<vmem>> -> memref<64xi32, #tpu.memory_space<vmem>>
    %dma_start3A_18 = tpu.memref_slice %arg2[%add3A_14] : memref<163840xi32, #tpu.memory_space<hbm>> -> memref<64xi32, #tpu.memory_space<hbm>>
    %dma_start3A_19 = arith.constant 0 : i32
    %dma_start3A_20 = tpu.memref_slice %arg6[%dma_start3A, %dma_start3A_19] : memref<2x64xi32, #tpu.memory_space<vmem>> -> memref<1x64xi32, #tpu.memory_space<vmem>>
    %dma_start3A_21 = tpu.memref_squeeze %dma_start3A_20 : memref<1x64xi32, #tpu.memory_space<vmem>> -> memref<64xi32, #tpu.memory_space<vmem>>
    %dma_start3A_22 = tpu.memref_slice %arg2[%add3A_14] : memref<163840xi32, #tpu.memory_space<hbm>> -> memref<64xi32, #tpu.memory_space<hbm>>
    tpu.enqueue_dma source(%dma_start3A_22 : memref<64xi32, #tpu.memory_space<hbm>>) target(%dma_start3A_21 : memref<64xi32, #tpu.memory_space<vmem>>) target_semaphore(%arg12 : memref<!tpu.dma_semaphore, #tpu.memory_space<semaphore_mem>>)
    %dma_start3A_23 = arith.constant 0 : i32
    %dma_start3A_24 = arith.constant 0 : i32
    %dma_start3A_25 = arith.constant 0 : i32
    %dma_start3A_26 = tpu.memref_slice %arg7[%dma_start3A_23, %dma_start3A_24, %dma_start3A_25] : memref<2x64x16xf32, #tpu.memory_space<vmem>> -> memref<1x64x16xf32, #tpu.memory_space<vmem>>
    %dma_start3A_27 = tpu.memref_squeeze %dma_start3A_26 : memref<1x64x16xf32, #tpu.memory_space<vmem>> -> memref<64x16xf32, #tpu.memory_space<vmem>>
    %dma_start3A_28 = arith.constant 0 : i32
    %dma_start3A_29 = tpu.memref_slice %arg3[%add3A_14, %dma_start3A_28] : memref<163840x16xf32, #tpu.memory_space<hbm>> -> memref<64x16xf32, #tpu.memory_space<hbm>>
    %dma_start3A_30 = arith.constant 0 : i32
    %dma_start3A_31 = arith.constant 0 : i32
    %dma_start3A_32 = tpu.memref_slice %arg7[%dma_start3A_23, %dma_start3A_30, %dma_start3A_31] : memref<2x64x16xf32, #tpu.memory_space<vmem>> -> memref<1x64x16xf32, #tpu.memory_space<vmem>>
    %dma_start3A_33 = tpu.memref_squeeze %dma_start3A_32 : memref<1x64x16xf32, #tpu.memory_space<vmem>> -> memref<64x16xf32, #tpu.memory_space<vmem>>
    %dma_start3A_34 = arith.constant 0 : i32
    %dma_start3A_35 = tpu.memref_slice %arg3[%add3A_14, %dma_start3A_34] : memref<163840x16xf32, #tpu.memory_space<hbm>> -> memref<64x16xf32, #tpu.memory_space<hbm>>
    tpu.enqueue_dma source(%dma_start3A_35 : memref<64x16xf32, #tpu.memory_space<hbm>>) target(%dma_start3A_33 : memref<64x16xf32, #tpu.memory_space<vmem>>) target_semaphore(%arg12 : memref<!tpu.dma_semaphore, #tpu.memory_space<semaphore_mem>>)
    %scan3A_36 = arith.constant 0 : i32
    %scan3A_37 = arith.constant 0 : i32
    %scan3A_38 = arith.constant 40 : i32
    %scan3A_39 = arith.addi %scan3A_37, %scan3A_38 : i32
    %scan3A_40 = arith.constant 1 : i32
    scf.for %scan3A_49 = %scan3A_37 to %scan3A_39 step %scan3A_40  : i32 {
      %mul3A_50 = arith.constant 2 : i32
      %mul3A_51 = arith.muli %mul3A_50, %scan3A_49 : i32
      %dma_wait3A = arith.constant 0 : i32
      %dma_wait3A_52 = arith.constant 0 : i32
      %dma_wait3A_53 = tpu.memref_slice %arg6[%dma_wait3A, %dma_wait3A_52] : memref<2x64xi32, #tpu.memory_space<vmem>> -> memref<1x64xi32, #tpu.memory_space<vmem>>
      %dma_wait3A_54 = tpu.memref_squeeze %dma_wait3A_53 : memref<1x64xi32, #tpu.memory_space<vmem>> -> memref<64xi32, #tpu.memory_space<vmem>>
      %dma_wait3A_55 = arith.constant 0 : i32
      %dma_wait3A_56 = tpu.memref_slice %arg2[%dma_wait3A_55] : memref<163840xi32, #tpu.memory_space<hbm>> -> memref<64xi32, #tpu.memory_space<hbm>>
      %dma_wait3A_57 = arith.constant 0 : i32
      %dma_wait3A_58 = tpu.memref_slice %arg6[%dma_wait3A, %dma_wait3A_57] : memref<2x64xi32, #tpu.memory_space<vmem>> -> memref<1x64xi32, #tpu.memory_space<vmem>>
      %dma_wait3A_59 = tpu.memref_squeeze %dma_wait3A_58 : memref<1x64xi32, #tpu.memory_space<vmem>> -> memref<64xi32, #tpu.memory_space<vmem>>
      %dma_wait3A_60 = arith.constant 0 : i32
      %dma_wait3A_61 = tpu.memref_slice %arg2[%dma_wait3A_60] : memref<163840xi32, #tpu.memory_space<hbm>> -> memref<64xi32, #tpu.memory_space<hbm>>
      tpu.wait_dma2 semaphore(%arg12 : memref<!tpu.dma_semaphore, #tpu.memory_space<semaphore_mem>>) src(%dma_wait3A_61 : memref<64xi32, #tpu.memory_space<hbm>>) dst(%dma_wait3A_59 : memref<64xi32, #tpu.memory_space<vmem>>)
      %dma_wait3A_62 = arith.constant 0 : i32
      %dma_wait3A_63 = arith.constant 0 : i32
      %dma_wait3A_64 = arith.constant 0 : i32
      %dma_wait3A_65 = tpu.memref_slice %arg7[%dma_wait3A_62, %dma_wait3A_63, %dma_wait3A_64] : memref<2x64x16xf32, #tpu.memory_space<vmem>> -> memref<1x64x16xf32, #tpu.memory_space<vmem>>
      %dma_wait3A_66 = tpu.memref_squeeze %dma_wait3A_65 : memref<1x64x16xf32, #tpu.memory_space<vmem>> -> memref<64x16xf32, #tpu.memory_space<vmem>>
      %dma_wait3A_67 = arith.constant 0 : i32
      %dma_wait3A_68 = arith.constant 0 : i32
      %dma_wait3A_69 = tpu.memref_slice %arg3[%dma_wait3A_67, %dma_wait3A_68] : memref<163840x16xf32, #tpu.memory_space<hbm>> -> memref<64x16xf32, #tpu.memory_space<hbm>>
      %dma_wait3A_70 = arith.constant 0 : i32
      %dma_wait3A_71 = arith.constant 0 : i32
      %dma_wait3A_72 = tpu.memref_slice %arg7[%dma_wait3A_62, %dma_wait3A_70, %dma_wait3A_71] : memref<2x64x16xf32, #tpu.memory_space<vmem>> -> memref<1x64x16xf32, #tpu.memory_space<vmem>>
      %dma_wait3A_73 = tpu.memref_squeeze %dma_wait3A_72 : memref<1x64x16xf32, #tpu.memory_space<vmem>> -> memref<64x16xf32, #tpu.memory_space<vmem>>
      %dma_wait3A_74 = arith.constant 0 : i32
      %dma_wait3A_75 = arith.constant 0 : i32
      %dma_wait3A_76 = tpu.memref_slice %arg3[%dma_wait3A_74, %dma_wait3A_75] : memref<163840x16xf32, #tpu.memory_space<hbm>> -> memref<64x16xf32, #tpu.memory_space<hbm>>
      tpu.wait_dma2 semaphore(%arg12 : memref<!tpu.dma_semaphore, #tpu.memory_space<semaphore_mem>>) src(%dma_wait3A_76 : memref<64x16xf32, #tpu.memory_space<hbm>>) dst(%dma_wait3A_73 : memref<64x16xf32, #tpu.memory_space<vmem>>)
      %add3A_77 = arith.constant 1 : i32
      %add3A_78 = arith.addi %mul3A_51, %add3A_77 : i32
      %mul3A_79 = arith.constant 5120 : i32
      %mul3A_80 = arith.muli %add3A, %mul3A_79 : i32
      %mul3A_81 = arith.constant 64 : i32
      %mul3A_82 = arith.muli %add3A_78, %mul3A_81 : i32
      %add3A_83 = arith.addi %mul3A_80, %mul3A_82 : i32
      %dma_start3A_84 = arith.constant 1 : i32
      %dma_start3A_85 = arith.constant 0 : i32
      %dma_start3A_86 = tpu.memref_slice %arg6[%dma_start3A_84, %dma_start3A_85] : memref<2x64xi32, #tpu.memory_space<vmem>> -> memref<1x64xi32, #tpu.memory_space<vmem>>
      %dma_start3A_87 = tpu.memref_squeeze %dma_start3A_86 : memref<1x64xi32, #tpu.memory_space<vmem>> -> memref<64xi32, #tpu.memory_space<vmem>>
      %dma_start3A_88 = tpu.memref_slice %arg2[%add3A_83] : memref<163840xi32, #tpu.memory_space<hbm>> -> memref<64xi32, #tpu.memory_space<hbm>>
      %dma_start3A_89 = arith.constant 0 : i32
      %dma_start3A_90 = tpu.memref_slice %arg6[%dma_start3A_84, %dma_start3A_89] : memref<2x64xi32, #tpu.memory_space<vmem>> -> memref<1x64xi32, #tpu.memory_space<vmem>>
      %dma_start3A_91 = tpu.memref_squeeze %dma_start3A_90 : memref<1x64xi32, #tpu.memory_space<vmem>> -> memref<64xi32, #tpu.memory_space<vmem>>
      %dma_start3A_92 = tpu.memref_slice %arg2[%add3A_83] : memref<163840xi32, #tpu.memory_space<hbm>> -> memref<64xi32, #tpu.memory_space<hbm>>
      tpu.enqueue_dma source(%dma_start3A_92 : memref<64xi32, #tpu.memory_space<hbm>>) target(%dma_start3A_91 : memref<64xi32, #tpu.memory_space<vmem>>) target_semaphore(%arg13 : memref<!tpu.dma_semaphore, #tpu.memory_space<semaphore_mem>>)
      %dma_start3A_93 = arith.constant 1 : i32
      %dma_start3A_94 = arith.constant 0 : i32
      %dma_start3A_95 = arith.constant 0 : i32
      %dma_start3A_96 = tpu.memref_slice %arg7[%dma_start3A_93, %dma_start3A_94, %dma_start3A_95] : memref<2x64x16xf32, #tpu.memory_space<vmem>> -> memref<1x64x16xf32, #tpu.memory_space<vmem>>
      %dma_start3A_97 = tpu.memref_squeeze %dma_start3A_96 : memref<1x64x16xf32, #tpu.memory_space<vmem>> -> memref<64x16xf32, #tpu.memory_space<vmem>>
      %dma_start3A_98 = arith.constant 0 : i32
      %dma_start3A_99 = tpu.memref_slice %arg3[%add3A_83, %dma_start3A_98] : memref<163840x16xf32, #tpu.memory_space<hbm>> -> memref<64x16xf32, #tpu.memory_space<hbm>>
      %dma_start3A_100 = arith.constant 0 : i32
      %dma_start3A_101 = arith.constant 0 : i32
      %dma_start3A_102 = tpu.memref_slice %arg7[%dma_start3A_93, %dma_start3A_100, %dma_start3A_101] : memref<2x64x16xf32, #tpu.memory_space<vmem>> -> memref<1x64x16xf32, #tpu.memory_space<vmem>>
      %dma_start3A_103 = tpu.memref_squeeze %dma_start3A_102 : memref<1x64x16xf32, #tpu.memory_space<vmem>> -> memref<64x16xf32, #tpu.memory_space<vmem>>
      %dma_start3A_104 = arith.constant 0 : i32
      %dma_start3A_105 = tpu.memref_slice %arg3[%add3A_83, %dma_start3A_104] : memref<163840x16xf32, #tpu.memory_space<hbm>> -> memref<64x16xf32, #tpu.memory_space<hbm>>
      tpu.enqueue_dma source(%dma_start3A_105 : memref<64x16xf32, #tpu.memory_space<hbm>>) target(%dma_start3A_103 : memref<64x16xf32, #tpu.memory_space<vmem>>) target_semaphore(%arg13 : memref<!tpu.dma_semaphore, #tpu.memory_space<semaphore_mem>>)
      %scan3A_106 = arith.constant 0 : i32
      %scan3A_107 = arith.constant 0 : i32
      %scan3A_108 = arith.constant 64 : i32
      %scan3A_109 = arith.addi %scan3A_107, %scan3A_108 : i32
      %scan3A_110 = arith.constant 1 : i32
      scf.for %scan3A_147 = %scan3A_107 to %scan3A_109 step %scan3A_110  : i32 {
        %get3A = arith.constant 0 : i32
        %get3A_148 = arith.index_cast %get3A : i32 to index
        %get3A_149 = arith.index_cast %scan3A_147 : i32 to index
        %get3A_150 = arith.constant 0 : index
        %get3A_151 = tpu.vector_load %arg7[%get3A_148, %get3A_149, %get3A_150] {strides = array<i32>} : memref<2x64x16xf32, #tpu.memory_space<vmem>>, vector<1x1x16xf32>,
        %get3A_152 = vector.shape_cast %get3A_151 : vector<1x1x16xf32> to vector<16xf32>
        %swap3A = arith.index_cast %scan3A_147 : i32 to index
        %swap3A_153 = arith.constant 0 : index
        %swap3A_154 = tpu.vector_load %arg8[%swap3A, %swap3A_153] {strides = array<i32>} : memref<64x128xf32, #tpu.memory_space<vmem>>, vector<1x16xf32>,
        %swap3A_155 = vector.shape_cast %swap3A_154 : vector<1x16xf32> to vector<16xf32>
        %swap3A_156 = vector.shape_cast %get3A_152 : vector<16xf32> to vector<1x16xf32>
        tpu.vector_store %arg8[%swap3A, %swap3A_153], %swap3A_156 {strides = array<i32>} : memref<64x128xf32, #tpu.memory_space<vmem>>, vector<1x16xf32>,
      }
      %scan3A_111 = arith.constant 64 : i32
      %run_scoped3A = arith.constant 0 : i32
      "tpu.region"() ({
        %run_scoped3A_147 = tpu.sem_alloc : memref<!tpu.dma_semaphore, #tpu.memory_space<semaphore_mem>>
        %dma_start3A_148 = arith.constant 0 : i32
        %dma_start3A_149 = tpu.memref_slice %arg6[%run_scoped3A, %dma_start3A_148] : memref<2x64xi32, #tpu.memory_space<vmem>> -> memref<1x64xi32, #tpu.memory_space<vmem>>
        %dma_start3A_150 = tpu.memref_squeeze %dma_start3A_149 : memref<1x64xi32, #tpu.memory_space<vmem>> -> memref<64xi32, #tpu.memory_space<vmem>>
        %dma_start3A_151 = arith.constant 0 : i32
        %dma_start3A_152 = arith.constant 0 : i32
        %dma_start3A_153 = tpu.memref_slice %arg11[%dma_start3A_151, %dma_start3A_152] : memref<10240x128xf32, #tpu.memory_space<vmem_shared>> -> memref<10240x128xf32, #tpu.memory_space<vmem_shared>>
        tpu.enqueue_indirect_dma source(%arg8 : memref<64x128xf32, #tpu.memory_space<vmem>>) target(%dma_start3A_153 : memref<10240x128xf32, #tpu.memory_space<vmem_shared>>) offsets(%dma_start3A_150 : memref<64xi32, #tpu.memory_space<vmem>>) semaphore(%run_scoped3A_147 : memref<!tpu.dma_semaphore, #tpu.memory_space<semaphore_mem>>) {add = true}
        %dma_wait3A_154 = arith.constant 0 : i32
        %dma_wait3A_155 = tpu.memref_slice %arg6[%run_scoped3A, %dma_wait3A_154] : memref<2x64xi32, #tpu.memory_space<vmem>> -> memref<1x64xi32, #tpu.memory_space<vmem>>
        %dma_wait3A_156 = tpu.memref_squeeze %dma_wait3A_155 : memref<1x64xi32, #tpu.memory_space<vmem>> -> memref<64xi32, #tpu.memory_space<vmem>>
        %dma_wait3A_157 = arith.constant 0 : i32
        %dma_wait3A_158 = arith.constant 0 : i32
        %dma_wait3A_159 = tpu.memref_slice %arg11[%dma_wait3A_157, %dma_wait3A_158] : memref<10240x128xf32, #tpu.memory_space<vmem_shared>> -> memref<10240x128xf32, #tpu.memory_space<vmem_shared>>
        tpu.wait_indirect_dma semaphore(%run_scoped3A_147 : memref<!tpu.dma_semaphore, #tpu.memory_space<semaphore_mem>>) src(%arg8 : memref<64x128xf32, #tpu.memory_space<vmem>>) dst(%dma_wait3A_159 : memref<10240x128xf32, #tpu.memory_space<vmem_shared>>)
        tpu.yield
      }) : () -> ()
      %dma_wait3A_112 = arith.constant 1 : i32
      %dma_wait3A_113 = arith.constant 0 : i32
      %dma_wait3A_114 = tpu.memref_slice %arg6[%dma_wait3A_112, %dma_wait3A_113] : memref<2x64xi32, #tpu.memory_space<vmem>> -> memref<1x64xi32, #tpu.memory_space<vmem>>
      %dma_wait3A_115 = tpu.memref_squeeze %dma_wait3A_114 : memref<1x64xi32, #tpu.memory_space<vmem>> -> memref<64xi32, #tpu.memory_space<vmem>>
      %dma_wait3A_116 = arith.constant 0 : i32
      %dma_wait3A_117 = tpu.memref_slice %arg2[%dma_wait3A_116] : memref<163840xi32, #tpu.memory_space<hbm>> -> memref<64xi32, #tpu.memory_space<hbm>>
      %dma_wait3A_118 = arith.constant 0 : i32
      %dma_wait3A_119 = tpu.memref_slice %arg6[%dma_wait3A_112, %dma_wait3A_118] : memref<2x64xi32, #tpu.memory_space<vmem>> -> memref<1x64xi32, #tpu.memory_space<vmem>>
      %dma_wait3A_120 = tpu.memref_squeeze %dma_wait3A_119 : memref<1x64xi32, #tpu.memory_space<vmem>> -> memref<64xi32, #tpu.memory_space<vmem>>
      %dma_wait3A_121 = arith.constant 0 : i32
      %dma_wait3A_122 = tpu.memref_slice %arg2[%dma_wait3A_121] : memref<163840xi32, #tpu.memory_space<hbm>> -> memref<64xi32, #tpu.memory_space<hbm>>
      tpu.wait_dma2 semaphore(%arg13 : memref<!tpu.dma_semaphore, #tpu.memory_space<semaphore_mem>>) src(%dma_wait3A_122 : memref<64xi32, #tpu.memory_space<hbm>>) dst(%dma_wait3A_120 : memref<64xi32, #tpu.memory_space<vmem>>)
      %dma_wait3A_123 = arith.constant 1 : i32
      %dma_wait3A_124 = arith.constant 0 : i32
      %dma_wait3A_125 = arith.constant 0 : i32
      %dma_wait3A_126 = tpu.memref_slice %arg7[%dma_wait3A_123, %dma_wait3A_124, %dma_wait3A_125] : memref<2x64x16xf32, #tpu.memory_space<vmem>> -> memref<1x64x16xf32, #tpu.memory_space<vmem>>
      %dma_wait3A_127 = tpu.memref_squeeze %dma_wait3A_126 : memref<1x64x16xf32, #tpu.memory_space<vmem>> -> memref<64x16xf32, #tpu.memory_space<vmem>>
      %dma_wait3A_128 = arith.constant 0 : i32
      %dma_wait3A_129 = arith.constant 0 : i32
      %dma_wait3A_130 = tpu.memref_slice %arg3[%dma_wait3A_128, %dma_wait3A_129] : memref<163840x16xf32, #tpu.memory_space<hbm>> -> memref<64x16xf32, #tpu.memory_space<hbm>>
      %dma_wait3A_131 = arith.constant 0 : i32
      %dma_wait3A_132 = arith.constant 0 : i32
      %dma_wait3A_133 = tpu.memref_slice %arg7[%dma_wait3A_123, %dma_wait3A_131, %dma_wait3A_132] : memref<2x64x16xf32, #tpu.memory_space<vmem>> -> memref<1x64x16xf32, #tpu.memory_space<vmem>>
      %dma_wait3A_134 = tpu.memref_squeeze %dma_wait3A_133 : memref<1x64x16xf32, #tpu.memory_space<vmem>> -> memref<64x16xf32, #tpu.memory_space<vmem>>
      %dma_wait3A_135 = arith.constant 0 : i32
      %dma_wait3A_136 = arith.constant 0 : i32
      %dma_wait3A_137 = tpu.memref_slice %arg3[%dma_wait3A_135, %dma_wait3A_136] : memref<163840x16xf32, #tpu.memory_space<hbm>> -> memref<64x16xf32, #tpu.memory_space<hbm>>
      tpu.wait_dma2 semaphore(%arg13 : memref<!tpu.dma_semaphore, #tpu.memory_space<semaphore_mem>>) src(%dma_wait3A_137 : memref<64x16xf32, #tpu.memory_space<hbm>>) dst(%dma_wait3A_134 : memref<64x16xf32, #tpu.memory_space<vmem>>)
      %lt3A = arith.constant 39 : i32
      %lt3A_138 = arith.cmpi slt, %scan3A_49, %lt3A : i32
      %convert_element_type3A = arith.extui %lt3A_138 : i1 to i32
      %cond3A = arith.constant 0 : i32
      %cond3A_139 = arith.cmpi ne, %convert_element_type3A, %cond3A : i32
      scf.if %cond3A_139 {
        %add3A_147 = arith.constant 2 : i32
        %add3A_148 = arith.addi %mul3A_51, %add3A_147 : i32
        %mul3A_149 = arith.constant 5120 : i32
        %mul3A_150 = arith.muli %add3A, %mul3A_149 : i32
        %mul3A_151 = arith.constant 64 : i32
        %mul3A_152 = arith.muli %add3A_148, %mul3A_151 : i32
        %add3A_153 = arith.addi %mul3A_150, %mul3A_152 : i32
        %dma_start3A_154 = arith.constant 0 : i32
        %dma_start3A_155 = arith.constant 0 : i32
        %dma_start3A_156 = tpu.memref_slice %arg6[%dma_start3A_154, %dma_start3A_155] : memref<2x64xi32, #tpu.memory_space<vmem>> -> memref<1x64xi32, #tpu.memory_space<vmem>>
        %dma_start3A_157 = tpu.memref_squeeze %dma_start3A_156 : memref<1x64xi32, #tpu.memory_space<vmem>> -> memref<64xi32, #tpu.memory_space<vmem>>
        %dma_start3A_158 = tpu.memref_slice %arg2[%add3A_153] : memref<163840xi32, #tpu.memory_space<hbm>> -> memref<64xi32, #tpu.memory_space<hbm>>
        %dma_start3A_159 = arith.constant 0 : i32
        %dma_start3A_160 = tpu.memref_slice %arg6[%dma_start3A_154, %dma_start3A_159] : memref<2x64xi32, #tpu.memory_space<vmem>> -> memref<1x64xi32, #tpu.memory_space<vmem>>
        %dma_start3A_161 = tpu.memref_squeeze %dma_start3A_160 : memref<1x64xi32, #tpu.memory_space<vmem>> -> memref<64xi32, #tpu.memory_space<vmem>>
        %dma_start3A_162 = tpu.memref_slice %arg2[%add3A_153] : memref<163840xi32, #tpu.memory_space<hbm>> -> memref<64xi32, #tpu.memory_space<hbm>>
        tpu.enqueue_dma source(%dma_start3A_162 : memref<64xi32, #tpu.memory_space<hbm>>) target(%dma_start3A_161 : memref<64xi32, #tpu.memory_space<vmem>>) target_semaphore(%arg12 : memref<!tpu.dma_semaphore, #tpu.memory_space<semaphore_mem>>)
        %dma_start3A_163 = arith.constant 0 : i32
        %dma_start3A_164 = arith.constant 0 : i32
        %dma_start3A_165 = arith.constant 0 : i32
        %dma_start3A_166 = tpu.memref_slice %arg7[%dma_start3A_163, %dma_start3A_164, %dma_start3A_165] : memref<2x64x16xf32, #tpu.memory_space<vmem>> -> memref<1x64x16xf32, #tpu.memory_space<vmem>>
        %dma_start3A_167 = tpu.memref_squeeze %dma_start3A_166 : memref<1x64x16xf32, #tpu.memory_space<vmem>> -> memref<64x16xf32, #tpu.memory_space<vmem>>
        %dma_start3A_168 = arith.constant 0 : i32
        %dma_start3A_169 = tpu.memref_slice %arg3[%add3A_153, %dma_start3A_168] : memref<163840x16xf32, #tpu.memory_space<hbm>> -> memref<64x16xf32, #tpu.memory_space<hbm>>
        %dma_start3A_170 = arith.constant 0 : i32
        %dma_start3A_171 = arith.constant 0 : i32
        %dma_start3A_172 = tpu.memref_slice %arg7[%dma_start3A_163, %dma_start3A_170, %dma_start3A_171] : memref<2x64x16xf32, #tpu.memory_space<vmem>> -> memref<1x64x16xf32, #tpu.memory_space<vmem>>
        %dma_start3A_173 = tpu.memref_squeeze %dma_start3A_172 : memref<1x64x16xf32, #tpu.memory_space<vmem>> -> memref<64x16xf32, #tpu.memory_space<vmem>>
        %dma_start3A_174 = arith.constant 0 : i32
        %dma_start3A_175 = tpu.memref_slice %arg3[%add3A_153, %dma_start3A_174] : memref<163840x16xf32, #tpu.memory_space<hbm>> -> memref<64x16xf32, #tpu.memory_space<hbm>>
        tpu.enqueue_dma source(%dma_start3A_175 : memref<64x16xf32, #tpu.memory_space<hbm>>) target(%dma_start3A_173 : memref<64x16xf32, #tpu.memory_space<vmem>>) target_semaphore(%arg12 : memref<!tpu.dma_semaphore, #tpu.memory_space<semaphore_mem>>)
      } else {
      }
      %scan3A_140 = arith.constant 0 : i32
      %scan3A_141 = arith.constant 0 : i32
      %scan3A_142 = arith.constant 64 : i32
      %scan3A_143 = arith.addi %scan3A_141, %scan3A_142 : i32
      %scan3A_144 = arith.constant 1 : i32
      scf.for %scan3A_147 = %scan3A_141 to %scan3A_143 step %scan3A_144  : i32 {
        %get3A = arith.constant 1 : i32
        %get3A_148 = arith.index_cast %get3A : i32 to index
        %get3A_149 = arith.index_cast %scan3A_147 : i32 to index
        %get3A_150 = arith.constant 0 : index
        %get3A_151 = tpu.vector_load %arg7[%get3A_148, %get3A_149, %get3A_150] {strides = array<i32>} : memref<2x64x16xf32, #tpu.memory_space<vmem>>, vector<1x1x16xf32>,
        %get3A_152 = vector.shape_cast %get3A_151 : vector<1x1x16xf32> to vector<16xf32>
        %swap3A = arith.index_cast %scan3A_147 : i32 to index
        %swap3A_153 = arith.constant 0 : index
        %swap3A_154 = tpu.vector_load %arg8[%swap3A, %swap3A_153] {strides = array<i32>} : memref<64x128xf32, #tpu.memory_space<vmem>>, vector<1x16xf32>,
        %swap3A_155 = vector.shape_cast %swap3A_154 : vector<1x16xf32> to vector<16xf32>
        %swap3A_156 = vector.shape_cast %get3A_152 : vector<16xf32> to vector<1x16xf32>
        tpu.vector_store %arg8[%swap3A, %swap3A_153], %swap3A_156 {strides = array<i32>} : memref<64x128xf32, #tpu.memory_space<vmem>>, vector<1x16xf32>,
      }
      %scan3A_145 = arith.constant 64 : i32
      %run_scoped3A_146 = arith.constant 1 : i32
      "tpu.region"() ({
        %run_scoped3A_147 = tpu.sem_alloc : memref<!tpu.dma_semaphore, #tpu.memory_space<semaphore_mem>>
        %dma_start3A_148 = arith.constant 0 : i32
        %dma_start3A_149 = tpu.memref_slice %arg6[%run_scoped3A_146, %dma_start3A_148] : memref<2x64xi32, #tpu.memory_space<vmem>> -> memref<1x64xi32, #tpu.memory_space<vmem>>
        %dma_start3A_150 = tpu.memref_squeeze %dma_start3A_149 : memref<1x64xi32, #tpu.memory_space<vmem>> -> memref<64xi32, #tpu.memory_space<vmem>>
        %dma_start3A_151 = arith.constant 0 : i32
        %dma_start3A_152 = arith.constant 0 : i32
        %dma_start3A_153 = tpu.memref_slice %arg11[%dma_start3A_151, %dma_start3A_152] : memref<10240x128xf32, #tpu.memory_space<vmem_shared>> -> memref<10240x128xf32, #tpu.memory_space<vmem_shared>>
        tpu.enqueue_indirect_dma source(%arg8 : memref<64x128xf32, #tpu.memory_space<vmem>>) target(%dma_start3A_153 : memref<10240x128xf32, #tpu.memory_space<vmem_shared>>) offsets(%dma_start3A_150 : memref<64xi32, #tpu.memory_space<vmem>>) semaphore(%run_scoped3A_147 : memref<!tpu.dma_semaphore, #tpu.memory_space<semaphore_mem>>) {add = true}
        %dma_wait3A_154 = arith.constant 0 : i32
        %dma_wait3A_155 = tpu.memref_slice %arg6[%run_scoped3A_146, %dma_wait3A_154] : memref<2x64xi32, #tpu.memory_space<vmem>> -> memref<1x64xi32, #tpu.memory_space<vmem>>
        %dma_wait3A_156 = tpu.memref_squeeze %dma_wait3A_155 : memref<1x64xi32, #tpu.memory_space<vmem>> -> memref<64xi32, #tpu.memory_space<vmem>>
        %dma_wait3A_157 = arith.constant 0 : i32
        %dma_wait3A_158 = arith.constant 0 : i32
        %dma_wait3A_159 = tpu.memref_slice %arg11[%dma_wait3A_157, %dma_wait3A_158] : memref<10240x128xf32, #tpu.memory_space<vmem_shared>> -> memref<10240x128xf32, #tpu.memory_space<vmem_shared>>
        tpu.wait_indirect_dma semaphore(%run_scoped3A_147 : memref<!tpu.dma_semaphore, #tpu.memory_space<semaphore_mem>>) src(%arg8 : memref<64x128xf32, #tpu.memory_space<vmem>>) dst(%dma_wait3A_159 : memref<10240x128xf32, #tpu.memory_space<vmem_shared>>)
        tpu.yield
      }) : () -> ()
    }
    %scan3A_41 = arith.constant 40 : i32
    %barrier3A_42 = arith.constant 0 : index
    tpu.barrier barrier_id(%barrier3A_42)
    %scan3A_43 = arith.constant 0 : i32
    %scan3A_44 = arith.constant 0 : i32
    %scan3A_45 = arith.constant 20 : i32
    %scan3A_46 = arith.addi %scan3A_44, %scan3A_45 : i32
    %scan3A_47 = arith.constant 1 : i32
    scf.for %scan3A_49 = %scan3A_44 to %scan3A_46 step %scan3A_47  : i32 {
      %mul3A_50 = arith.constant 640 : i32
      %mul3A_51 = arith.muli %arg1, %mul3A_50 : i32
      %mul3A_52 = arith.constant 32 : i32
      %mul3A_53 = arith.muli %scan3A_49, %mul3A_52 : i32
      %add3A_54 = arith.addi %mul3A_51, %mul3A_53 : i32
      "tpu.region"() ({
        %run_scoped3A = tpu.sem_alloc : memref<!tpu.dma_semaphore, #tpu.memory_space<semaphore_mem>>
        %dma_start3A_61 = arith.constant 0 : i32
        %dma_start3A_62 = tpu.memref_slice %arg11[%add3A_54, %dma_start3A_61] : memref<10240x128xf32, #tpu.memory_space<vmem_shared>> -> memref<32x128xf32, #tpu.memory_space<vmem_shared>>
        %dma_start3A_63 = arith.constant 0 : i32
        %dma_start3A_64 = tpu.memref_slice %arg11[%add3A_54, %dma_start3A_63] : memref<10240x128xf32, #tpu.memory_space<vmem_shared>> -> memref<32x128xf32, #tpu.memory_space<vmem_shared>>
        tpu.enqueue_dma source(%dma_start3A_64 : memref<32x128xf32, #tpu.memory_space<vmem_shared>>) target(%arg9 : memref<32x128xf32, #tpu.memory_space<vmem>>) target_semaphore(%run_scoped3A : memref<!tpu.dma_semaphore, #tpu.memory_space<semaphore_mem>>)
        %dma_wait3A = arith.constant 0 : i32
        %dma_wait3A_65 = tpu.memref_slice %arg11[%add3A_54, %dma_wait3A] : memref<10240x128xf32, #tpu.memory_space<vmem_shared>> -> memref<32x128xf32, #tpu.memory_space<vmem_shared>>
        %dma_wait3A_66 = arith.constant 0 : i32
        %dma_wait3A_67 = tpu.memref_slice %arg11[%add3A_54, %dma_wait3A_66] : memref<10240x128xf32, #tpu.memory_space<vmem_shared>> -> memref<32x128xf32, #tpu.memory_space<vmem_shared>>
        tpu.wait_dma2 semaphore(%run_scoped3A : memref<!tpu.dma_semaphore, #tpu.memory_space<semaphore_mem>>) src(%dma_wait3A_67 : memref<32x128xf32, #tpu.memory_space<vmem_shared>>) dst(%arg9 : memref<32x128xf32, #tpu.memory_space<vmem>>)
        tpu.yield
      }) : () -> ()
      %scan3A_55 = arith.constant 0 : i32
      %scan3A_56 = arith.constant 0 : i32
      %scan3A_57 = arith.constant 32 : i32
      %scan3A_58 = arith.addi %scan3A_56, %scan3A_57 : i32
      %scan3A_59 = arith.constant 1 : i32
      scf.for %scan3A_61 = %scan3A_56 to %scan3A_58 step %scan3A_59  : i32 {
        %get3A = arith.index_cast %scan3A_61 : i32 to index
        %get3A_62 = arith.constant 0 : index
        %get3A_63 = tpu.vector_load %arg9[%get3A, %get3A_62] {strides = array<i32>} : memref<32x128xf32, #tpu.memory_space<vmem>>, vector<1x16xf32>,
        %get3A_64 = vector.shape_cast %get3A_63 : vector<1x16xf32> to vector<16xf32>
        %swap3A = arith.index_cast %scan3A_61 : i32 to index
        %swap3A_65 = arith.constant 0 : index
        %swap3A_66 = tpu.vector_load %arg10[%swap3A, %swap3A_65] {strides = array<i32>} : memref<32x16xf32, #tpu.memory_space<vmem>>, vector<1x16xf32>,
        %swap3A_67 = vector.shape_cast %swap3A_66 : vector<1x16xf32> to vector<16xf32>
        %swap3A_68 = vector.shape_cast %get3A_64 : vector<16xf32> to vector<1x16xf32>
        tpu.vector_store %arg10[%swap3A, %swap3A_65], %swap3A_68 {strides = array<i32>} : memref<32x16xf32, #tpu.memory_space<vmem>>, vector<1x16xf32>,
      }
      %scan3A_60 = arith.constant 32 : i32
      "tpu.region"() ({
        %run_scoped3A = tpu.sem_alloc : memref<!tpu.dma_semaphore, #tpu.memory_space<semaphore_mem>>
        %dma_start3A_61 = arith.constant 0 : i32
        %dma_start3A_62 = tpu.memref_slice %arg5[%arg0, %add3A_54, %dma_start3A_61] : memref<2x10240x16xf32, #tpu.memory_space<hbm>> -> memref<1x32x16xf32, #tpu.memory_space<hbm>>
        %dma_start3A_63 = tpu.memref_squeeze %dma_start3A_62 : memref<1x32x16xf32, #tpu.memory_space<hbm>> -> memref<32x16xf32, #tpu.memory_space<hbm>>
        %dma_start3A_64 = arith.constant 0 : i32
        %dma_start3A_65 = tpu.memref_slice %arg5[%arg0, %add3A_54, %dma_start3A_64] : memref<2x10240x16xf32, #tpu.memory_space<hbm>> -> memref<1x32x16xf32, #tpu.memory_space<hbm>>
        %dma_start3A_66 = tpu.memref_squeeze %dma_start3A_65 : memref<1x32x16xf32, #tpu.memory_space<hbm>> -> memref<32x16xf32, #tpu.memory_space<hbm>>
        tpu.enqueue_dma source(%arg10 : memref<32x16xf32, #tpu.memory_space<vmem>>) target(%dma_start3A_66 : memref<32x16xf32, #tpu.memory_space<hbm>>) target_semaphore(%run_scoped3A : memref<!tpu.dma_semaphore, #tpu.memory_space<semaphore_mem>>)
        %dma_wait3A = arith.constant 0 : i32
        %dma_wait3A_67 = tpu.memref_slice %arg5[%arg0, %add3A_54, %dma_wait3A] : memref<2x10240x16xf32, #tpu.memory_space<hbm>> -> memref<1x32x16xf32, #tpu.memory_space<hbm>>
        %dma_wait3A_68 = tpu.memref_squeeze %dma_wait3A_67 : memref<1x32x16xf32, #tpu.memory_space<hbm>> -> memref<32x16xf32, #tpu.memory_space<hbm>>
        %dma_wait3A_69 = arith.constant 0 : i32
        %dma_wait3A_70 = tpu.memref_slice %arg5[%arg0, %add3A_54, %dma_wait3A_69] : memref<2x10240x16xf32, #tpu.memory_space<hbm>> -> memref<1x32x16xf32, #tpu.memory_space<hbm>>
        %dma_wait3A_71 = tpu.memref_squeeze %dma_wait3A_70 : memref<1x32x16xf32, #tpu.memory_space<hbm>> -> memref<32x16xf32, #tpu.memory_space<hbm>>
        tpu.wait_dma2 semaphore(%run_scoped3A : memref<!tpu.dma_semaphore, #tpu.memory_space<semaphore_mem>>) src(%arg10 : memref<32x16xf32, #tpu.memory_space<vmem>>) dst(%dma_wait3A_71 : memref<32x16xf32, #tpu.memory_space<hbm>>)
        tpu.yield
      }) : () -> ()
    }
    %scan3A_48 = arith.constant 20 : i32
    return
  }
}

module attributes {stable_mosaic.version = 14 : i64} {
  func.func @_p2_body(%arg0: i32, %arg1: memref<1000x256xf32, #tpu.memory_space<vmem>>, %arg2: memref<2x1000x32xf32, #tpu.memory_space<vmem>>, %arg3: memref<256x256xf32, #tpu.memory_space<vmem>>, %arg4: memref<256x256xf32, #tpu.memory_space<vmem>>, %arg5: memref<1x256xf32, #tpu.memory_space<vmem>>, %arg6: memref<1x256xf32, #tpu.memory_space<vmem>>, %arg7: memref<16x256xf32, #tpu.memory_space<vmem>>, %arg8: memref<256x8xf32, #tpu.memory_space<vmem>>, %arg9: memref<1x256xf32, #tpu.memory_space<vmem>>, %arg10: memref<1x256xf32, #tpu.memory_space<vmem>>, %arg11: memref<1000x256xf32, #tpu.memory_space<vmem>>, %arg12: memref<1000x128xi32, #tpu.memory_space<vmem>>, %arg13: memref<1000x128xi32, #tpu.memory_space<vmem>>, %arg14: memref<1000x16xf32, #tpu.memory_space<vmem>>) attributes {dimension_semantics = [#tpu.dimension_semantics<arbitrary>], iteration_bounds = array<i64: 10>, scalar_prefetch = 0 : i64, scratch_operands = 0 : i64, tpu.core_type = #tpu.core_type<tc>, window_params = [{transform_indices = @transform_0, window_bounds = array<i64: 1000, 256>}, {transform_indices = @transform_1, window_bounds = array<i64: 2, 1000, 32>}, {pipeline_mode = #tpu.pipeline_mode<synchronous>, transform_indices = @transform_2, window_bounds = array<i64: 256, 256>}, {pipeline_mode = #tpu.pipeline_mode<synchronous>, transform_indices = @transform_3, window_bounds = array<i64: 256, 256>}, {pipeline_mode = #tpu.pipeline_mode<synchronous>, transform_indices = @transform_4, window_bounds = array<i64: 1, 256>}, {pipeline_mode = #tpu.pipeline_mode<synchronous>, transform_indices = @transform_5, window_bounds = array<i64: 1, 256>}, {pipeline_mode = #tpu.pipeline_mode<synchronous>, transform_indices = @transform_6, window_bounds = array<i64: 16, 256>}, {pipeline_mode = #tpu.pipeline_mode<synchronous>, transform_indices = @transform_7, window_bounds = array<i64: 256, 8>}, {pipeline_mode = #tpu.pipeline_mode<synchronous>, transform_indices = @transform_8, window_bounds = array<i64: 1, 256>}, {pipeline_mode = #tpu.pipeline_mode<synchronous>, transform_indices = @transform_9, window_bounds = array<i64: 1, 256>}, {transform_indices = @transform_10, window_bounds = array<i64: 1000, 256>}, {transform_indices = @transform_11, window_bounds = array<i64: 1000, 128>}, {transform_indices = @transform_12, window_bounds = array<i64: 1000, 128>}, {transform_indices = @transform_13, window_bounds = array<i64: 1000, 16>}]} {
    %get3A = arith.constant 0 : index
    %get3A_0 = arith.constant 0 : index
    %get3A_1 = vector.load %arg1[%get3A, %get3A_0] : memref<1000x256xf32, #tpu.memory_space<vmem>>, vector<1000x256xf32>
    %reduce_sum3A = arith.constant dense<0.000000e+00> : vector<1000xf32>
    %reduce_sum3A_2 = vector.multi_reduction <add>, %get3A_1, %reduce_sum3A [1] : vector<1000x256xf32> to vector<1000xf32>
    %broadcast_in_dim3A = vector.shape_cast %reduce_sum3A_2 : vector<1000xf32> to vector<1000x1xf32>
    %div3A = arith.constant 2.560000e+02 : f32
    %div3A_3 = vector.broadcast %div3A : f32 to vector<1000x1xf32>
    %div3A_4 = arith.divf %broadcast_in_dim3A, %div3A_3 : vector<1000x1xf32>
    %sub3A = vector.broadcast %div3A_4 : vector<1000x1xf32> to vector<1000x256xf32>
    %sub3A_5 = arith.subf %get3A_1, %sub3A : vector<1000x256xf32>
    %mul3A = arith.mulf %sub3A_5, %sub3A_5 : vector<1000x256xf32>
    %reduce_sum3A_6 = arith.constant dense<0.000000e+00> : vector<1000xf32>
    %reduce_sum3A_7 = vector.multi_reduction <add>, %mul3A, %reduce_sum3A_6 [1] : vector<1000x256xf32> to vector<1000xf32>
    %broadcast_in_dim3A_8 = vector.shape_cast %reduce_sum3A_7 : vector<1000xf32> to vector<1000x1xf32>
    %div3A_9 = arith.constant 2.560000e+02 : f32
    %div3A_10 = vector.broadcast %div3A_9 : f32 to vector<1000x1xf32>
    %div3A_11 = arith.divf %broadcast_in_dim3A_8, %div3A_10 : vector<1000x1xf32>
    %add3A = arith.constant 9.99999974E-6 : f32
    %add3A_12 = vector.broadcast %add3A : f32 to vector<1000x1xf32>
    %add3A_13 = arith.addf %div3A_11, %add3A_12 : vector<1000x1xf32>
    %sqrt3A = math.sqrt %add3A_13 : vector<1000x1xf32>
    %div3A_14 = vector.broadcast %sqrt3A : vector<1000x1xf32> to vector<1000x256xf32>
    %div3A_15 = arith.divf %sub3A_5, %div3A_14 : vector<1000x256xf32>
    %get3A_16 = arith.constant 0 : index
    %get3A_17 = arith.constant 0 : index
    %get3A_18 = vector.load %arg9[%get3A_16, %get3A_17] : memref<1x256xf32, #tpu.memory_space<vmem>>, vector<1x256xf32>
    %mul3A_19 = vector.broadcast %get3A_18 : vector<1x256xf32> to vector<1000x256xf32>
    %mul3A_20 = arith.mulf %div3A_15, %mul3A_19 : vector<1000x256xf32>
    %get3A_21 = arith.constant 0 : index
    %get3A_22 = arith.constant 0 : index
    %get3A_23 = vector.load %arg10[%get3A_21, %get3A_22] : memref<1x256xf32, #tpu.memory_space<vmem>>, vector<1x256xf32>
    %add3A_24 = vector.broadcast %get3A_23 : vector<1x256xf32> to vector<1000x256xf32>
    %add3A_25 = arith.addf %mul3A_20, %add3A_24 : vector<1000x256xf32>
    %get3A_26 = arith.constant 0 : index
    %get3A_27 = arith.constant 0 : index
    %get3A_28 = vector.load %arg3[%get3A_26, %get3A_27] : memref<256x256xf32, #tpu.memory_space<vmem>>, vector<256x256xf32>
    %dot_general3A = arith.constant dense<0.000000e+00> : vector<1000x256xf32>
    %dot_general3A_29 = tpu.matmul %add3A_25, %get3A_28, %dot_general3A {dimension_numbers = #tpu.dot_dimension_numbers<[1], [0], [0], [1], [0, 0, 1, 1], [], []>, transpose_lhs_hint = false} : vector<1000x256xf32>, vector<256x256xf32>, vector<1000x256xf32> -> vector<1000x256xf32>
    %get3A_30 = arith.constant 0 : index
    %get3A_31 = arith.constant 0 : index
    %get3A_32 = vector.load %arg5[%get3A_30, %get3A_31] : memref<1x256xf32, #tpu.memory_space<vmem>>, vector<1x256xf32>
    %add3A_33 = vector.broadcast %get3A_32 : vector<1x256xf32> to vector<1000x256xf32>
    %add3A_34 = arith.addf %dot_general3A_29, %add3A_33 : vector<1000x256xf32>
    %get3A_35 = arith.constant 0 : index
    %get3A_36 = arith.constant 0 : index
    %get3A_37 = vector.load %arg4[%get3A_35, %get3A_36] : memref<256x256xf32, #tpu.memory_space<vmem>>, vector<256x256xf32>
    %dot_general3A_38 = arith.constant dense<0.000000e+00> : vector<1000x256xf32>
    %dot_general3A_39 = tpu.matmul %add3A_25, %get3A_37, %dot_general3A_38 {dimension_numbers = #tpu.dot_dimension_numbers<[1], [0], [0], [1], [0, 0, 1, 1], [], []>, transpose_lhs_hint = false} : vector<1000x256xf32>, vector<256x256xf32>, vector<1000x256xf32> -> vector<1000x256xf32>
    %get3A_40 = arith.constant 0 : index
    %get3A_41 = arith.constant 0 : index
    %get3A_42 = vector.load %arg6[%get3A_40, %get3A_41] : memref<1x256xf32, #tpu.memory_space<vmem>>, vector<1x256xf32>
    %add3A_43 = vector.broadcast %get3A_42 : vector<1x256xf32> to vector<1000x256xf32>
    %add3A_44 = arith.addf %dot_general3A_39, %add3A_43 : vector<1000x256xf32>
    %swap3A = arith.constant 0 : index
    %swap3A_45 = arith.constant 0 : index
    %swap3A_46 = vector.load %arg11[%swap3A, %swap3A_45] : memref<1000x256xf32, #tpu.memory_space<vmem>>, vector<1000x256xf32>
    tpu.vector_store %arg11[%swap3A, %swap3A_45], %add3A_34 {strides = array<i32>} : memref<1000x256xf32, #tpu.memory_space<vmem>>, vector<1000x256xf32>,
    %slice3A = vector.extract_strided_slice %add3A_34 {offsets = [0, 0], sizes = [1000, 128], strides = [1, 1]} : vector<1000x256xf32> to vector<1000x128xf32>
    %convert_element_type3A = arith.truncf %slice3A : vector<1000x128xf32> to vector<1000x128xbf16>
    %convert_element_type3A_47 = arith.extf %convert_element_type3A : vector<1000x128xbf16> to vector<1000x128xf32>
    %bitcast_convert_type3A = tpu.bitcast %convert_element_type3A_47 : vector<1000x128xf32> -> vector<1000x128xi32>
    %slice3A_48 = vector.extract_strided_slice %add3A_34 {offsets = [0, 128], sizes = [1000, 128], strides = [1, 1]} : vector<1000x256xf32> to vector<1000x128xf32>
    %convert_element_type3A_49 = arith.truncf %slice3A_48 : vector<1000x128xf32> to vector<1000x128xbf16>
    %convert_element_type3A_50 = arith.extf %convert_element_type3A_49 : vector<1000x128xbf16> to vector<1000x128xf32>
    %bitcast_convert_type3A_51 = tpu.bitcast %convert_element_type3A_50 : vector<1000x128xf32> -> vector<1000x128xi32>
    %shift_right_logical3A = arith.constant 16 : i32
    %shift_right_logical3A_52 = vector.broadcast %shift_right_logical3A : i32 to vector<1000x128xi32>
    %shift_right_logical3A_53 = arith.shrui %bitcast_convert_type3A, %shift_right_logical3A_52 : vector<1000x128xi32>
    %and3A = arith.constant -65536 : i32
    %and3A_54 = vector.broadcast %and3A : i32 to vector<1000x128xi32>
    %and3A_55 = arith.andi %bitcast_convert_type3A_51, %and3A_54 : vector<1000x128xi32>
    %or3A = arith.ori %shift_right_logical3A_53, %and3A_55 : vector<1000x128xi32>
    %swap3A_56 = arith.constant 0 : index
    %swap3A_57 = arith.constant 0 : index
    %swap3A_58 = vector.load %arg12[%swap3A_56, %swap3A_57] : memref<1000x128xi32, #tpu.memory_space<vmem>>, vector<1000x128xi32>
    tpu.vector_store %arg12[%swap3A_56, %swap3A_57], %or3A {strides = array<i32>} : memref<1000x128xi32, #tpu.memory_space<vmem>>, vector<1000x128xi32>,
    %slice3A_59 = vector.extract_strided_slice %add3A_44 {offsets = [0, 0], sizes = [1000, 128], strides = [1, 1]} : vector<1000x256xf32> to vector<1000x128xf32>
    %convert_element_type3A_60 = arith.truncf %slice3A_59 : vector<1000x128xf32> to vector<1000x128xbf16>
    %convert_element_type3A_61 = arith.extf %convert_element_type3A_60 : vector<1000x128xbf16> to vector<1000x128xf32>
    %bitcast_convert_type3A_62 = tpu.bitcast %convert_element_type3A_61 : vector<1000x128xf32> -> vector<1000x128xi32>
    %slice3A_63 = vector.extract_strided_slice %add3A_44 {offsets = [0, 128], sizes = [1000, 128], strides = [1, 1]} : vector<1000x256xf32> to vector<1000x128xf32>
    %convert_element_type3A_64 = arith.truncf %slice3A_63 : vector<1000x128xf32> to vector<1000x128xbf16>
    %convert_element_type3A_65 = arith.extf %convert_element_type3A_64 : vector<1000x128xbf16> to vector<1000x128xf32>
    %bitcast_convert_type3A_66 = tpu.bitcast %convert_element_type3A_65 : vector<1000x128xf32> -> vector<1000x128xi32>
    %shift_right_logical3A_67 = arith.constant 16 : i32
    %shift_right_logical3A_68 = vector.broadcast %shift_right_logical3A_67 : i32 to vector<1000x128xi32>
    %shift_right_logical3A_69 = arith.shrui %bitcast_convert_type3A_62, %shift_right_logical3A_68 : vector<1000x128xi32>
    %and3A_70 = arith.constant -65536 : i32
    %and3A_71 = vector.broadcast %and3A_70 : i32 to vector<1000x128xi32>
    %and3A_72 = arith.andi %bitcast_convert_type3A_66, %and3A_71 : vector<1000x128xi32>
    %or3A_73 = arith.ori %shift_right_logical3A_69, %and3A_72 : vector<1000x128xi32>
    %swap3A_74 = arith.constant 0 : index
    %swap3A_75 = arith.constant 0 : index
    %swap3A_76 = vector.load %arg13[%swap3A_74, %swap3A_75] : memref<1000x128xi32, #tpu.memory_space<vmem>>, vector<1000x128xi32>
    tpu.vector_store %arg13[%swap3A_74, %swap3A_75], %or3A_73 {strides = array<i32>} : memref<1000x128xi32, #tpu.memory_space<vmem>>, vector<1000x128xi32>,
    %get3A_77 = arith.constant 0 : index
    %get3A_78 = arith.constant 0 : index
    %get3A_79 = arith.constant 0 : index
    %get3A_80 = vector.load %arg2[%get3A_77, %get3A_78, %get3A_79] : memref<2x1000x32xf32, #tpu.memory_space<vmem>>, vector<1x1000x32xf32>
    %get3A_81 = vector.shape_cast %get3A_80 : vector<1x1000x32xf32> to vector<1000x32xf32>
    %slice3A_82 = vector.extract_strided_slice %get3A_81 {offsets = [0, 0], sizes = [1000, 16], strides = [1, 1]} : vector<1000x32xf32> to vector<1000x16xf32>
    %get3A_83 = arith.constant 1 : index
    %get3A_84 = arith.constant 0 : index
    %get3A_85 = arith.constant 0 : index
    %get3A_86 = vector.load %arg2[%get3A_83, %get3A_84, %get3A_85] : memref<2x1000x32xf32, #tpu.memory_space<vmem>>, vector<1x1000x32xf32>
    %get3A_87 = vector.shape_cast %get3A_86 : vector<1x1000x32xf32> to vector<1000x32xf32>
    %slice3A_88 = vector.extract_strided_slice %get3A_87 {offsets = [0, 0], sizes = [1000, 16], strides = [1, 1]} : vector<1000x32xf32> to vector<1000x16xf32>
    %add3A_89 = arith.addf %slice3A_82, %slice3A_88 : vector<1000x16xf32>
    %get3A_90 = arith.constant 0 : index
    %get3A_91 = arith.constant 0 : index
    %get3A_92 = arith.constant 0 : index
    %get3A_93 = vector.load %arg2[%get3A_90, %get3A_91, %get3A_92] : memref<2x1000x32xf32, #tpu.memory_space<vmem>>, vector<1x1000x32xf32>
    %get3A_94 = vector.shape_cast %get3A_93 : vector<1x1000x32xf32> to vector<1000x32xf32>
    %slice3A_95 = vector.extract_strided_slice %get3A_94 {offsets = [0, 16], sizes = [1000, 1], strides = [1, 1]} : vector<1000x32xf32> to vector<1000x1xf32>
    %get3A_96 = arith.constant 1 : index
    %get3A_97 = arith.constant 0 : index
    %get3A_98 = arith.constant 0 : index
    %get3A_99 = vector.load %arg2[%get3A_96, %get3A_97, %get3A_98] : memref<2x1000x32xf32, #tpu.memory_space<vmem>>, vector<1x1000x32xf32>
    %get3A_100 = vector.shape_cast %get3A_99 : vector<1x1000x32xf32> to vector<1000x32xf32>
    %slice3A_101 = vector.extract_strided_slice %get3A_100 {offsets = [0, 16], sizes = [1000, 1], strides = [1, 1]} : vector<1000x32xf32> to vector<1000x1xf32>
    %add3A_102 = arith.addf %slice3A_95, %slice3A_101 : vector<1000x1xf32>
    %max3A = arith.constant 1.000000e+00 : f32
    %max3A_103 = vector.broadcast %max3A : f32 to vector<1000x1xf32>
    %max3A_104 = arith.maximumf %add3A_102, %max3A_103 : vector<1000x1xf32>
    %div3A_105 = vector.broadcast %max3A_104 : vector<1000x1xf32> to vector<1000x16xf32>
    %div3A_106 = arith.divf %add3A_89, %div3A_105 : vector<1000x16xf32>
    %get3A_107 = arith.constant 0 : index
    %get3A_108 = arith.constant 0 : index
    %get3A_109 = vector.load %arg7[%get3A_107, %get3A_108] : memref<16x256xf32, #tpu.memory_space<vmem>>, vector<16x256xf32>
    %dot_general3A_110 = arith.constant dense<0.000000e+00> : vector<1000x256xf32>
    %dot_general3A_111 = tpu.matmul %div3A_106, %get3A_109, %dot_general3A_110 {dimension_numbers = #tpu.dot_dimension_numbers<[1], [0], [0], [1], [0, 0, 1, 1], [], []>, transpose_lhs_hint = false} : vector<1000x16xf32>, vector<16x256xf32>, vector<1000x256xf32> -> vector<1000x256xf32>
    %add3A_112 = arith.addf %add3A_34, %add3A_44 : vector<1000x256xf32>
    %add3A_113 = arith.addf %add3A_112, %dot_general3A_111 : vector<1000x256xf32>
    %gt3A = arith.constant 0.000000e+00 : f32
    %gt3A_114 = vector.broadcast %gt3A : f32 to vector<1000x256xf32>
    %gt3A_115 = arith.cmpf ogt, %add3A_113, %gt3A_114 : vector<1000x256xf32>
    %mul3A_116 = arith.constant 2.000000e-01 : f32
    %mul3A_117 = vector.broadcast %mul3A_116 : f32 to vector<1000x256xf32>
    %mul3A_118 = arith.mulf %mul3A_117, %add3A_113 : vector<1000x256xf32>
    %select_n3A = arith.select %gt3A_115, %add3A_113, %mul3A_118 : vector<1000x256xi1>, vector<1000x256xf32>
    %get3A_119 = arith.constant 0 : index
    %get3A_120 = arith.constant 0 : index
    %get3A_121 = vector.load %arg8[%get3A_119, %get3A_120] : memref<256x8xf32, #tpu.memory_space<vmem>>, vector<256x8xf32>
    %dot_general3A_122 = arith.constant dense<0.000000e+00> : vector<1000x8xf32>
    %dot_general3A_123 = tpu.matmul %select_n3A, %get3A_121, %dot_general3A_122 {dimension_numbers = #tpu.dot_dimension_numbers<[1], [0], [0], [1], [0, 0, 1, 1], [], []>, transpose_lhs_hint = false} : vector<1000x256xf32>, vector<256x8xf32>, vector<1000x8xf32> -> vector<1000x8xf32>
    %exp3A = math.exp %dot_general3A_123 : vector<1000x8xf32>
    %broadcast_in_dim3A_124 = arith.constant 0.000000e+00 : f32
    %broadcast_in_dim3A_125 = vector.broadcast %broadcast_in_dim3A_124 : f32 to vector<1000x8xf32>
    %concatenate3A = tpu.concatenate %exp3A, %broadcast_in_dim3A_125 in 1 : vector<1000x8xf32>, vector<1000x8xf32> -> vector<1000x16xf32>
    %swap3A_126 = arith.constant 0 : index
    %swap3A_127 = arith.constant 0 : index
    %swap3A_128 = vector.load %arg14[%swap3A_126, %swap3A_127] : memref<1000x16xf32, #tpu.memory_space<vmem>>, vector<1000x16xf32>
    tpu.vector_store %arg14[%swap3A_126, %swap3A_127], %concatenate3A {strides = array<i32>} : memref<1000x16xf32, #tpu.memory_space<vmem>>, vector<1000x16xf32>,
    return
  }
  func.func @transform_0(%arg0: i32) -> (i32, i32) {
    %c0_i32 = arith.constant 0 : i32
    %c0_i32_0 = arith.constant 0 : i32
    return %arg0, %c0_i32 : i32, i32
  }
  func.func @transform_1(%arg0: i32) -> (i32, i32, i32) {
    %c0_i32 = arith.constant 0 : i32
    %c0_i32_0 = arith.constant 0 : i32
    %c0_i32_1 = arith.constant 0 : i32
    return %c0_i32, %arg0, %c0_i32_0 : i32, i32, i32
  }
  func.func @transform_2(%arg0: i32) -> (i32, i32) {
    %c0_i32 = arith.constant 0 : i32
    %c0_i32_0 = arith.constant 0 : i32
    %c0_i32_1 = arith.constant 0 : i32
    return %c0_i32, %c0_i32_0 : i32, i32
  }
  func.func @transform_3(%arg0: i32) -> (i32, i32) {
    %c0_i32 = arith.constant 0 : i32
    %c0_i32_0 = arith.constant 0 : i32
    %c0_i32_1 = arith.constant 0 : i32
    return %c0_i32, %c0_i32_0 : i32, i32
  }
  func.func @transform_4(%arg0: i32) -> (i32, i32) {
    %c0_i32 = arith.constant 0 : i32
    %c0_i32_0 = arith.constant 0 : i32
    %c0_i32_1 = arith.constant 0 : i32
    return %c0_i32, %c0_i32_0 : i32, i32
  }
  func.func @transform_5(%arg0: i32) -> (i32, i32) {
    %c0_i32 = arith.constant 0 : i32
    %c0_i32_0 = arith.constant 0 : i32
    %c0_i32_1 = arith.constant 0 : i32
    return %c0_i32, %c0_i32_0 : i32, i32
  }
  func.func @transform_6(%arg0: i32) -> (i32, i32) {
    %c0_i32 = arith.constant 0 : i32
    %c0_i32_0 = arith.constant 0 : i32
    %c0_i32_1 = arith.constant 0 : i32
    return %c0_i32, %c0_i32_0 : i32, i32
  }
  func.func @transform_7(%arg0: i32) -> (i32, i32) {
    %c0_i32 = arith.constant 0 : i32
    %c0_i32_0 = arith.constant 0 : i32
    %c0_i32_1 = arith.constant 0 : i32
    return %c0_i32, %c0_i32_0 : i32, i32
  }
  func.func @transform_8(%arg0: i32) -> (i32, i32) {
    %c0_i32 = arith.constant 0 : i32
    %c0_i32_0 = arith.constant 0 : i32
    %c0_i32_1 = arith.constant 0 : i32
    return %c0_i32, %c0_i32_0 : i32, i32
  }
  func.func @transform_9(%arg0: i32) -> (i32, i32) {
    %c0_i32 = arith.constant 0 : i32
    %c0_i32_0 = arith.constant 0 : i32
    %c0_i32_1 = arith.constant 0 : i32
    return %c0_i32, %c0_i32_0 : i32, i32
  }
  func.func @transform_10(%arg0: i32) -> (i32, i32) {
    %c0_i32 = arith.constant 0 : i32
    %c0_i32_0 = arith.constant 0 : i32
    return %arg0, %c0_i32 : i32, i32
  }
  func.func @transform_11(%arg0: i32) -> (i32, i32) {
    %c0_i32 = arith.constant 0 : i32
    %c0_i32_0 = arith.constant 0 : i32
    return %arg0, %c0_i32 : i32, i32
  }
  func.func @transform_12(%arg0: i32) -> (i32, i32) {
    %c0_i32 = arith.constant 0 : i32
    %c0_i32_0 = arith.constant 0 : i32
    return %arg0, %c0_i32 : i32, i32
  }
  func.func @transform_13(%arg0: i32) -> (i32, i32) {
    %c0_i32 = arith.constant 0 : i32
    %c0_i32_0 = arith.constant 0 : i32
    return %arg0, %c0_i32 : i32, i32
  }
}

module attributes {stable_mosaic.version = 14 : i64} {
  func.func @_p4_body(%arg0: i32, %arg1: memref<2048x16xf32, #tpu.memory_space<vmem>>, %arg2: memref<2048x128xi32, #tpu.memory_space<vmem>>, %arg3: memref<2048x128xi32, #tpu.memory_space<vmem>>, %arg4: memref<16x256xf32, #tpu.memory_space<vmem>>, %arg5: memref<256x8xf32, #tpu.memory_space<vmem>>, %arg6: memref<8x256xf32, #tpu.memory_space<vmem>>, %arg7: memref<2x2048x128xf32, #tpu.memory_space<vmem>>, %arg8: memref<2048x16xf32, #tpu.memory_space<vmem>>) attributes {dimension_semantics = [#tpu.dimension_semantics<arbitrary>], iteration_bounds = array<i64: 80>, scalar_prefetch = 0 : i64, scratch_operands = 0 : i64, tpu.core_type = #tpu.core_type<tc>, window_params = [{transform_indices = @transform_0, window_bounds = array<i64: 2048, 16>}, {transform_indices = @transform_1, window_bounds = array<i64: 2048, 128>}, {transform_indices = @transform_2, window_bounds = array<i64: 2048, 128>}, {pipeline_mode = #tpu.pipeline_mode<synchronous>, transform_indices = @transform_3, window_bounds = array<i64: 16, 256>}, {pipeline_mode = #tpu.pipeline_mode<synchronous>, transform_indices = @transform_4, window_bounds = array<i64: 256, 8>}, {pipeline_mode = #tpu.pipeline_mode<synchronous>, transform_indices = @transform_5, window_bounds = array<i64: 8, 256>}, {transform_indices = @transform_6, window_bounds = array<i64: 2, 2048, 128>}, {transform_indices = @transform_7, window_bounds = array<i64: 2048, 16>}]} {
    %get3A = arith.constant 0 : index
    %get3A_0 = arith.constant 0 : index
    %get3A_1 = vector.load %arg2[%get3A, %get3A_0] : memref<2048x128xi32, #tpu.memory_space<vmem>>, vector<2048x128xi32>
    %shift_left3A = arith.constant 16 : i32
    %shift_left3A_2 = vector.broadcast %shift_left3A : i32 to vector<2048x128xi32>
    %shift_left3A_3 = arith.shli %get3A_1, %shift_left3A_2 : vector<2048x128xi32>
    %bitcast_convert_type3A = tpu.bitcast %shift_left3A_3 : vector<2048x128xi32> -> vector<2048x128xf32>
    %and3A = arith.constant -65536 : i32
    %and3A_4 = vector.broadcast %and3A : i32 to vector<2048x128xi32>
    %and3A_5 = arith.andi %get3A_1, %and3A_4 : vector<2048x128xi32>
    %bitcast_convert_type3A_6 = tpu.bitcast %and3A_5 : vector<2048x128xi32> -> vector<2048x128xf32>
    %concatenate3A = tpu.concatenate %bitcast_convert_type3A, %bitcast_convert_type3A_6 in 1 : vector<2048x128xf32>, vector<2048x128xf32> -> vector<2048x256xf32>
    %get3A_7 = arith.constant 0 : index
    %get3A_8 = arith.constant 0 : index
    %get3A_9 = vector.load %arg3[%get3A_7, %get3A_8] : memref<2048x128xi32, #tpu.memory_space<vmem>>, vector<2048x128xi32>
    %shift_left3A_10 = arith.constant 16 : i32
    %shift_left3A_11 = vector.broadcast %shift_left3A_10 : i32 to vector<2048x128xi32>
    %shift_left3A_12 = arith.shli %get3A_9, %shift_left3A_11 : vector<2048x128xi32>
    %bitcast_convert_type3A_13 = tpu.bitcast %shift_left3A_12 : vector<2048x128xi32> -> vector<2048x128xf32>
    %and3A_14 = arith.constant -65536 : i32
    %and3A_15 = vector.broadcast %and3A_14 : i32 to vector<2048x128xi32>
    %and3A_16 = arith.andi %get3A_9, %and3A_15 : vector<2048x128xi32>
    %bitcast_convert_type3A_17 = tpu.bitcast %and3A_16 : vector<2048x128xi32> -> vector<2048x128xf32>
    %concatenate3A_18 = tpu.concatenate %bitcast_convert_type3A_13, %bitcast_convert_type3A_17 in 1 : vector<2048x128xf32>, vector<2048x128xf32> -> vector<2048x256xf32>
    %get3A_19 = arith.constant 0 : index
    %get3A_20 = arith.constant 0 : index
    %get3A_21 = vector.load %arg1[%get3A_19, %get3A_20] : memref<2048x16xf32, #tpu.memory_space<vmem>>, vector<2048x16xf32>
    %get3A_22 = arith.constant 0 : index
    %get3A_23 = arith.constant 0 : index
    %get3A_24 = vector.load %arg4[%get3A_22, %get3A_23] : memref<16x256xf32, #tpu.memory_space<vmem>>, vector<16x256xf32>
    %dot_general3A = arith.constant dense<0.000000e+00> : vector<2048x256xf32>
    %dot_general3A_25 = tpu.matmul %get3A_21, %get3A_24, %dot_general3A {dimension_numbers = #tpu.dot_dimension_numbers<[1], [0], [0], [1], [0, 0, 1, 1], [], []>, transpose_lhs_hint = false} : vector<2048x16xf32>, vector<16x256xf32>, vector<2048x256xf32> -> vector<2048x256xf32>
    %add3A = arith.addf %concatenate3A, %concatenate3A_18 : vector<2048x256xf32>
    %add3A_26 = arith.addf %add3A, %dot_general3A_25 : vector<2048x256xf32>
    %gt3A = arith.constant 0.000000e+00 : f32
    %gt3A_27 = vector.broadcast %gt3A : f32 to vector<2048x256xf32>
    %gt3A_28 = arith.cmpf ogt, %add3A_26, %gt3A_27 : vector<2048x256xf32>
    %mul3A = arith.constant 2.000000e-01 : f32
    %mul3A_29 = vector.broadcast %mul3A : f32 to vector<2048x256xf32>
    %mul3A_30 = arith.mulf %mul3A_29, %add3A_26 : vector<2048x256xf32>
    %select_n3A = arith.select %gt3A_28, %add3A_26, %mul3A_30 : vector<2048x256xi1>, vector<2048x256xf32>
    %get3A_31 = arith.constant 0 : index
    %get3A_32 = arith.constant 0 : index
    %get3A_33 = vector.load %arg5[%get3A_31, %get3A_32] : memref<256x8xf32, #tpu.memory_space<vmem>>, vector<256x8xf32>
    %dot_general3A_34 = arith.constant dense<0.000000e+00> : vector<2048x8xf32>
    %dot_general3A_35 = tpu.matmul %select_n3A, %get3A_33, %dot_general3A_34 {dimension_numbers = #tpu.dot_dimension_numbers<[1], [0], [0], [1], [0, 0, 1, 1], [], []>, transpose_lhs_hint = false} : vector<2048x256xf32>, vector<256x8xf32>, vector<2048x8xf32> -> vector<2048x8xf32>
    %exp3A = math.exp %dot_general3A_35 : vector<2048x8xf32>
    %broadcast_in_dim3A = arith.constant 0.000000e+00 : f32
    %broadcast_in_dim3A_36 = vector.broadcast %broadcast_in_dim3A : f32 to vector<2048x8xf32>
    %concatenate3A_37 = tpu.concatenate %exp3A, %broadcast_in_dim3A_36 in 1 : vector<2048x8xf32>, vector<2048x8xf32> -> vector<2048x16xf32>
    %swap3A = arith.constant 0 : index
    %swap3A_38 = arith.constant 0 : index
    %swap3A_39 = vector.load %arg8[%swap3A, %swap3A_38] : memref<2048x16xf32, #tpu.memory_space<vmem>>, vector<2048x16xf32>
    tpu.vector_store %arg8[%swap3A, %swap3A_38], %concatenate3A_37 {strides = array<i32>} : memref<2048x16xf32, #tpu.memory_space<vmem>>, vector<2048x16xf32>,
    %get3A_40 = arith.constant 0 : index
    %get3A_41 = arith.constant 0 : index
    %get3A_42 = vector.load %arg6[%get3A_40, %get3A_41] : memref<8x256xf32, #tpu.memory_space<vmem>>, vector<8x256xf32>
    %dot_general3A_43 = arith.constant dense<0.000000e+00> : vector<2048x256xf32>
    %dot_general3A_44 = tpu.matmul %exp3A, %get3A_42, %dot_general3A_43 {dimension_numbers = #tpu.dot_dimension_numbers<[1], [0], [0], [1], [0, 0, 1, 1], [], []>, transpose_lhs_hint = false} : vector<2048x8xf32>, vector<8x256xf32>, vector<2048x256xf32> -> vector<2048x256xf32>
    %mul3A_45 = arith.mulf %dot_general3A_44, %concatenate3A : vector<2048x256xf32>
    %slice3A = vector.extract_strided_slice %mul3A_45 {offsets = [0, 0], sizes = [2048, 128], strides = [1, 1]} : vector<2048x256xf32> to vector<2048x128xf32>
    %slice3A_46 = vector.extract_strided_slice %mul3A_45 {offsets = [0, 128], sizes = [2048, 128], strides = [1, 1]} : vector<2048x256xf32> to vector<2048x128xf32>
    %stack3A = vector.shape_cast %slice3A : vector<2048x128xf32> to vector<1x2048x128xf32>
    %stack3A_47 = vector.shape_cast %slice3A_46 : vector<2048x128xf32> to vector<1x2048x128xf32>
    %stack3A_48 = tpu.concatenate %stack3A, %stack3A_47 in 0 : vector<1x2048x128xf32>, vector<1x2048x128xf32> -> vector<2x2048x128xf32>
    %swap3A_49 = arith.constant 0 : index
    %swap3A_50 = arith.constant 0 : index
    %swap3A_51 = arith.constant 0 : index
    %swap3A_52 = vector.load %arg7[%swap3A_49, %swap3A_50, %swap3A_51] : memref<2x2048x128xf32, #tpu.memory_space<vmem>>, vector<2x2048x128xf32>
    tpu.vector_store %arg7[%swap3A_49, %swap3A_50, %swap3A_51], %stack3A_48 {strides = array<i32>} : memref<2x2048x128xf32, #tpu.memory_space<vmem>>, vector<2x2048x128xf32>,
    return
  }
  func.func @transform_0(%arg0: i32) -> (i32, i32) {
    %c0_i32 = arith.constant 0 : i32
    %c0_i32_0 = arith.constant 0 : i32
    return %arg0, %c0_i32 : i32, i32
  }
  func.func @transform_1(%arg0: i32) -> (i32, i32) {
    %c0_i32 = arith.constant 0 : i32
    %c0_i32_0 = arith.constant 0 : i32
    return %arg0, %c0_i32 : i32, i32
  }
  func.func @transform_2(%arg0: i32) -> (i32, i32) {
    %c0_i32 = arith.constant 0 : i32
    %c0_i32_0 = arith.constant 0 : i32
    return %arg0, %c0_i32 : i32, i32
  }
  func.func @transform_3(%arg0: i32) -> (i32, i32) {
    %c0_i32 = arith.constant 0 : i32
    %c0_i32_0 = arith.constant 0 : i32
    %c0_i32_1 = arith.constant 0 : i32
    return %c0_i32, %c0_i32_0 : i32, i32
  }
  func.func @transform_4(%arg0: i32) -> (i32, i32) {
    %c0_i32 = arith.constant 0 : i32
    %c0_i32_0 = arith.constant 0 : i32
    %c0_i32_1 = arith.constant 0 : i32
    return %c0_i32, %c0_i32_0 : i32, i32
  }
  func.func @transform_5(%arg0: i32) -> (i32, i32) {
    %c0_i32 = arith.constant 0 : i32
    %c0_i32_0 = arith.constant 0 : i32
    %c0_i32_1 = arith.constant 0 : i32
    return %c0_i32, %c0_i32_0 : i32, i32
  }
  func.func @transform_6(%arg0: i32) -> (i32, i32, i32) {
    %c0_i32 = arith.constant 0 : i32
    %c0_i32_0 = arith.constant 0 : i32
    %c0_i32_1 = arith.constant 0 : i32
    return %c0_i32, %arg0, %c0_i32_0 : i32, i32, i32
  }
  func.func @transform_7(%arg0: i32) -> (i32, i32) {
    %c0_i32 = arith.constant 0 : i32
    %c0_i32_0 = arith.constant 0 : i32
    return %arg0, %c0_i32 : i32, i32
  }
}

module attributes {stable_mosaic.version = 14 : i64} {
  func.func @_p6_body(%arg0: i32, %arg1: memref<1000x256xf32, #tpu.memory_space<vmem>>, %arg2: memref<1000x256xf32, #tpu.memory_space<vmem>>, %arg3: memref<1000x16xf32, #tpu.memory_space<vmem>>, %arg4: memref<2x1000x128xf32, #tpu.memory_space<vmem>>, %arg5: memref<2x1000x16xf32, #tpu.memory_space<vmem>>, %arg6: memref<8x256xf32, #tpu.memory_space<vmem>>, %arg7: memref<1x256xf32, #tpu.memory_space<vmem>>, %arg8: memref<1x256xf32, #tpu.memory_space<vmem>>, %arg9: memref<1x256xf32, #tpu.memory_space<vmem>>, %arg10: memref<256x512xf32, #tpu.memory_space<vmem>>, %arg11: memref<1x512xf32, #tpu.memory_space<vmem>>, %arg12: memref<512x256xf32, #tpu.memory_space<vmem>>, %arg13: memref<1x256xf32, #tpu.memory_space<vmem>>, %arg14: memref<1000x256xf32, #tpu.memory_space<vmem>>) attributes {dimension_semantics = [#tpu.dimension_semantics<arbitrary>], iteration_bounds = array<i64: 10>, scalar_prefetch = 0 : i64, scratch_operands = 0 : i64, tpu.core_type = #tpu.core_type<tc>, window_params = [{transform_indices = @transform_0, window_bounds = array<i64: 1000, 256>}, {transform_indices = @transform_1, window_bounds = array<i64: 1000, 256>}, {transform_indices = @transform_2, window_bounds = array<i64: 1000, 16>}, {transform_indices = @transform_3, window_bounds = array<i64: 2, 1000, 128>}, {transform_indices = @transform_4, window_bounds = array<i64: 2, 1000, 16>}, {pipeline_mode = #tpu.pipeline_mode<synchronous>, transform_indices = @transform_5, window_bounds = array<i64: 8, 256>}, {pipeline_mode = #tpu.pipeline_mode<synchronous>, transform_indices = @transform_6, window_bounds = array<i64: 1, 256>}, {pipeline_mode = #tpu.pipeline_mode<synchronous>, transform_indices = @transform_7, window_bounds = array<i64: 1, 256>}, {pipeline_mode = #tpu.pipeline_mode<synchronous>, transform_indices = @transform_8, window_bounds = array<i64: 1, 256>}, {pipeline_mode = #tpu.pipeline_mode<synchronous>, transform_indices = @transform_9, window_bounds = array<i64: 256, 512>}, {pipeline_mode = #tpu.pipeline_mode<synchronous>, transform_indices = @transform_10, window_bounds = array<i64: 1, 512>}, {pipeline_mode = #tpu.pipeline_mode<synchronous>, transform_indices = @transform_11, window_bounds = array<i64: 512, 256>}, {pipeline_mode = #tpu.pipeline_mode<synchronous>, transform_indices = @transform_12, window_bounds = array<i64: 1, 256>}, {transform_indices = @transform_13, window_bounds = array<i64: 1000, 256>}]} {
    %get3A = arith.constant 0 : index
    %get3A_0 = arith.constant 0 : index
    %get3A_1 = vector.load %arg1[%get3A, %get3A_0] : memref<1000x256xf32, #tpu.memory_space<vmem>>, vector<1000x256xf32>
    %get3A_2 = arith.constant 0 : index
    %get3A_3 = arith.constant 0 : index
    %get3A_4 = vector.load %arg2[%get3A_2, %get3A_3] : memref<1000x256xf32, #tpu.memory_space<vmem>>, vector<1000x256xf32>
    %get3A_5 = arith.constant 0 : index
    %get3A_6 = arith.constant 0 : index
    %get3A_7 = vector.load %arg3[%get3A_5, %get3A_6] : memref<1000x16xf32, #tpu.memory_space<vmem>>, vector<1000x16xf32>
    %slice3A = vector.extract_strided_slice %get3A_7 {offsets = [0, 0], sizes = [1000, 8], strides = [1, 1]} : vector<1000x16xf32> to vector<1000x8xf32>
    %get3A_8 = arith.constant 0 : index
    %get3A_9 = arith.constant 0 : index
    %get3A_10 = arith.constant 0 : index
    %get3A_11 = vector.load %arg4[%get3A_8, %get3A_9, %get3A_10] : memref<2x1000x128xf32, #tpu.memory_space<vmem>>, vector<1x1000x128xf32>
    %get3A_12 = vector.shape_cast %get3A_11 : vector<1x1000x128xf32> to vector<1000x128xf32>
    %get3A_13 = arith.constant 1 : index
    %get3A_14 = arith.constant 0 : index
    %get3A_15 = arith.constant 0 : index
    %get3A_16 = vector.load %arg4[%get3A_13, %get3A_14, %get3A_15] : memref<2x1000x128xf32, #tpu.memory_space<vmem>>, vector<1x1000x128xf32>
    %get3A_17 = vector.shape_cast %get3A_16 : vector<1x1000x128xf32> to vector<1000x128xf32>
    %concatenate3A = tpu.concatenate %get3A_12, %get3A_17 in 1 : vector<1000x128xf32>, vector<1000x128xf32> -> vector<1000x256xf32>
    %get3A_18 = arith.constant 0 : index
    %get3A_19 = arith.constant 0 : index
    %get3A_20 = vector.load %arg6[%get3A_18, %get3A_19] : memref<8x256xf32, #tpu.memory_space<vmem>>, vector<8x256xf32>
    %dot_general3A = arith.constant dense<0.000000e+00> : vector<1000x256xf32>
    %dot_general3A_21 = tpu.matmul %slice3A, %get3A_20, %dot_general3A {dimension_numbers = #tpu.dot_dimension_numbers<[1], [0], [0], [1], [0, 0, 1, 1], [], []>, transpose_lhs_hint = false} : vector<1000x8xf32>, vector<8x256xf32>, vector<1000x256xf32> -> vector<1000x256xf32>
    %mul3A = arith.mulf %dot_general3A_21, %get3A_4 : vector<1000x256xf32>
    %add3A = arith.addf %concatenate3A, %mul3A : vector<1000x256xf32>
    %get3A_22 = arith.constant 0 : index
    %get3A_23 = arith.constant 0 : index
    %get3A_24 = arith.constant 0 : index
    %get3A_25 = vector.load %arg5[%get3A_22, %get3A_23, %get3A_24] : memref<2x1000x16xf32, #tpu.memory_space<vmem>>, vector<1x1000x16xf32>
    %get3A_26 = vector.shape_cast %get3A_25 : vector<1x1000x16xf32> to vector<1000x16xf32>
    %slice3A_27 = vector.extract_strided_slice %get3A_26 {offsets = [0, 0], sizes = [1000, 8], strides = [1, 1]} : vector<1000x16xf32> to vector<1000x8xf32>
    %get3A_28 = arith.constant 1 : index
    %get3A_29 = arith.constant 0 : index
    %get3A_30 = arith.constant 0 : index
    %get3A_31 = vector.load %arg5[%get3A_28, %get3A_29, %get3A_30] : memref<2x1000x16xf32, #tpu.memory_space<vmem>>, vector<1x1000x16xf32>
    %get3A_32 = vector.shape_cast %get3A_31 : vector<1x1000x16xf32> to vector<1000x16xf32>
    %slice3A_33 = vector.extract_strided_slice %get3A_32 {offsets = [0, 0], sizes = [1000, 8], strides = [1, 1]} : vector<1000x16xf32> to vector<1000x8xf32>
    %add3A_34 = arith.addf %slice3A_27, %slice3A_33 : vector<1000x8xf32>
    %add3A_35 = arith.addf %add3A_34, %slice3A : vector<1000x8xf32>
    %dot_general3A_36 = arith.constant dense<0.000000e+00> : vector<1000x256xf32>
    %dot_general3A_37 = tpu.matmul %add3A_35, %get3A_20, %dot_general3A_36 {dimension_numbers = #tpu.dot_dimension_numbers<[1], [0], [0], [1], [0, 0, 1, 1], [], []>, transpose_lhs_hint = false} : vector<1000x8xf32>, vector<8x256xf32>, vector<1000x256xf32> -> vector<1000x256xf32>
    %div3A = arith.divf %add3A, %dot_general3A_37 : vector<1000x256xf32>
    %get3A_38 = arith.constant 0 : index
    %get3A_39 = arith.constant 0 : index
    %get3A_40 = vector.load %arg7[%get3A_38, %get3A_39] : memref<1x256xf32, #tpu.memory_space<vmem>>, vector<1x256xf32>
    %add3A_41 = vector.broadcast %get3A_40 : vector<1x256xf32> to vector<1000x256xf32>
    %add3A_42 = arith.addf %div3A, %add3A_41 : vector<1000x256xf32>
    %add3A_43 = arith.addf %get3A_1, %add3A_42 : vector<1000x256xf32>
    %reduce_sum3A = arith.constant dense<0.000000e+00> : vector<1000xf32>
    %reduce_sum3A_44 = vector.multi_reduction <add>, %add3A_43, %reduce_sum3A [1] : vector<1000x256xf32> to vector<1000xf32>
    %broadcast_in_dim3A = vector.shape_cast %reduce_sum3A_44 : vector<1000xf32> to vector<1000x1xf32>
    %div3A_45 = arith.constant 2.560000e+02 : f32
    %div3A_46 = vector.broadcast %div3A_45 : f32 to vector<1000x1xf32>
    %div3A_47 = arith.divf %broadcast_in_dim3A, %div3A_46 : vector<1000x1xf32>
    %sub3A = vector.broadcast %div3A_47 : vector<1000x1xf32> to vector<1000x256xf32>
    %sub3A_48 = arith.subf %add3A_43, %sub3A : vector<1000x256xf32>
    %mul3A_49 = arith.mulf %sub3A_48, %sub3A_48 : vector<1000x256xf32>
    %reduce_sum3A_50 = arith.constant dense<0.000000e+00> : vector<1000xf32>
    %reduce_sum3A_51 = vector.multi_reduction <add>, %mul3A_49, %reduce_sum3A_50 [1] : vector<1000x256xf32> to vector<1000xf32>
    %broadcast_in_dim3A_52 = vector.shape_cast %reduce_sum3A_51 : vector<1000xf32> to vector<1000x1xf32>
    %div3A_53 = arith.constant 2.560000e+02 : f32
    %div3A_54 = vector.broadcast %div3A_53 : f32 to vector<1000x1xf32>
    %div3A_55 = arith.divf %broadcast_in_dim3A_52, %div3A_54 : vector<1000x1xf32>
    %add3A_56 = arith.constant 9.99999974E-6 : f32
    %add3A_57 = vector.broadcast %add3A_56 : f32 to vector<1000x1xf32>
    %add3A_58 = arith.addf %div3A_55, %add3A_57 : vector<1000x1xf32>
    %sqrt3A = math.sqrt %add3A_58 : vector<1000x1xf32>
    %div3A_59 = vector.broadcast %sqrt3A : vector<1000x1xf32> to vector<1000x256xf32>
    %div3A_60 = arith.divf %sub3A_48, %div3A_59 : vector<1000x256xf32>
    %get3A_61 = arith.constant 0 : index
    %get3A_62 = arith.constant 0 : index
    %get3A_63 = vector.load %arg8[%get3A_61, %get3A_62] : memref<1x256xf32, #tpu.memory_space<vmem>>, vector<1x256xf32>
    %mul3A_64 = vector.broadcast %get3A_63 : vector<1x256xf32> to vector<1000x256xf32>
    %mul3A_65 = arith.mulf %div3A_60, %mul3A_64 : vector<1000x256xf32>
    %get3A_66 = arith.constant 0 : index
    %get3A_67 = arith.constant 0 : index
    %get3A_68 = vector.load %arg9[%get3A_66, %get3A_67] : memref<1x256xf32, #tpu.memory_space<vmem>>, vector<1x256xf32>
    %add3A_69 = vector.broadcast %get3A_68 : vector<1x256xf32> to vector<1000x256xf32>
    %add3A_70 = arith.addf %mul3A_65, %add3A_69 : vector<1000x256xf32>
    %get3A_71 = arith.constant 0 : index
    %get3A_72 = arith.constant 0 : index
    %get3A_73 = vector.load %arg10[%get3A_71, %get3A_72] : memref<256x512xf32, #tpu.memory_space<vmem>>, vector<256x512xf32>
    %dot_general3A_74 = arith.constant dense<0.000000e+00> : vector<1000x512xf32>
    %dot_general3A_75 = tpu.matmul %add3A_70, %get3A_73, %dot_general3A_74 {dimension_numbers = #tpu.dot_dimension_numbers<[1], [0], [0], [1], [0, 0, 1, 1], [], []>, transpose_lhs_hint = false} : vector<1000x256xf32>, vector<256x512xf32>, vector<1000x512xf32> -> vector<1000x512xf32>
    %get3A_76 = arith.constant 0 : index
    %get3A_77 = arith.constant 0 : index
    %get3A_78 = vector.load %arg11[%get3A_76, %get3A_77] : memref<1x512xf32, #tpu.memory_space<vmem>>, vector<1x512xf32>
    %add3A_79 = vector.broadcast %get3A_78 : vector<1x512xf32> to vector<1000x512xf32>
    %add3A_80 = arith.addf %dot_general3A_75, %add3A_79 : vector<1000x512xf32>
    %mul3A_81 = arith.constant 5.000000e-01 : f32
    %mul3A_82 = vector.broadcast %mul3A_81 : f32 to vector<1000x512xf32>
    %mul3A_83 = arith.mulf %mul3A_82, %add3A_80 : vector<1000x512xf32>
    %mul3A_84 = arith.constant 0.707106769 : f32
    %mul3A_85 = vector.broadcast %mul3A_84 : f32 to vector<1000x512xf32>
    %mul3A_86 = arith.mulf %add3A_80, %mul3A_85 : vector<1000x512xf32>
    %erf3A = math.erf %mul3A_86 : vector<1000x512xf32>
    %add3A_87 = arith.constant 1.000000e+00 : f32
    %add3A_88 = vector.broadcast %add3A_87 : f32 to vector<1000x512xf32>
    %add3A_89 = arith.addf %add3A_88, %erf3A : vector<1000x512xf32>
    %mul3A_90 = arith.mulf %mul3A_83, %add3A_89 : vector<1000x512xf32>
    %get3A_91 = arith.constant 0 : index
    %get3A_92 = arith.constant 0 : index
    %get3A_93 = vector.load %arg12[%get3A_91, %get3A_92] : memref<512x256xf32, #tpu.memory_space<vmem>>, vector<512x256xf32>
    %dot_general3A_94 = arith.constant dense<0.000000e+00> : vector<1000x256xf32>
    %dot_general3A_95 = tpu.matmul %mul3A_90, %get3A_93, %dot_general3A_94 {dimension_numbers = #tpu.dot_dimension_numbers<[1], [0], [0], [1], [0, 0, 1, 1], [], []>, transpose_lhs_hint = false} : vector<1000x512xf32>, vector<512x256xf32>, vector<1000x256xf32> -> vector<1000x256xf32>
    %get3A_96 = arith.constant 0 : index
    %get3A_97 = arith.constant 0 : index
    %get3A_98 = vector.load %arg13[%get3A_96, %get3A_97] : memref<1x256xf32, #tpu.memory_space<vmem>>, vector<1x256xf32>
    %add3A_99 = vector.broadcast %get3A_98 : vector<1x256xf32> to vector<1000x256xf32>
    %add3A_100 = arith.addf %dot_general3A_95, %add3A_99 : vector<1000x256xf32>
    %add3A_101 = arith.addf %add3A_43, %add3A_100 : vector<1000x256xf32>
    %swap3A = arith.constant 0 : index
    %swap3A_102 = arith.constant 0 : index
    %swap3A_103 = vector.load %arg14[%swap3A, %swap3A_102] : memref<1000x256xf32, #tpu.memory_space<vmem>>, vector<1000x256xf32>
    tpu.vector_store %arg14[%swap3A, %swap3A_102], %add3A_101 {strides = array<i32>} : memref<1000x256xf32, #tpu.memory_space<vmem>>, vector<1000x256xf32>,
    return
  }
  func.func @transform_0(%arg0: i32) -> (i32, i32) {
    %c0_i32 = arith.constant 0 : i32
    %c0_i32_0 = arith.constant 0 : i32
    return %arg0, %c0_i32 : i32, i32
  }
  func.func @transform_1(%arg0: i32) -> (i32, i32) {
    %c0_i32 = arith.constant 0 : i32
    %c0_i32_0 = arith.constant 0 : i32
    return %arg0, %c0_i32 : i32, i32
  }
  func.func @transform_2(%arg0: i32) -> (i32, i32) {
    %c0_i32 = arith.constant 0 : i32
    %c0_i32_0 = arith.constant 0 : i32
    return %arg0, %c0_i32 : i32, i32
  }
  func.func @transform_3(%arg0: i32) -> (i32, i32, i32) {
    %c0_i32 = arith.constant 0 : i32
    %c0_i32_0 = arith.constant 0 : i32
    %c0_i32_1 = arith.constant 0 : i32
    return %c0_i32, %arg0, %c0_i32_0 : i32, i32, i32
  }
  func.func @transform_4(%arg0: i32) -> (i32, i32, i32) {
    %c0_i32 = arith.constant 0 : i32
    %c0_i32_0 = arith.constant 0 : i32
    %c0_i32_1 = arith.constant 0 : i32
    return %c0_i32, %arg0, %c0_i32_0 : i32, i32, i32
  }
  func.func @transform_5(%arg0: i32) -> (i32, i32) {
    %c0_i32 = arith.constant 0 : i32
    %c0_i32_0 = arith.constant 0 : i32
    %c0_i32_1 = arith.constant 0 : i32
    return %c0_i32, %c0_i32_0 : i32, i32
  }
  func.func @transform_6(%arg0: i32) -> (i32, i32) {
    %c0_i32 = arith.constant 0 : i32
    %c0_i32_0 = arith.constant 0 : i32
    %c0_i32_1 = arith.constant 0 : i32
    return %c0_i32, %c0_i32_0 : i32, i32
  }
  func.func @transform_7(%arg0: i32) -> (i32, i32) {
    %c0_i32 = arith.constant 0 : i32
    %c0_i32_0 = arith.constant 0 : i32
    %c0_i32_1 = arith.constant 0 : i32
    return %c0_i32, %c0_i32_0 : i32, i32
  }
  func.func @transform_8(%arg0: i32) -> (i32, i32) {
    %c0_i32 = arith.constant 0 : i32
    %c0_i32_0 = arith.constant 0 : i32
    %c0_i32_1 = arith.constant 0 : i32
    return %c0_i32, %c0_i32_0 : i32, i32
  }
  func.func @transform_9(%arg0: i32) -> (i32, i32) {
    %c0_i32 = arith.constant 0 : i32
    %c0_i32_0 = arith.constant 0 : i32
    %c0_i32_1 = arith.constant 0 : i32
    return %c0_i32, %c0_i32_0 : i32, i32
  }
  func.func @transform_10(%arg0: i32) -> (i32, i32) {
    %c0_i32 = arith.constant 0 : i32
    %c0_i32_0 = arith.constant 0 : i32
    %c0_i32_1 = arith.constant 0 : i32
    return %c0_i32, %c0_i32_0 : i32, i32
  }
  func.func @transform_11(%arg0: i32) -> (i32, i32) {
    %c0_i32 = arith.constant 0 : i32
    %c0_i32_0 = arith.constant 0 : i32
    %c0_i32_1 = arith.constant 0 : i32
    return %c0_i32, %c0_i32_0 : i32, i32
  }
  func.func @transform_12(%arg0: i32) -> (i32, i32) {
    %c0_i32 = arith.constant 0 : i32
    %c0_i32_0 = arith.constant 0 : i32
    %c0_i32_1 = arith.constant 0 : i32
    return %c0_i32, %c0_i32_0 : i32, i32
  }
  func.func @transform_13(%arg0: i32) -> (i32, i32) {
    %c0_i32 = arith.constant 0 : i32
    %c0_i32_0 = arith.constant 0 : i32
    return %arg0, %c0_i32 : i32, i32
  }
}

</mosaic_0001>

<sc_bundles>
// kernel: kernel.12.cloned.1.call-start
scs
__scs_entry_jumppad:
0x0: {  	(pc) =	sbr.rel $0x88, $3  }
0x1: {  	(tag) =	ssettag $0x0;
	lr =	simm.s32 $0x1  }
0x2: {  	[smem:$0x3F8F] =	sst lr;
	_ =	strace $0xD0000000  }
0x3: {  	_ = 	snop  }
0x4: {  	_ = 	snop  }
0x5: {  	_ = 	snop  }
0x6: {  	_ = 	snop  }
0x7: {  	_ = 	snop  }
__scs_overlays_trampoline_lowered:
0x8: {  	[smem:$0x3F9E] =	sst s0  }
0x9: {  	[smem:$0x3F9F] =	sst s1  }
0xa: {  	[smem:$0x3FA0] =	sst s2  }
0xb: {  	[smem:$0x3FA1] =	sst s3  }
0xc: {  	[smem:$0x3FA2] =	sst s4  }
0xd: {  	[smem:$0x3FA3] =	sst s5  }
0xe: {  	[smem:$0x3FA4] =	sst s6  }
0xf: {  	[smem:$0x3FA5] =	sst s7  }
0x10: {  	[smem:$0x3FA6] =	sst s8  }
0x11: {  	[smem:$0x3FA7] =	sst s9;
	s0 =	simm.s32 @!p0 $0x0  }
0x12: {  	s1 =	sld [smem:$0x3F8D];
	s0 =	simm.s32 @p0 $0x1  }
0x13: {  	[smem:$0x3FA8] =	sst s0;
	s0 =	simm.s32 @!p1 $0x0  }
0x14: {  	s2 =	sld [smem:$0x3F8C];
	s0 =	simm.s32 @p1 $0x1  }
0x15: {  	[smem:$0x3FA9] =	sst s0;
	s0 =	simm.s32 @!p2 $0x0  }
0x16: {  	s3 =	sld [smem:$0x3FDB];
	s0 =	simm.s32 @p2 $0x1  }
0x17: {  	s4 =	simm.s32 $0x1BF5;
	[smem:$0x3FAB] =	sst s0  }
0x18: {  	s0 =	sld [smem:$0x3F8E];
	_ =	swait.ge [sflag:s4], $0x0  }
0x19: {  	s7 =	sld [smem:$0x3F8F]  }
0x1a: {  	s8 =	sadd.s32 $0xFFFFE003, lr  }
0x1b: {  	s9 =	sadd.s32 $0xFFFFFEF7, lr;
	s5 =	simm.s32 $0xFFFFFFFF;
	p2 =	slt.u32 s8, $0xFFFFF086  }
0x1c: {  	p1 =	slt.u32 s9, $0xF7A;
	s5 =	simm.s32 @!p2 $0x0  }
0x1d: {  	s5 =	simm.s32 @p1 $0x1;
	p0 =	seq.s32 s7, s2  }
0x1e: {  	s7 =	smul.u32 @!p0 $0xF7A, s2;
	p2 =	seq.s32 @!p0 s5, $0x0  }
0x1f: {  	s9 =	smul.u32 $0xF7A, s1;
	s8 =	simm.s32 @!p0 $0x1BF5;
	p2 =	por !p2, p0  }
0x20: {  	[sflag:s8] =	ssyncset.s32 @!p0 $0xFFFFF086;
	s6 =	sadd.s32 @!p0 s3, s7;
	s7 =	simm.s32 @!p0 $0x108  }
0x21: {  	s3 =	sadd.s32 s3, s9;
	s6 =	sadd.s32 @!p0 $0x88, s6;
	s7 =	simm.s32 @p2 $0x1082  }
0x22: {  	[simem:s7], [sflag:s8] =	dma.local @!p0 [hbm:s6], $0xF7A  }
0x23: {  	s9 =	sor.u32 $0xD0000000, s2;
	s6 =	simm.s32 $0x108;
	_ =	swait.ge @!p0 [sflag:s8], $0x0  }
0x24: {  	s3 =	sadd.s32 $0x88, s3;
	s6 =	simm.s32 @!p1 $0x1082;
	[sflag:s4] =	ssyncset.s32 $0xFFFFF086  }
0x25: {  	[simem:s6], [sflag:s4] =	dma.local [hbm:s3], $0xF7A  }
0x26: {  	[smem:$0x3F8F] =	sst s1;
	(tag) =	ssettag s2;
	_ =	strace s9  }
0x27: {  	s1 =	sld [smem:$0x3F9F]  }
0x28: {  	s2 =	sld [smem:$0x3FA0]  }
0x29: {  	s4 =	sld [smem:$0x3FA2]  }
0x2a: {  	p0 =	seq.s32 s5, $0x0;
	s5 =	sld [smem:$0x3FA3]  }
0x2b: {  	s6 =	sld [smem:$0x3FA4]  }
0x2c: {  	s7 =	sld [smem:$0x3FA5]  }
0x2d: {  	s3 =	simm.s32 $0x108;
	s8 =	sld [smem:$0x3FA6]  }
0x2e: {  	s3 =	simm.s32 @!p0 $0x1082;
	s9 =	sld [smem:$0x3FA7]  }
0x2f: {  	lr =	sadd.s32 s0, s3;
	s0 =	sld [smem:$0x3F9E]  }
0x30: {  	s3 =	sld [smem:$0x3FA1]  }
0x31: {  	[smem:$0x3FAA] =	sst s10  }
0x32: {  	s10 =	sld [smem:$0x3FA8];
	_ =	sdelay $0x3  }
0x33: {  	p0 =	seq.s32 s10, $0x1;
	s10 =	sld [smem:$0x3FAA];
	_ =	sdelay $0x3  }
0x34: {  	[smem:$0x3FAA] =	sst s10  }
0x35: {  	s10 =	sld [smem:$0x3FA9];
	_ =	sdelay $0x3  }
0x36: {  	p1 =	seq.s32 s10, $0x1;
	s10 =	sld [smem:$0x3FAA];
	_ =	sdelay $0x3  }
0x37: {  	[smem:$0x3FAA] =	sst s10  }
0x38: {  	s10 =	sld [smem:$0x3FAB]  }
0x39: {  	_ = 	snop;
	(pc) =	sbr.ind lr, $3  }
0x3a: {  	_ = 	snop  }
0x3b: {  	_ = 	snop  }
0x3c: {  	p2 =	seq.s32 s10, $0x1;
	s10 =	sld [smem:$0x3FAA]  }
0x3d: {  	_ =	shalt  }
0x3e: {  	_ =	shalt  }
0x3f: {  	_ =	shalt  }
0x40: {  	_ =	shalt  }
0x41: {  	_ =	shalt  }
0x42: {  	_ =	shalt  }
0x43: {  	_ =	shalt  }
0x44: {  	_ =	shalt  }
0x45: {  	_ =	shalt  }
0x46: {  	_ =	shalt  }
0x47: {  	_ =	shalt  }
0x48: {  	_ =	shalt  }
0x49: {  	_ =	shalt  }
0x4a: {  	_ =	shalt  }
0x4b: {  	_ =	shalt  }
0x4c: {  	_ =	shalt  }
0x4d: {  	_ =	shalt  }
0x4e: {  	_ =	shalt  }
0x4f: {  	_ =	shalt  }
0x50: {  	_ =	shalt  }
0x51: {  	_ =	shalt  }
0x52: {  	_ =	shalt  }
0x53: {  	_ =	shalt  }
0x54: {  	_ =	shalt  }
0x55: {  	_ =	shalt  }
0x56: {  	_ =	shalt  }
0x57: {  	_ =	shalt  }
0x58: {  	_ =	shalt  }
0x59: {  	_ =	shalt  }
0x5a: {  	_ =	shalt  }
0x5b: {  	_ =	shalt  }
0x5c: {  	_ =	shalt  }
0x5d: {  	_ =	shalt  }
0x5e: {  	_ =	shalt  }
0x5f: {  	_ =	shalt  }
0x60: {  	_ =	shalt  }
0x61: {  	_ =	shalt  }
0x62: {  	_ =	shalt  }
0x63: {  	_ =	shalt  }
0x64: {  	_ =	shalt  }
0x65: {  	_ =	shalt  }
0x66: {  	_ =	shalt  }
0x67: {  	_ =	shalt  }
0x68: {  	_ =	shalt  }
0x69: {  	_ =	shalt  }
0x6a: {  	_ =	shalt  }
0x6b: {  	_ =	shalt  }
0x6c: {  	_ =	shalt  }
0x6d: {  	_ =	shalt  }
0x6e: {  	_ =	shalt  }
0x6f: {  	_ =	shalt  }
0x70: {  	_ =	shalt  }
0x71: {  	_ =	shalt  }
0x72: {  	_ =	shalt  }
0x73: {  	_ =	shalt  }
0x74: {  	_ =	shalt  }
0x75: {  	_ =	shalt  }
0x76: {  	_ =	shalt  }
0x77: {  	_ =	shalt  }
0x78: {  	_ =	shalt  }
0x79: {  	_ =	shalt  }
0x7a: {  	_ =	shalt  }
0x7b: {  	_ =	shalt  }
0x7c: {  	_ =	shalt  }
0x7d: {  	_ =	shalt  }
0x7e: {  	_ =	shalt  }
0x7f: {  	_ =	shalt  }
0x80: {  	_ =	shalt  }
0x81: {  	_ =	shalt  }
0x82: {  	_ =	shalt  }
0x83: {  	_ =	shalt  }
0x84: {  	_ =	shalt  }
0x85: {  	_ =	shalt  }
0x86: {  	_ =	shalt  }
0x87: {  	_ =	shalt  }
.Lfunc_end0:
.L_simem_size_0:
called_computation.1_lowered:
.L_overlay_start_0:
0x88: {  	s2 =	sld [smem:$0x3FD9]  }
0x89: {  	s3 =	sld [smem:$0x3FFE];
	_ =	sdelay $0x1  }
0x8a: {  	s1 =	srdreg.scid  }
0x8b: {  	s0 =	sand.u32 $0x1, s1  }
0x8c: {  	s16 =	sshll.u32 s0, $0xA;
	s2 =	sadd.s32 s3, s2  }
0x8d: {  	s2 =	sadd.s32 s2, s16  }
0x8e: {  	[smem:$0x3FB6] =	sst s2  }
0x8f: {  	_ = 	snop  }
0x90: {  	(tm) =	ssettm $0x1  }
0x91: {  	s17 =	sld [smem:$0x3FFB];
	_ =	sdelay $0x3  }
0x92: {  	_ =	strace s17  }
0x93: {  	s2 =	sld [smem:$0x3FFC];
	_ =	sdelay $0x3  }
0x94: {  	_ =	strace s2  }
0x95: {  	s2 =	sld [smem:$0x3FFD];
	_ =	sdelay $0x3  }
0x96: {  	_ =	strace s2  }
0x97: {  	_ =	strace $0x8FFFFFFF  }
0x98: {  	s18 =	sld [smem:$0x3FDB];
	_ =	sdelay $0x1  }
0x99: {  	s19 =	simm.s32 $_scs_section_size  }
0x9a: {  	s4 =	simm.s32 $_size__tile_overlayer_lowered;
	s5 =	simm.s32 $_tile_overlayer_lowered  }
0x9b: {  	s22 =	simm.s32 $0x1BFF;
	s21 =	sshll.u32 s5, $0x1;
	s2 =	sadd.s32 s19, s18  }
0x9c: {  	s6 =	simm.s32 $0x0;
	s20 =	sshll.u32 s4, $0x1;
	s4 =	sadd.s32 s21, s2  }
0x9d: {  	[timem:s6], [sflag:s22] =	dma.local [hbm:s4], s20  }
0x9e: {  	_ =	swait.ge [sflag:s22], s20  }
0x9f: {  	s3 =	ssub.s32 $0x0, s20;
	[sflag:s22] =	ssyncset.done $0x0  }
0xa0: {  	[sflag:s22] =	ssyncadd.s32 s3;
	_ =	sdelay $0x1  }
0xa1: {  	s23 =	simm.s32 $0x1B8B  }
0xa2: {  	_ =	swait.ge [sflag:s23], $0x1  }
0xa3: {  	[sflag:s23] =	ssyncset.done $0x0  }
0xa4: {  	s25 =	simm.s32 $0x1B8E;
	s24 =	sld [smem:$0x3FFE];
	[sflag:s23] =	ssyncadd.s32 $0xFFFFFFFF  }
0xa5: {  	s26 =	simm.s32 $execute0_lowered;
	[smem:$0x3FD2] =	sst s25  }
0xa6: {  	s4 =	sshll.u32 s26, $0x1;
	_ =	strace $0x80000049;
	[dreg:$0x1] =	wrdreg $0xFFFFFFFF  }
0xa7: {  	s28 =	simm.s32 $_size_execute0_lowered;
	s2 =	sadd.s32 s2, s4;
	[dreg:$0x0] =	wrdreg $0x0  }
0xa8: {  	s4 =	sshll.u32 s28, $0x1;
	[dreg:$0x2] =	wrdreg s2  }
0xa9: {  	[dreg:$0x3] =	wrdreg s4  }
0xaa: {  	[dreg:$0x4] =	wrdreg $0xC0  }
0xab: {  	_ =	task [dreg:s6], $0x5FFFF  }
0xac: {  	[dreg:$0x1] =	wrdreg $0xFFFFFFFF  }
0xad: {  	[dreg:$0x0] =	wrdreg $0x60  }
0xae: {  	[dreg:$0x2] =	wrdreg s24  }
0xaf: {  	[dreg:$0x3] =	wrdreg $0x9  }
0xb0: {  	_ =	task.clear_ibuf [dreg:s6], $0x4FFFF;
	_ =	strace $0x90000049  }
0xb1: {  	s29 =	simm.s32 $0x9;
	_ =	strace $0x8000004B  }
0xb2: {  	_ =	swait.ge [sflag:s29], $0x1  }
0xb3: {  	[sflag:s29] =	ssyncadd.s32 $0xFFFFFFFF  }
0xb4: {  	_ =	strace $0x9000004B  }
0xb5: {  	_ =	sfence  }
0xb6: {  	s30 =	sld [smem:$0x0];
	_ =	sdelay $0x2  }
0xb7: {  	s31 =	sshll.u32 s1, $0xD;
	s1 =	sshrl.u32 s1, $0x2  }
0xb8: {  	s3 =	sand.u32 $0x4000, s31;
	s1 =	sadd.s32 s1, s30  }
0xb9: {  	s0 =	sor.u32 s3, s0;
	s1 =	sshll.u32 s1, $0x11  }
0xba: {  	s0 =	sor.u32 s1, s0  }
0xbb: {  	s0 =	sadd.s32 $0x8F2B, s0  }
0xbc: {  	[sflag:s0] =	ssyncadd.remote.s32 $0x1  }
0xbd: {  	_ =	sfence.sel $0xFFFF  }
0xbe: {  	[dreg:$0x0] =	wrdreg $0xFFFFFFFF;
	(pc) =	sbr.abs _section_cstart, $3  }
0xbf: {  	[dreg:$0x1] =	wrdreg $0xFFFFFFFF  }
0xc0: {  	_ =	task.clear_ibuf [dreg:s6], $0x2FFFF;
	_ =	strace $0x9FFFFFFF  }
0xc1: {  	(tm) =	ssettm $0x7FFFFFFF  }
tec
execute0_lowered:
.L_overlay_start_1:
0x0: {  	(tag) =	ssettag $0x1  }
0x1: {  	s0 =	rddreg [dreg:$0x0];
	s2 =	simm.s32 $0x0;
	s1 =	stileid.u32  }
0x2: {  	s4 =	srdreg.scid;
	s15 =	simm.s32 $0x80;
	s16 =	simm.s32 $0x2800  }
0x3: {  	s17 =	simm.s32 $0x6800;
	s18 =	simm.s32 $0x1;
	s19 =	simm.s32 $0x100  }
0x4: {  	s20 =	simm.s32 $0xA800;
	s21 =	simm.s32 $0x180;
	s22 =	simm.s32 $0xE800  }
0x5: {  	s23 =	simm.s32 $0x2;
	s24 =	simm.s32 $0x3;
	s25 =	simm.s32 $0x200  }
0x6: {  	s26 =	simm.s32 $0x280;
	s28 =	simm.s32 $0x4;
	s29 =	simm.s32 $0x0  }
0x7: {  	[smem:$0x7FF] =	sst s2;
	s3 =	smul.u32 $0x500, s1;
	s5 =	sand.u32 $0x1, s4  }
0x8: {  	s4 =	sadd.s32 $0x39E00, s0;
	s9 =	smul.u32 $0x140000, s1;
	s11 =	sadd.s32 $0x503C00, s0  }
0x9: {  	s13 =	smul.u32 $0x28000, s1;
	_ =	strace $0x8000004A;
	s7 =	ssub.s32 $0x2, s5  }
0xa: {  	p0 =	seq.s32 s5, $0x1;
	s6 =	sadd.s32 s3, s0;
	s3 =	sadd.s32 $0x12C00, s0  }
0xb: {  	s8 =	sshrl.u32 s7, $0x1;
	s0 =	sadd.s32 $0x783C00, s0;
	s10 =	sshrl.u32 s9, $0x3  }
.Ltmp0:
0xc: {  	s14 =	sadd.s32 s13, s11;
	s7 =	ssub.s32 s7, s8;
	(pc) =	sbr.rel .LBB2_1-.Ltmp0, $4  }
0xd: {  	s5 =	sadd.s32 $0x62C00, s6;
	s6 =	sadd.s32 $0x8C00, s6;
	s12 =	sor.u32 $0x1000, s10  }
0xe: {  	s8 =	sadd.s32 s11, s10;
	s10 =	sadd.s32 s0, s10;
	s13 =	sadd.s32 s13, s0  }
0xf: {  	s7 =	smax.u32 s7, $0x1;
	s9 =	sadd.s32 s11, s12;
	s11 =	sadd.s32 s0, s12  }
0x10: {  	s12 =	sadd.s32 $0x2000, s14;
	s13 =	sadd.s32 $0x2000, s13;
	s14 =	simm.s32 $0x5  }
.LBB2_8:
0x11: {  	s29 =	sadd.s32 $0x1, s29  }
0x12: {  	p1 =	sne.s32 s29, s7  }
.Ltmp1:
0x13: {  	_ = 	snop;
	(pc) =	sbr.rel @!p1 .LBB2_9-.Ltmp1, $4  }
0x14: {  	_ = 	snop  }
0x15: {  	_ =	swait.ge [sflag:s28], $0x8000  }
0x16: {  	[sflag:s28] =	ssyncset.done $0x0  }
0x17: {  	[sflag:s28] =	ssyncadd.s32 $0xFFFF8000  }
.LBB2_1:
.Ltmp2:
0x18: {  	(pc) =	sbr.rel @!p0 .LBB2_2-.Ltmp2, $2  }
0x19: {  	_ =	sdelay $0x2  }
0x1a: {  	s30 =	simm.s32 $0x0  }
0x1b: {  	[tilespmem:s30], [sflag:$0x5] =	stream.linear.gather [hbm4b:s6+s30], $0x2800, $0x38;
	[tilespmem:$0x12800] =	vst v63  }
0x1c: {  	_ =	swait.ge [sflag:s14], $0x2800  }
0x1d: {  	[sflag:s14] =	ssyncset.done $0x0  }
0x1e: {  	[sflag:s14] =	ssyncadd.s32 $0xFFFFD800  }
0x1f: {  	[tilespmem:s16], [sflag:$0x1] =	stream.indirect.gather [hbm4b:s4+s15], $0x80, s30, s15, $0xb8;
	[tilespmem:$0x12800] =	vst v63  }
0x20: {  	_ = 	snop  }
0x21: {  	[tilespmem:s17], [sflag:$0x1] =	stream.indirect.gather [hbm4b:s4+s15], $0x80, s15, s15, $0xb8;
	[tilespmem:$0x12800] =	vst v63  }
0x22: {  	_ =	swait.ge [sflag:s18], $0x8000  }
0x23: {  	[sflag:s18] =	ssyncset.done $0x0  }
0x24: {  	[sflag:s18] =	ssyncadd.s32 $0xFFFF8000  }
0x25: {  	[hbm4b:s10+s30] =	stream.linear.scatter [tilespmem:s16], [sflag:$0x3], $0x8000, $0x38;
	[tilespmem:$0x12800] =	vst v63  }
0x26: {  	_ = 	snop  }
0x27: {  	[tilespmem:s20], [sflag:$0x2] =	stream.indirect.gather [hbm4b:s4+s15], $0x80, s19, s15, $0xb8;
	[tilespmem:$0x12800] =	vst v63  }
0x28: {  	_ = 	snop  }
0x29: {  	[tilespmem:s22], [sflag:$0x2] =	stream.indirect.gather [hbm4b:s4+s15], $0x80, s21, s15, $0xb8;
	[tilespmem:$0x12800] =	vst v63  }
0x2a: {  	_ =	swait.ge [sflag:s23], $0x8000  }
0x2b: {  	[sflag:s23] =	ssyncset.done $0x0  }
0x2c: {  	[sflag:s23] =	ssyncadd.s32 $0xFFFF8000  }
0x2d: {  	[hbm4b:s11+s30] =	stream.linear.scatter [tilespmem:s20], [sflag:$0x4], $0x8000, $0x38;
	[tilespmem:$0x12800] =	vst v63  }
0x2e: {  	_ =	swait.ge [sflag:s24], $0x8000  }
0x2f: {  	[sflag:s24] =	ssyncset.done $0x0  }
0x30: {  	[sflag:s24] =	ssyncadd.s32 $0xFFFF8000  }
0x31: {  	[tilespmem:s16], [sflag:$0x1] =	stream.indirect.gather [hbm4b:s4+s15], $0x80, s25, s15, $0xb8;
	[tilespmem:$0x12800] =	vst v63  }
0x32: {  	s31 =	smov.u32 s13  }
0x33: {  	[tilespmem:s17], [sflag:$0x1] =	stream.indirect.gather [hbm4b:s4+s15], $0x80, s26, s15, $0xb8;
	[tilespmem:$0x12800] =	vst v63  }
.LBB2_6:
0x34: {  	_ =	swait.ge [sflag:s18], $0x8000  }
0x35: {  	[sflag:s18] =	ssyncset.done $0x0  }
0x36: {  	[sflag:s18] =	ssyncadd.s32 $0xFFFF8000  }
0x37: {  	[hbm4b:s31+s2] =	stream.linear.scatter [tilespmem:s16], [sflag:$0x3], $0x8000, $0x38;
	[tilespmem:$0x12800] =	vst v63  }
0x38: {  	_ =	swait.ge [sflag:s28], $0x8000  }
0x39: {  	s0 =	sshra.s32 s30, $0x2;
	[sflag:s28] =	ssyncset.done $0x0  }
0x3a: {  	s1 =	sadd.s32 $0x300, s0;
	[sflag:s28] =	ssyncadd.s32 $0xFFFF8000  }
0x3b: {  	[tilespmem:s20], [sflag:$0x2] =	stream.indirect.gather [hbm4b:s4+s15], $0x80, s1, s15, $0xb8;
	[tilespmem:$0x12800] =	vst v63  }
0x3c: {  	s1 =	sadd.s32 $0x380, s0  }
0x3d: {  	[tilespmem:s22], [sflag:$0x2] =	stream.indirect.gather [hbm4b:s4+s15], $0x80, s1, s15, $0xb8;
	[tilespmem:$0x12800] =	vst v63  }
0x3e: {  	_ =	swait.ge [sflag:s23], $0x8000  }
0x3f: {  	p1 =	seq.s32 s30, $0x9000;
	[sflag:s23] =	ssyncset.done $0x0  }
.Ltmp3:
0x40: {  	s1 =	sadd.s32 $0x1000, s31;
	[sflag:s23] =	ssyncadd.s32 $0xFFFF8000;
	(pc) =	sbr.rel @p1 .LBB2_8-.Ltmp3, $4  }
0x41: {  	[hbm4b:s1+s2] =	stream.linear.scatter [tilespmem:s20], [sflag:$0x4], $0x8000, $0x38;
	[tilespmem:$0x12800] =	vst v63  }
0x42: {  	_ =	swait.ge [sflag:s24], $0x8000  }
0x43: {  	[sflag:s24] =	ssyncset.done $0x0  }
0x44: {  	[sflag:s24] =	ssyncadd.s32 $0xFFFF8000  }
.Ltmp4:
0x45: {  	(pc) =	sbr.rel .LBB2_6-.Ltmp4, $4  }
0x46: {  	s1 =	sadd.s32 $0x400, s0  }
0x47: {  	[tilespmem:s16], [sflag:$0x1] =	stream.indirect.gather [hbm4b:s4+s15], $0x80, s1, s15, $0xb8;
	[tilespmem:$0x12800] =	vst v63  }
0x48: {  	s30 =	sadd.s32 $0x800, s30;
	s31 =	sadd.s32 $0x2000, s31;
	s1 =	sadd.s32 $0x480, s0  }
0x49: {  	[tilespmem:s17], [sflag:$0x1] =	stream.indirect.gather [hbm4b:s4+s15], $0x80, s1, s15, $0xb8;
	[tilespmem:$0x12800] =	vst v63  }
.LBB2_2:
0x4a: {  	[tilespmem:s30], [sflag:$0x5] =	stream.linear.gather [hbm4b:s5+s30], $0x2800, $0x38;
	[tilespmem:$0x12800] =	vst v63  }
0x4b: {  	_ =	swait.ge [sflag:s14], $0x2800  }
0x4c: {  	[sflag:s14] =	ssyncset.done $0x0  }
0x4d: {  	[sflag:s14] =	ssyncadd.s32 $0xFFFFD800  }
0x4e: {  	[tilespmem:s16], [sflag:$0x1] =	stream.indirect.gather [hbm4b:s3+s15], $0x80, s30, s15, $0xb8;
	[tilespmem:$0x12800] =	vst v63  }
0x4f: {  	_ = 	snop  }
0x50: {  	[tilespmem:s17], [sflag:$0x1] =	stream.indirect.gather [hbm4b:s3+s15], $0x80, s15, s15, $0xb8;
	[tilespmem:$0x12800] =	vst v63  }
0x51: {  	_ =	swait.ge [sflag:s18], $0x8000  }
0x52: {  	[sflag:s18] =	ssyncset.done $0x0  }
0x53: {  	[sflag:s18] =	ssyncadd.s32 $0xFFFF8000  }
0x54: {  	[hbm4b:s8+s30] =	stream.linear.scatter [tilespmem:s16], [sflag:$0x3], $0x8000, $0x38;
	[tilespmem:$0x12800] =	vst v63  }
0x55: {  	_ = 	snop  }
0x56: {  	[tilespmem:s20], [sflag:$0x2] =	stream.indirect.gather [hbm4b:s3+s15], $0x80, s19, s15, $0xb8;
	[tilespmem:$0x12800] =	vst v63  }
0x57: {  	_ = 	snop  }
0x58: {  	[tilespmem:s22], [sflag:$0x2] =	stream.indirect.gather [hbm4b:s3+s15], $0x80, s21, s15, $0xb8;
	[tilespmem:$0x12800] =	vst v63  }
0x59: {  	_ =	swait.ge [sflag:s23], $0x8000  }
0x5a: {  	[sflag:s23] =	ssyncset.done $0x0  }
0x5b: {  	[sflag:s23] =	ssyncadd.s32 $0xFFFF8000  }
0x5c: {  	[hbm4b:s9+s30] =	stream.linear.scatter [tilespmem:s20], [sflag:$0x4], $0x8000, $0x38;
	[tilespmem:$0x12800] =	vst v63  }
0x5d: {  	_ =	swait.ge [sflag:s24], $0x8000  }
0x5e: {  	[sflag:s24] =	ssyncset.done $0x0  }
0x5f: {  	[sflag:s24] =	ssyncadd.s32 $0xFFFF8000  }
0x60: {  	[tilespmem:s16], [sflag:$0x1] =	stream.indirect.gather [hbm4b:s3+s15], $0x80, s25, s15, $0xb8;
	[tilespmem:$0x12800] =	vst v63  }
0x61: {  	s31 =	smov.u32 s12  }
0x62: {  	[tilespmem:s17], [sflag:$0x1] =	stream.indirect.gather [hbm4b:s3+s15], $0x80, s26, s15, $0xb8;
	[tilespmem:$0x12800] =	vst v63  }
.LBB2_3:
0x63: {  	_ =	swait.ge [sflag:s18], $0x8000  }
0x64: {  	[sflag:s18] =	ssyncset.done $0x0  }
0x65: {  	[sflag:s18] =	ssyncadd.s32 $0xFFFF8000  }
0x66: {  	[hbm4b:s31+s2] =	stream.linear.scatter [tilespmem:s16], [sflag:$0x3], $0x8000, $0x38;
	[tilespmem:$0x12800] =	vst v63  }
0x67: {  	_ =	swait.ge [sflag:s28], $0x8000  }
0x68: {  	s0 =	sshra.s32 s30, $0x2;
	[sflag:s28] =	ssyncset.done $0x0  }
0x69: {  	s1 =	sadd.s32 $0x300, s0;
	[sflag:s28] =	ssyncadd.s32 $0xFFFF8000  }
0x6a: {  	[tilespmem:s20], [sflag:$0x2] =	stream.indirect.gather [hbm4b:s3+s15], $0x80, s1, s15, $0xb8;
	[tilespmem:$0x12800] =	vst v63  }
0x6b: {  	s1 =	sadd.s32 $0x380, s0  }
0x6c: {  	[tilespmem:s22], [sflag:$0x2] =	stream.indirect.gather [hbm4b:s3+s15], $0x80, s1, s15, $0xb8;
	[tilespmem:$0x12800] =	vst v63  }
0x6d: {  	_ =	swait.ge [sflag:s23], $0x8000  }
0x6e: {  	p1 =	seq.s32 s30, $0x9000;
	[sflag:s23] =	ssyncset.done $0x0  }
.Ltmp5:
0x6f: {  	s1 =	sadd.s32 $0x1000, s31;
	[sflag:s23] =	ssyncadd.s32 $0xFFFF8000;
	(pc) =	sbr.rel @p1 .LBB2_8-.Ltmp5, $4  }
0x70: {  	[hbm4b:s1+s2] =	stream.linear.scatter [tilespmem:s20], [sflag:$0x4], $0x8000, $0x38;
	[tilespmem:$0x12800] =	vst v63  }
0x71: {  	_ =	swait.ge [sflag:s24], $0x8000  }
0x72: {  	[sflag:s24] =	ssyncset.done $0x0  }
0x73: {  	[sflag:s24] =	ssyncadd.s32 $0xFFFF8000  }
.Ltmp6:
0x74: {  	(pc) =	sbr.rel .LBB2_3-.Ltmp6, $4  }
0x75: {  	s1 =	sadd.s32 $0x400, s0  }
0x76: {  	[tilespmem:s16], [sflag:$0x1] =	stream.indirect.gather [hbm4b:s3+s15], $0x80, s1, s15, $0xb8;
	[tilespmem:$0x12800] =	vst v63  }
0x77: {  	s30 =	sadd.s32 $0x800, s30;
	s31 =	sadd.s32 $0x2000, s31;
	s1 =	sadd.s32 $0x480, s0  }
0x78: {  	[tilespmem:s17], [sflag:$0x1] =	stream.indirect.gather [hbm4b:s3+s15], $0x80, s1, s15, $0xb8;
	[tilespmem:$0x12800] =	vst v63  }
.LBB2_9:
0x79: {  	_ =	sfence.sel $0x180000  }
0x7a: {  	[bflag:$0x0] =	sbarrier.arrive $0xFFFF  }
0x7b: {  	_ =	strace $0x9000004A  }
0x7c: {  	s0 =	stileid.u32;
	[bflag:$0x2] =	sbarrier.arrive $0xFFFF  }
0x7d: {  	p0 =	sne.s32 s0, $0x0;
	s0 =	rddreg [dreg:$0x1]  }
0x7e: {  	s0 =	sadd.s32 @!p0 $0x100000, s0  }
0x7f: {  	[sflag:s0] =	ssyncadd.tile.s32 @!p0 $0x1;
	_ =	shalt  }
.Lfunc_end2:
_tile_overlayer_lowered:
.L_overlay_start_2:
0x80: {  	(tag) =	ssettag $0x2  }
0x81: {  	s0 =	rddreg [dreg:$0x0];
	s2 =	stileid.u32  }
0x82: {  	s1 =	rddreg [dreg:$0x1];
	p0 =	sne.s32 s2, $0x0  }
0x83: {  	s3 =	rddreg [dreg:$0x2];
	[bflag:$0x3] =	sbarrier.arrive $0xFFFF;
	s2 =	simm.s32 @!p0 $0x1C05  }
0x84: {  	[timem:s3], [sflag:s2] =	dma.local @!p0 [hbm:s0], s1  }
0x85: {  	s0 =	simm.s32 @!p0 $0x5  }
0x86: {  	_ =	swait.ge @!p0 [sflag:s0], s1  }
0x87: {  	s1 =	ssub.s32 @!p0 $0x0, s1;
	[sflag:s0] =	ssyncset.done @!p0 $0x0  }
0x88: {  	[sflag:s0] =	ssyncadd.s32 @!p0 s1  }
0x89: {  	[bflag:$0x3] =	sbarrier.arrive $0xFFFF  }
0x8a: {  	_ =	shalt  }

// kernel: kernel.15.cloned.1.call-start
scs
__scs_entry_jumppad:
0x0: {  	(pc) =	sbr.rel $0x88, $3  }
0x1: {  	(tag) =	ssettag $0x0;
	lr =	simm.s32 $0x1  }
0x2: {  	[smem:$0x3F8F] =	sst lr;
	_ =	strace $0xD0000000  }
0x3: {  	_ = 	snop  }
0x4: {  	_ = 	snop  }
0x5: {  	_ = 	snop  }
0x6: {  	_ = 	snop  }
0x7: {  	_ = 	snop  }
__scs_overlays_trampoline_lowered:
0x8: {  	[smem:$0x3F9E] =	sst s0  }
0x9: {  	[smem:$0x3F9F] =	sst s1  }
0xa: {  	[smem:$0x3FA0] =	sst s2  }
0xb: {  	[smem:$0x3FA1] =	sst s3  }
0xc: {  	[smem:$0x3FA2] =	sst s4  }
0xd: {  	[smem:$0x3FA3] =	sst s5  }
0xe: {  	[smem:$0x3FA4] =	sst s6  }
0xf: {  	[smem:$0x3FA5] =	sst s7  }
0x10: {  	[smem:$0x3FA6] =	sst s8  }
0x11: {  	[smem:$0x3FA7] =	sst s9;
	s0 =	simm.s32 @!p0 $0x0  }
0x12: {  	s1 =	sld [smem:$0x3F8D];
	s0 =	simm.s32 @p0 $0x1  }
0x13: {  	[smem:$0x3FA8] =	sst s0;
	s0 =	simm.s32 @!p1 $0x0  }
0x14: {  	s2 =	sld [smem:$0x3F8C];
	s0 =	simm.s32 @p1 $0x1  }
0x15: {  	[smem:$0x3FA9] =	sst s0;
	s0 =	simm.s32 @!p2 $0x0  }
0x16: {  	s3 =	sld [smem:$0x3FDB];
	s0 =	simm.s32 @p2 $0x1  }
0x17: {  	s4 =	simm.s32 $0x1BF5;
	[smem:$0x3FAB] =	sst s0  }
0x18: {  	s0 =	sld [smem:$0x3F8E];
	_ =	swait.ge [sflag:s4], $0x0  }
0x19: {  	s7 =	sld [smem:$0x3F8F]  }
0x1a: {  	s8 =	sadd.s32 $0xFFFFE003, lr  }
0x1b: {  	s9 =	sadd.s32 $0xFFFFFEF7, lr;
	s5 =	simm.s32 $0xFFFFFFFF;
	p2 =	slt.u32 s8, $0xFFFFF086  }
0x1c: {  	p1 =	slt.u32 s9, $0xF7A;
	s5 =	simm.s32 @!p2 $0x0  }
0x1d: {  	s5 =	simm.s32 @p1 $0x1;
	p0 =	seq.s32 s7, s2  }
0x1e: {  	s7 =	smul.u32 @!p0 $0xF7A, s2;
	p2 =	seq.s32 @!p0 s5, $0x0  }
0x1f: {  	s9 =	smul.u32 $0xF7A, s1;
	s8 =	simm.s32 @!p0 $0x1BF5;
	p2 =	por !p2, p0  }
0x20: {  	[sflag:s8] =	ssyncset.s32 @!p0 $0xFFFFF086;
	s6 =	sadd.s32 @!p0 s3, s7;
	s7 =	simm.s32 @!p0 $0x108  }
0x21: {  	s3 =	sadd.s32 s3, s9;
	s6 =	sadd.s32 @!p0 $0x88, s6;
	s7 =	simm.s32 @p2 $0x1082  }
0x22: {  	[simem:s7], [sflag:s8] =	dma.local @!p0 [hbm:s6], $0xF7A  }
0x23: {  	s9 =	sor.u32 $0xD0000000, s2;
	s6 =	simm.s32 $0x108;
	_ =	swait.ge @!p0 [sflag:s8], $0x0  }
0x24: {  	s3 =	sadd.s32 $0x88, s3;
	s6 =	simm.s32 @!p1 $0x1082;
	[sflag:s4] =	ssyncset.s32 $0xFFFFF086  }
0x25: {  	[simem:s6], [sflag:s4] =	dma.local [hbm:s3], $0xF7A  }
0x26: {  	[smem:$0x3F8F] =	sst s1;
	(tag) =	ssettag s2;
	_ =	strace s9  }
0x27: {  	s1 =	sld [smem:$0x3F9F]  }
0x28: {  	s2 =	sld [smem:$0x3FA0]  }
0x29: {  	s4 =	sld [smem:$0x3FA2]  }
0x2a: {  	p0 =	seq.s32 s5, $0x0;
	s5 =	sld [smem:$0x3FA3]  }
0x2b: {  	s6 =	sld [smem:$0x3FA4]  }
0x2c: {  	s7 =	sld [smem:$0x3FA5]  }
0x2d: {  	s3 =	simm.s32 $0x108;
	s8 =	sld [smem:$0x3FA6]  }
0x2e: {  	s3 =	simm.s32 @!p0 $0x1082;
	s9 =	sld [smem:$0x3FA7]  }
0x2f: {  	lr =	sadd.s32 s0, s3;
	s0 =	sld [smem:$0x3F9E]  }
0x30: {  	s3 =	sld [smem:$0x3FA1]  }
0x31: {  	[smem:$0x3FAA] =	sst s10  }
0x32: {  	s10 =	sld [smem:$0x3FA8];
	_ =	sdelay $0x3  }
0x33: {  	p0 =	seq.s32 s10, $0x1;
	s10 =	sld [smem:$0x3FAA];
	_ =	sdelay $0x3  }
0x34: {  	[smem:$0x3FAA] =	sst s10  }
0x35: {  	s10 =	sld [smem:$0x3FA9];
	_ =	sdelay $0x3  }
0x36: {  	p1 =	seq.s32 s10, $0x1;
	s10 =	sld [smem:$0x3FAA];
	_ =	sdelay $0x3  }
0x37: {  	[smem:$0x3FAA] =	sst s10  }
0x38: {  	s10 =	sld [smem:$0x3FAB]  }
0x39: {  	_ = 	snop;
	(pc) =	sbr.ind lr, $3  }
0x3a: {  	_ = 	snop  }
0x3b: {  	_ = 	snop  }
0x3c: {  	p2 =	seq.s32 s10, $0x1;
	s10 =	sld [smem:$0x3FAA]  }
0x3d: {  	_ =	shalt  }
0x3e: {  	_ =	shalt  }
0x3f: {  	_ =	shalt  }
0x40: {  	_ =	shalt  }
0x41: {  	_ =	shalt  }
0x42: {  	_ =	shalt  }
0x43: {  	_ =	shalt  }
0x44: {  	_ =	shalt  }
0x45: {  	_ =	shalt  }
0x46: {  	_ =	shalt  }
0x47: {  	_ =	shalt  }
0x48: {  	_ =	shalt  }
0x49: {  	_ =	shalt  }
0x4a: {  	_ =	shalt  }
0x4b: {  	_ =	shalt  }
0x4c: {  	_ =	shalt  }
0x4d: {  	_ =	shalt  }
0x4e: {  	_ =	shalt  }
0x4f: {  	_ =	shalt  }
0x50: {  	_ =	shalt  }
0x51: {  	_ =	shalt  }
0x52: {  	_ =	shalt  }
0x53: {  	_ =	shalt  }
0x54: {  	_ =	shalt  }
0x55: {  	_ =	shalt  }
0x56: {  	_ =	shalt  }
0x57: {  	_ =	shalt  }
0x58: {  	_ =	shalt  }
0x59: {  	_ =	shalt  }
0x5a: {  	_ =	shalt  }
0x5b: {  	_ =	shalt  }
0x5c: {  	_ =	shalt  }
0x5d: {  	_ =	shalt  }
0x5e: {  	_ =	shalt  }
0x5f: {  	_ =	shalt  }
0x60: {  	_ =	shalt  }
0x61: {  	_ =	shalt  }
0x62: {  	_ =	shalt  }
0x63: {  	_ =	shalt  }
0x64: {  	_ =	shalt  }
0x65: {  	_ =	shalt  }
0x66: {  	_ =	shalt  }
0x67: {  	_ =	shalt  }
0x68: {  	_ =	shalt  }
0x69: {  	_ =	shalt  }
0x6a: {  	_ =	shalt  }
0x6b: {  	_ =	shalt  }
0x6c: {  	_ =	shalt  }
0x6d: {  	_ =	shalt  }
0x6e: {  	_ =	shalt  }
0x6f: {  	_ =	shalt  }
0x70: {  	_ =	shalt  }
0x71: {  	_ =	shalt  }
0x72: {  	_ =	shalt  }
0x73: {  	_ =	shalt  }
0x74: {  	_ =	shalt  }
0x75: {  	_ =	shalt  }
0x76: {  	_ =	shalt  }
0x77: {  	_ =	shalt  }
0x78: {  	_ =	shalt  }
0x79: {  	_ =	shalt  }
0x7a: {  	_ =	shalt  }
0x7b: {  	_ =	shalt  }
0x7c: {  	_ =	shalt  }
0x7d: {  	_ =	shalt  }
0x7e: {  	_ =	shalt  }
0x7f: {  	_ =	shalt  }
0x80: {  	_ =	shalt  }
0x81: {  	_ =	shalt  }
0x82: {  	_ =	shalt  }
0x83: {  	_ =	shalt  }
0x84: {  	_ =	shalt  }
0x85: {  	_ =	shalt  }
0x86: {  	_ =	shalt  }
0x87: {  	_ =	shalt  }
.Lfunc_end0:
.L_simem_size_0:
called_computation.2_lowered:
.L_overlay_start_0:
0x88: {  	s2 =	sld [smem:$0x3FD9]  }
0x89: {  	s3 =	sld [smem:$0x3FFE];
	_ =	sdelay $0x1  }
0x8a: {  	s1 =	srdreg.scid  }
0x8b: {  	s0 =	sand.u32 $0x1, s1  }
0x8c: {  	s17 =	sshll.u32 s0, $0xA;
	s2 =	sadd.s32 s3, s2  }
0x8d: {  	s2 =	sadd.s32 s2, s17  }
0x8e: {  	[smem:$0x3FB6] =	sst s2  }
0x8f: {  	_ = 	snop  }
0x90: {  	s2 =	sld [smem:$0x3FD0];
	(tm) =	ssettm $0x1  }
0x91: {  	s18 =	sld [smem:$0x3FFB];
	_ =	sdelay $0x3  }
0x92: {  	_ =	strace s18  }
0x93: {  	s3 =	sld [smem:$0x3FFC];
	_ =	sdelay $0x3  }
0x94: {  	_ =	strace s3  }
0x95: {  	s3 =	sld [smem:$0x3FFD];
	_ =	sdelay $0x3  }
0x96: {  	_ =	strace s3  }
0x97: {  	_ =	strace $0x8FFFFFFF  }
0x98: {  	s19 =	sld [smem:$0x3FDB];
	_ =	sdelay $0x1  }
0x99: {  	s4 =	simm.s32 $_scs_section_size  }
0x9a: {  	s5 =	simm.s32 $_size__tile_overlayer_lowered;
	s6 =	simm.s32 $_tile_overlayer_lowered  }
0x9b: {  	s22 =	simm.s32 $0x1BFF;
	s21 =	sshll.u32 s6, $0x1;
	s3 =	sadd.s32 s4, s19  }
0x9c: {  	s7 =	simm.s32 $0x0;
	s20 =	sshll.u32 s5, $0x1;
	s5 =	sadd.s32 s21, s3  }
0x9d: {  	[timem:s7], [sflag:s22] =	dma.local [hbm:s5], s20  }
0x9e: {  	_ =	swait.ge [sflag:s22], s20  }
0x9f: {  	s4 =	ssub.s32 $0x0, s20;
	[sflag:s22] =	ssyncset.done $0x0  }
0xa0: {  	[sflag:s22] =	ssyncadd.s32 s4;
	_ =	sdelay $0x1  }
0xa1: {  	s23 =	simm.s32 $0x1B8B  }
0xa2: {  	_ =	swait.ge [sflag:s23], $0x1  }
0xa3: {  	[sflag:s23] =	ssyncset.done $0x0  }
0xa4: {  	s25 =	simm.s32 $0x1B8E;
	s24 =	sld [smem:$0x3FFE];
	[sflag:s23] =	ssyncadd.s32 $0xFFFFFFFF  }
0xa5: {  	s26 =	simm.s32 $execute0_lowered;
	[smem:$0x3FD2] =	sst s25  }
0xa6: {  	s5 =	sshll.u32 s26, $0x1;
	_ =	strace $0x8000004C;
	[dreg:$0x1] =	wrdreg $0xFFFFFFFF  }
0xa7: {  	s28 =	simm.s32 $_size_execute0_lowered;
	s3 =	sadd.s32 s3, s5;
	[dreg:$0x0] =	wrdreg $0x0  }
0xa8: {  	s5 =	sshll.u32 s28, $0x1;
	[dreg:$0x2] =	wrdreg s3  }
0xa9: {  	[dreg:$0x3] =	wrdreg s5  }
0xaa: {  	[dreg:$0x4] =	wrdreg $0xC0  }
0xab: {  	_ =	task [dreg:s7], $0x5FFFF  }
0xac: {  	[dreg:$0x1] =	wrdreg $0xFFFFFFFF  }
0xad: {  	[dreg:$0x0] =	wrdreg $0x60  }
0xae: {  	[dreg:$0x2] =	wrdreg s24  }
0xaf: {  	[dreg:$0x3] =	wrdreg s2  }
0xb0: {  	[dreg:$0x4] =	wrdreg $0xA8000  }
0xb1: {  	[dreg:$0x5] =	wrdreg $0x9  }
0xb2: {  	_ =	task.clear_ibuf [dreg:s7], $0x6FFFF;
	_ =	strace $0x9000004C  }
0xb3: {  	s29 =	simm.s32 $0x9;
	_ =	strace $0x8000004E  }
0xb4: {  	_ =	swait.ge [sflag:s29], $0x1  }
0xb5: {  	[sflag:s29] =	ssyncadd.s32 $0xFFFFFFFF  }
0xb6: {  	_ =	strace $0x9000004E  }
0xb7: {  	_ =	sfence  }
0xb8: {  	s30 =	sld [smem:$0x0];
	_ =	sdelay $0x2  }
0xb9: {  	s31 =	sshll.u32 s1, $0xD;
	s1 =	sshrl.u32 s1, $0x2  }
0xba: {  	s3 =	sand.u32 $0x4000, s31;
	s1 =	sadd.s32 s1, s30  }
0xbb: {  	s0 =	sor.u32 s3, s0;
	s1 =	sshll.u32 s1, $0x11  }
0xbc: {  	s0 =	sor.u32 s1, s0  }
0xbd: {  	s0 =	sadd.s32 $0x8F2B, s0  }
0xbe: {  	[sflag:s0] =	ssyncadd.remote.s32 $0x1  }
0xbf: {  	_ =	sfence.sel $0xFFFF  }
0xc0: {  	[dreg:$0x0] =	wrdreg $0xFFFFFFFF;
	(pc) =	sbr.abs _section_cstart, $3  }
0xc1: {  	[dreg:$0x1] =	wrdreg $0xFFFFFFFF  }
0xc2: {  	_ =	task.clear_ibuf [dreg:s7], $0x2FFFF;
	_ =	strace $0x9FFFFFFF  }
0xc3: {  	(tm) =	ssettm $0x7FFFFFFF  }
tec
execute0_lowered:
.L_overlay_start_1:
0x0: {  	(tag) =	ssettag $0x1  }
0x1: {  	s4 =	rddreg [dreg:$0x0]  }
0x2: {  	s5 =	rddreg [dreg:$0x1];
	s0 =	stileid.u32  }
0x3: {  	s1 =	srdreg.scid;
	s2 =	rddreg [dreg:$0x2]  }
0x4: {  	s3 =	simm.s32 $0x0;
	s17 =	simm.s32 $0x1;
	s8 =	smul.u32 $0x2800, s0  }
0x5: {  	s18 =	simm.s32 $0x80;
	s19 =	simm.s32 $0x6800;
	s7 =	smul.u32 $0x13C00, s0  }
0x6: {  	s6 =	sand.u32 $0x1, s1;
	s1 =	rddreg [dreg:$0x3];
	s11 =	smul.u32 $0x4F000, s0  }
0x7: {  	[smem:$0x7FF] =	sst s3;
	s13 =	sadd.s32 $0xA03C00, s4;
	s14 =	smul.u32 $0x140000, s0  }
0x8: {  	s23 =	sshll.u32 s0, $0x6;
	s9 =	smul.u32 $0x140000, s6;
	_ =	strace $0x8000004D  }
0x9: {  	s20 =	ssub.s32 $0x2, s6;
	s12 =	smul.u32 $0x1400000, s6;
	s10 =	sshrl.u32 s8, $0x3  }
0xa: {  	s21 =	sshrl.u32 s20, $0x1;
	s11 =	sshrl.u32 s11, $0x2;
	s22 =	sshrl.u32 s7, $0x3  }
0xb: {  	s26 =	sshll.u32 s8, $0x7;
	s10 =	sadd.s32 s10, s4;
	s9 =	sadd.s32 s7, s9  }
0xc: {  	s15 =	ssub.s32 s20, s21;
	s16 =	sadd.s32 s11, s2;
	s24 =	sadd.s32 s14, s12  }
0xd: {  	s12 =	sadd.s32 s26, s12;
	s20 =	simm.s32 $0x2;
	s21 =	simm.s32 $0x3  }
0xe: {  	s9 =	sshrl.u32 s9, $0x3;
	s6 =	sadd.s32 $0xDC00, s10;
	s25 =	sshrl.u32 s24, $0x3  }
0xf: {  	s14 =	sor.u32 $0x4000, s24;
	s12 =	sor.u32 $0x8000, s12;
	s28 =	sor.u32 $0x10000, s24  }
0x10: {  	s29 =	sor.u32 $0xC000, s24;
	s9 =	sadd.s32 s9, s4;
	s4 =	sadd.s32 s5, s22  }
0x11: {  	s5 =	sor.u32 $0x1C05, s23;
	s7 =	sadd.s32 s13, s25;
	s14 =	sshrl.u32 s14, $0x3  }
.Ltmp0:
0x12: {  	s12 =	sshrl.u32 s12, $0x3;
	s30 =	sshrl.u32 s28, $0x3;
	(pc) =	sbr.rel .LBB2_1-.Ltmp0, $4  }
0x13: {  	s31 =	sshrl.u32 s29, $0x3;
	s22 =	simm.s32 $0x4;
	s23 =	simm.s32 $0x0  }
0x14: {  	s8 =	sadd.s32 $0xDD000, s9;
	s9 =	smax.u32 s15, $0x1;
	s10 =	sadd.s32 s13, s14  }
0x15: {  	s11 =	sadd.s32 s13, s12;
	s12 =	sadd.s32 s30, s13;
	s13 =	sadd.s32 s31, s13  }
0x16: {  	s14 =	sshrl.u32 s16, $0x3;
	s15 =	simm.s32 $0x5;
	s16 =	simm.s32 $0x2800  }
.LBB2_4:
0x17: {  	_ =	swait.ge [sflag:s22], $0x4000  }
0x18: {  	s23 =	sadd.s32 $0x1, s23;
	[sflag:s22] =	ssyncset.done $0x0  }
0x19: {  	p0 =	sne.s32 s23, s9;
	[sflag:s22] =	ssyncadd.s32 $0xFFFFC000  }
.Ltmp1:
0x1a: {  	[bflag:$0x0] =	sbarrier.arrive $0xFFFF;
	(pc) =	sbr.rel @!p0 .LBB2_5-.Ltmp1, $4  }
0x1b: {  	[hbm:s8], [sflag:s5] =	dma.local [spmem:s14], $0x2780  }
0x1c: {  	_ =	swait.ge [sflag:s15], $0x2780  }
0x1d: {  	[sflag:s15] =	ssyncset.done $0x0  }
0x1e: {  	[sflag:s15] =	ssyncadd.s32 $0xFFFFD880  }
.LBB2_1:
0x1f: {  	[spmem:s14], [sflag:s5] =	dma.local [hbm:s4], $0x2780  }
0x20: {  	_ =	swait.ge [sflag:s15], $0x2780  }
0x21: {  	[sflag:s15] =	ssyncset.done $0x0  }
0x22: {  	[sflag:s15] =	ssyncadd.s32 $0xFFFFD880  }
0x23: {  	[tilespmem:s3], [sflag:$0x5] =	stream.linear.gather [hbm4b:s6+s3], $0x2800, $0x38;
	[tilespmem:$0x1E400] =	vst v63  }
0x24: {  	_ =	swait.ge [sflag:s15], $0x2800  }
0x25: {  	[sflag:s15] =	ssyncset.done $0x0  }
0x26: {  	[sflag:s15] =	ssyncadd.s32 $0xFFFFD800  }
0x27: {  	[bflag:$0x0] =	sbarrier.arrive $0xFFFF  }
0x28: {  	[tilespmem:s16], [sflag:$0x1] =	stream.linear.gather [hbm4b:s7+s3], $0x4000, $0x38;
	[tilespmem:$0x1E400] =	vst v63  }
0x29: {  	_ =	swait.ge [sflag:s17], $0x4000  }
0x2a: {  	[sflag:s17] =	ssyncset.done $0x0  }
0x2b: {  	[sflag:s17] =	ssyncadd.s32 $0xFFFFC000  }
0x2c: {  	[spmem:s2] =	stream.indirect.scatter.add.f32 [tilespmem:s16], [sflag:$0x3], $0x80, s3, s18, $0xb8;
	[tilespmem:$0x1E400] =	vst v63  }
0x2d: {  	_ = 	snop  }
0x2e: {  	[tilespmem:s19], [sflag:$0x2] =	stream.linear.gather [hbm4b:s10+s3], $0x4000, $0x38;
	[tilespmem:$0x1E400] =	vst v63  }
0x2f: {  	_ =	swait.ge [sflag:s20], $0x4000  }
0x30: {  	[sflag:s20] =	ssyncset.done $0x0  }
0x31: {  	[sflag:s20] =	ssyncadd.s32 $0xFFFFC000  }
0x32: {  	[spmem:s2] =	stream.indirect.scatter.add.f32 [tilespmem:s19], [sflag:$0x4], $0x80, s18, s18, $0xb8;
	[tilespmem:$0x1E400] =	vst v63  }
0x33: {  	_ =	swait.ge [sflag:s21], $0x4000  }
0x34: {  	[sflag:s21] =	ssyncset.done $0x0  }
0x35: {  	s24 =	simm.s32 $0x100;
	s25 =	simm.s32 $0x0;
	[sflag:s21] =	ssyncadd.s32 $0xFFFFC000  }
0x36: {  	[tilespmem:s16], [sflag:$0x1] =	stream.linear.gather [hbm4b:s11+s3], $0x4000, $0x38;
	[tilespmem:$0x1E400] =	vst v63  }
.LBB2_2:
0x37: {  	_ =	swait.ge [sflag:s17], $0x4000  }
0x38: {  	[sflag:s17] =	ssyncset.done $0x0  }
0x39: {  	[sflag:s17] =	ssyncadd.s32 $0xFFFFC000  }
0x3a: {  	[spmem:s2] =	stream.indirect.scatter.add.f32 [tilespmem:s16], [sflag:$0x3], $0x80, s24, s18, $0xb8;
	[tilespmem:$0x1E400] =	vst v63  }
0x3b: {  	_ =	swait.ge [sflag:s22], $0x4000  }
0x3c: {  	[sflag:s22] =	ssyncset.done $0x0  }
0x3d: {  	s26 =	sadd.s32 s25, s13;
	[sflag:s22] =	ssyncadd.s32 $0xFFFFC000  }
0x3e: {  	[tilespmem:s19], [sflag:$0x2] =	stream.linear.gather [hbm4b:s26+s3], $0x4000, $0x38;
	[tilespmem:$0x1E400] =	vst v63  }
0x3f: {  	_ =	swait.ge [sflag:s20], $0x4000  }
0x40: {  	p0 =	seq.s32 s25, $0x26000;
	[sflag:s20] =	ssyncset.done $0x0  }
.Ltmp2:
0x41: {  	s31 =	sadd.s32 $0x80, s24;
	[sflag:s20] =	ssyncadd.s32 $0xFFFFC000;
	(pc) =	sbr.rel @p0 .LBB2_4-.Ltmp2, $4  }
0x42: {  	[spmem:s2] =	stream.indirect.scatter.add.f32 [tilespmem:s19], [sflag:$0x4], $0x80, s31, s18, $0xb8;
	[tilespmem:$0x1E400] =	vst v63  }
0x43: {  	_ =	swait.ge [sflag:s21], $0x4000  }
0x44: {  	[sflag:s21] =	ssyncset.done $0x0  }
0x45: {  	[sflag:s21] =	ssyncadd.s32 $0xFFFFC000  }
.Ltmp3:
0x46: {  	(pc) =	sbr.rel .LBB2_2-.Ltmp3, $3  }
0x47: {  	_ =	sdelay $0x1  }
0x48: {  	s26 =	sadd.s32 s25, s12;
	s25 =	sadd.s32 $0x1000, s25;
	s24 =	sadd.s32 $0x100, s24  }
0x49: {  	[tilespmem:s16], [sflag:$0x1] =	stream.linear.gather [hbm4b:s26+s3], $0x4000, $0x38;
	[tilespmem:$0x1E400] =	vst v63  }
.LBB2_5:
0x4a: {  	_ =	sfence.sel $0x180000  }
0x4b: {  	[bflag:$0x0] =	sbarrier.arrive $0xFFFF  }
0x4c: {  	p0 =	sne.s32 s0, $0x0;
	_ =	strace $0x9000004D  }
0x4d: {  	s0 =	sadd.s32 @!p0 $0x100000, s1;
	[bflag:$0x2] =	sbarrier.arrive $0xFFFF  }
0x4e: {  	[sflag:s0] =	ssyncadd.tile.s32 @!p0 $0x1;
	_ =	shalt  }
.Lfunc_end2:
_tile_overlayer_lowered:
.L_overlay_start_2:
0x4f: {  	(tag) =	ssettag $0x2  }
0x50: {  	s0 =	rddreg [dreg:$0x0];
	s2 =	stileid.u32  }
0x51: {  	s1 =	rddreg [dreg:$0x1];
	p0 =	sne.s32 s2, $0x0  }
0x52: {  	s3 =	rddreg [dreg:$0x2];
	[bflag:$0x3] =	sbarrier.arrive $0xFFFF;
	s2 =	simm.s32 @!p0 $0x1C05  }
0x53: {  	[timem:s3], [sflag:s2] =	dma.local @!p0 [hbm:s0], s1  }
0x54: {  	s0 =	simm.s32 @!p0 $0x5  }
0x55: {  	_ =	swait.ge @!p0 [sflag:s0], s1  }
0x56: {  	s1 =	ssub.s32 @!p0 $0x0, s1;
	[sflag:s0] =	ssyncset.done @!p0 $0x0  }
0x57: {  	[sflag:s0] =	ssyncadd.s32 @!p0 s1  }
0x58: {  	[bflag:$0x3] =	sbarrier.arrive $0xFFFF  }
0x59: {  	_ =	shalt  }

// kernel: kernel.18.cloned.1.call-start
scs
__scs_entry_jumppad:
0x0: {  	(pc) =	sbr.rel $0x88, $3  }
0x1: {  	(tag) =	ssettag $0x0;
	lr =	simm.s32 $0x1  }
0x2: {  	[smem:$0x3F8F] =	sst lr;
	_ =	strace $0xD0000000  }
0x3: {  	_ = 	snop  }
0x4: {  	_ = 	snop  }
0x5: {  	_ = 	snop  }
0x6: {  	_ = 	snop  }
0x7: {  	_ = 	snop  }
__scs_overlays_trampoline_lowered:
0x8: {  	[smem:$0x3F9E] =	sst s0  }
0x9: {  	[smem:$0x3F9F] =	sst s1  }
0xa: {  	[smem:$0x3FA0] =	sst s2  }
0xb: {  	[smem:$0x3FA1] =	sst s3  }
0xc: {  	[smem:$0x3FA2] =	sst s4  }
0xd: {  	[smem:$0x3FA3] =	sst s5  }
0xe: {  	[smem:$0x3FA4] =	sst s6  }
0xf: {  	[smem:$0x3FA5] =	sst s7  }
0x10: {  	[smem:$0x3FA6] =	sst s8  }
0x11: {  	[smem:$0x3FA7] =	sst s9;
	s0 =	simm.s32 @!p0 $0x0  }
0x12: {  	s1 =	sld [smem:$0x3F8D];
	s0 =	simm.s32 @p0 $0x1  }
0x13: {  	[smem:$0x3FA8] =	sst s0;
	s0 =	simm.s32 @!p1 $0x0  }
0x14: {  	s2 =	sld [smem:$0x3F8C];
	s0 =	simm.s32 @p1 $0x1  }
0x15: {  	[smem:$0x3FA9] =	sst s0;
	s0 =	simm.s32 @!p2 $0x0  }
0x16: {  	s3 =	sld [smem:$0x3FDB];
	s0 =	simm.s32 @p2 $0x1  }
0x17: {  	s4 =	simm.s32 $0x1BF5;
	[smem:$0x3FAB] =	sst s0  }
0x18: {  	s0 =	sld [smem:$0x3F8E];
	_ =	swait.ge [sflag:s4], $0x0  }
0x19: {  	s7 =	sld [smem:$0x3F8F]  }
0x1a: {  	s8 =	sadd.s32 $0xFFFFE003, lr  }
0x1b: {  	s9 =	sadd.s32 $0xFFFFFEF7, lr;
	s5 =	simm.s32 $0xFFFFFFFF;
	p2 =	slt.u32 s8, $0xFFFFF086  }
0x1c: {  	p1 =	slt.u32 s9, $0xF7A;
	s5 =	simm.s32 @!p2 $0x0  }
0x1d: {  	s5 =	simm.s32 @p1 $0x1;
	p0 =	seq.s32 s7, s2  }
0x1e: {  	s7 =	smul.u32 @!p0 $0xF7A, s2;
	p2 =	seq.s32 @!p0 s5, $0x0  }
0x1f: {  	s9 =	smul.u32 $0xF7A, s1;
	s8 =	simm.s32 @!p0 $0x1BF5;
	p2 =	por !p2, p0  }
0x20: {  	[sflag:s8] =	ssyncset.s32 @!p0 $0xFFFFF086;
	s6 =	sadd.s32 @!p0 s3, s7;
	s7 =	simm.s32 @!p0 $0x108  }
0x21: {  	s3 =	sadd.s32 s3, s9;
	s6 =	sadd.s32 @!p0 $0x88, s6;
	s7 =	simm.s32 @p2 $0x1082  }
0x22: {  	[simem:s7], [sflag:s8] =	dma.local @!p0 [hbm:s6], $0xF7A  }
0x23: {  	s9 =	sor.u32 $0xD0000000, s2;
	s6 =	simm.s32 $0x108;
	_ =	swait.ge @!p0 [sflag:s8], $0x0  }
0x24: {  	s3 =	sadd.s32 $0x88, s3;
	s6 =	simm.s32 @!p1 $0x1082;
	[sflag:s4] =	ssyncset.s32 $0xFFFFF086  }
0x25: {  	[simem:s6], [sflag:s4] =	dma.local [hbm:s3], $0xF7A  }
0x26: {  	[smem:$0x3F8F] =	sst s1;
	(tag) =	ssettag s2;
	_ =	strace s9  }
0x27: {  	s1 =	sld [smem:$0x3F9F]  }
0x28: {  	s2 =	sld [smem:$0x3FA0]  }
0x29: {  	s4 =	sld [smem:$0x3FA2]  }
0x2a: {  	p0 =	seq.s32 s5, $0x0;
	s5 =	sld [smem:$0x3FA3]  }
0x2b: {  	s6 =	sld [smem:$0x3FA4]  }
0x2c: {  	s7 =	sld [smem:$0x3FA5]  }
0x2d: {  	s3 =	simm.s32 $0x108;
	s8 =	sld [smem:$0x3FA6]  }
0x2e: {  	s3 =	simm.s32 @!p0 $0x1082;
	s9 =	sld [smem:$0x3FA7]  }
0x2f: {  	lr =	sadd.s32 s0, s3;
	s0 =	sld [smem:$0x3F9E]  }
0x30: {  	s3 =	sld [smem:$0x3FA1]  }
0x31: {  	[smem:$0x3FAA] =	sst s10  }
0x32: {  	s10 =	sld [smem:$0x3FA8];
	_ =	sdelay $0x3  }
0x33: {  	p0 =	seq.s32 s10, $0x1;
	s10 =	sld [smem:$0x3FAA];
	_ =	sdelay $0x3  }
0x34: {  	[smem:$0x3FAA] =	sst s10  }
0x35: {  	s10 =	sld [smem:$0x3FA9];
	_ =	sdelay $0x3  }
0x36: {  	p1 =	seq.s32 s10, $0x1;
	s10 =	sld [smem:$0x3FAA];
	_ =	sdelay $0x3  }
0x37: {  	[smem:$0x3FAA] =	sst s10  }
0x38: {  	s10 =	sld [smem:$0x3FAB]  }
0x39: {  	_ = 	snop;
	(pc) =	sbr.ind lr, $3  }
0x3a: {  	_ = 	snop  }
0x3b: {  	_ = 	snop  }
0x3c: {  	p2 =	seq.s32 s10, $0x1;
	s10 =	sld [smem:$0x3FAA]  }
0x3d: {  	_ =	shalt  }
0x3e: {  	_ =	shalt  }
0x3f: {  	_ =	shalt  }
0x40: {  	_ =	shalt  }
0x41: {  	_ =	shalt  }
0x42: {  	_ =	shalt  }
0x43: {  	_ =	shalt  }
0x44: {  	_ =	shalt  }
0x45: {  	_ =	shalt  }
0x46: {  	_ =	shalt  }
0x47: {  	_ =	shalt  }
0x48: {  	_ =	shalt  }
0x49: {  	_ =	shalt  }
0x4a: {  	_ =	shalt  }
0x4b: {  	_ =	shalt  }
0x4c: {  	_ =	shalt  }
0x4d: {  	_ =	shalt  }
0x4e: {  	_ =	shalt  }
0x4f: {  	_ =	shalt  }
0x50: {  	_ =	shalt  }
0x51: {  	_ =	shalt  }
0x52: {  	_ =	shalt  }
0x53: {  	_ =	shalt  }
0x54: {  	_ =	shalt  }
0x55: {  	_ =	shalt  }
0x56: {  	_ =	shalt  }
0x57: {  	_ =	shalt  }
0x58: {  	_ =	shalt  }
0x59: {  	_ =	shalt  }
0x5a: {  	_ =	shalt  }
0x5b: {  	_ =	shalt  }
0x5c: {  	_ =	shalt  }
0x5d: {  	_ =	shalt  }
0x5e: {  	_ =	shalt  }
0x5f: {  	_ =	shalt  }
0x60: {  	_ =	shalt  }
0x61: {  	_ =	shalt  }
0x62: {  	_ =	shalt  }
0x63: {  	_ =	shalt  }
0x64: {  	_ =	shalt  }
0x65: {  	_ =	shalt  }
0x66: {  	_ =	shalt  }
0x67: {  	_ =	shalt  }
0x68: {  	_ =	shalt  }
0x69: {  	_ =	shalt  }
0x6a: {  	_ =	shalt  }
0x6b: {  	_ =	shalt  }
0x6c: {  	_ =	shalt  }
0x6d: {  	_ =	shalt  }
0x6e: {  	_ =	shalt  }
0x6f: {  	_ =	shalt  }
0x70: {  	_ =	shalt  }
0x71: {  	_ =	shalt  }
0x72: {  	_ =	shalt  }
0x73: {  	_ =	shalt  }
0x74: {  	_ =	shalt  }
0x75: {  	_ =	shalt  }
0x76: {  	_ =	shalt  }
0x77: {  	_ =	shalt  }
0x78: {  	_ =	shalt  }
0x79: {  	_ =	shalt  }
0x7a: {  	_ =	shalt  }
0x7b: {  	_ =	shalt  }
0x7c: {  	_ =	shalt  }
0x7d: {  	_ =	shalt  }
0x7e: {  	_ =	shalt  }
0x7f: {  	_ =	shalt  }
0x80: {  	_ =	shalt  }
0x81: {  	_ =	shalt  }
0x82: {  	_ =	shalt  }
0x83: {  	_ =	shalt  }
0x84: {  	_ =	shalt  }
0x85: {  	_ =	shalt  }
0x86: {  	_ =	shalt  }
0x87: {  	_ =	shalt  }
.Lfunc_end0:
.L_simem_size_0:
called_computation.3_lowered:
.L_overlay_start_0:
0x88: {  	s2 =	sld [smem:$0x3FD9]  }
0x89: {  	s3 =	sld [smem:$0x3FFE];
	_ =	sdelay $0x1  }
0x8a: {  	s1 =	srdreg.scid  }
0x8b: {  	s0 =	sand.u32 $0x1, s1  }
0x8c: {  	s17 =	sshll.u32 s0, $0xA;
	s2 =	sadd.s32 s3, s2  }
0x8d: {  	s2 =	sadd.s32 s2, s17  }
0x8e: {  	[smem:$0x3FB6] =	sst s2  }
0x8f: {  	_ = 	snop  }
0x90: {  	s18 =	sld [smem:$0x3FD0];
	(tm) =	ssettm $0x1  }
0x91: {  	s19 =	sld [smem:$0x3FFB];
	_ =	sdelay $0x3  }
0x92: {  	_ =	strace s19  }
0x93: {  	s2 =	sld [smem:$0x3FFC];
	_ =	sdelay $0x3  }
0x94: {  	_ =	strace s2  }
0x95: {  	s2 =	sld [smem:$0x3FFD];
	_ =	sdelay $0x3  }
0x96: {  	_ =	strace s2  }
0x97: {  	_ =	strace $0x8FFFFFFF  }
0x98: {  	s20 =	sld [smem:$0x3FDB];
	_ =	sdelay $0x1  }
0x99: {  	s4 =	simm.s32 $_scs_section_size  }
0x9a: {  	s5 =	simm.s32 $_size__tile_overlayer_lowered;
	s6 =	simm.s32 $_tile_overlayer_lowered  }
0x9b: {  	s7 =	simm.s32 $0x1BFF;
	s21 =	sshll.u32 s6, $0x1;
	s4 =	sadd.s32 s4, s20  }
0x9c: {  	s22 =	simm.s32 $0x0;
	s5 =	sshll.u32 s5, $0x1;
	s6 =	sadd.s32 s21, s4  }
0x9d: {  	[timem:s22], [sflag:s7] =	dma.local [hbm:s6], s5  }
0x9e: {  	_ =	swait.ge [sflag:s7], s5  }
0x9f: {  	s5 =	ssub.s32 $0x0, s5;
	[sflag:s7] =	ssyncset.done $0x0  }
0xa0: {  	[sflag:s7] =	ssyncadd.s32 s5;
	_ =	sdelay $0x1  }
0xa1: {  	s23 =	simm.s32 $0x1B8B  }
0xa2: {  	_ =	swait.ge [sflag:s23], $0x1  }
0xa3: {  	[sflag:s23] =	ssyncset.done $0x0  }
0xa4: {  	[sflag:s23] =	ssyncadd.s32 $0xFFFFFFFF  }
0xa5: {  	s5 =	sld [smem:$0x0]  }
0xa6: {  	s6 =	sand.u32 $0xFFFFFFFE, s1  }
0xa7: {  	p0 =	sne.s32 s1, s6  }
0xa8: {  	s6 =	sshll.u32 @p0 s6, $0xE  }
0xa9: {  	s6 =	sadd.s32 @p0 $0x11B8D, s6;
	s7 =	sshll.u32 @p0 s5, $0x11  }
0xaa: {  	s6 =	sor.u32 @p0 s7, s6  }
0xab: {  	[sflag:s6] =	ssyncadd.remote.s32 @p0 $0x1;
	_ =	sdelay $0x1  }
0xac: {  	s6 =	simm.s32 @p0 $0x1B8D  }
0xad: {  	_ =	swait.eq @p0 [sflag:s6], $0x1  }
0xae: {  	[sflag:s6] =	ssyncadd.s32 @p0 $0xFFFFFFFF  }
0xaf: {  	s7 =	sshll.u32 @!p0 s1, $0xE  }
0xb0: {  	s7 =	sor.u32 @!p0 $0x4000, s7;
	s6 =	simm.s32 @!p0 $0x1B8D  }
0xb1: {  	s5 =	sshll.u32 @!p0 s5, $0x11;
	s7 =	sadd.s32 @!p0 $0x11B8D, s7;
	_ =	swait.eq @!p0 [sflag:s6], $0x1  }
0xb2: {  	s5 =	sor.u32 @!p0 s5, s7;
	[sflag:s6] =	ssyncadd.s32 @!p0 $0xFFFFFFFF  }
0xb3: {  	s25 =	simm.s32 $0x1B8E;
	s24 =	sld [smem:$0x3FFE];
	[sflag:s5] =	ssyncadd.remote.s32 @!p0 $0x1  }
0xb4: {  	s26 =	simm.s32 $execute0_lowered;
	[smem:$0x3FD2] =	sst s25  }
0xb5: {  	s6 =	sshll.u32 s26, $0x1;
	_ =	strace $0x8000004F;
	[dreg:$0x1] =	wrdreg $0xFFFFFFFF  }
0xb6: {  	s28 =	simm.s32 $_size_execute0_lowered;
	s4 =	sadd.s32 s4, s6;
	[dreg:$0x0] =	wrdreg $0x0  }
0xb7: {  	s6 =	sshll.u32 s28, $0x1;
	[dreg:$0x2] =	wrdreg s4  }
0xb8: {  	[dreg:$0x3] =	wrdreg s6  }
0xb9: {  	[dreg:$0x4] =	wrdreg $0xC0  }
0xba: {  	_ =	task [dreg:s22], $0x5FFFF  }
0xbb: {  	[dreg:$0x1] =	wrdreg $0xFFFFFFFF  }
0xbc: {  	[dreg:$0x0] =	wrdreg $0x60  }
0xbd: {  	[dreg:$0x2] =	wrdreg s24  }
0xbe: {  	[dreg:$0x3] =	wrdreg s18  }
0xbf: {  	[dreg:$0x4] =	wrdreg $0x81000  }
0xc0: {  	[dreg:$0x5] =	wrdreg $0xA  }
0xc1: {  	_ =	task.clear_ibuf [dreg:s22], $0x6FFFF;
	_ =	strace $0x9000004F  }
0xc2: {  	s29 =	simm.s32 $0xA;
	_ =	strace $0x80000051  }
0xc3: {  	_ =	swait.ge [sflag:s29], $0x1  }
0xc4: {  	[sflag:s29] =	ssyncadd.s32 $0xFFFFFFFF  }
0xc5: {  	_ =	strace $0x90000051  }
0xc6: {  	_ =	sfence  }
0xc7: {  	s30 =	sld [smem:$0x0];
	_ =	sdelay $0x2  }
0xc8: {  	s31 =	sshll.u32 s1, $0xD;
	s1 =	sshrl.u32 s1, $0x2  }
0xc9: {  	s4 =	sand.u32 $0x4000, s31;
	s1 =	sadd.s32 s1, s30  }
0xca: {  	s0 =	sor.u32 s4, s0;
	s1 =	sshll.u32 s1, $0x11  }
0xcb: {  	s0 =	sor.u32 s1, s0  }
0xcc: {  	s0 =	sadd.s32 $0x8F2B, s0  }
0xcd: {  	[sflag:s0] =	ssyncadd.remote.s32 $0x1  }
0xce: {  	_ =	sfence.sel $0xFFFF  }
0xcf: {  	[dreg:$0x0] =	wrdreg $0xFFFFFFFF;
	(pc) =	sbr.abs _section_cstart, $3  }
0xd0: {  	[dreg:$0x1] =	wrdreg $0xFFFFFFFF  }
0xd1: {  	_ =	task.clear_ibuf [dreg:s22], $0x2FFFF;
	_ =	strace $0x9FFFFFFF  }
0xd2: {  	(tm) =	ssettm $0x7FFFFFFF  }
0xd3: {  	_ =	shalt  }
tec
execute0_lowered:
.L_overlay_start_1:
0x0: {  	(tag) =	ssettag $0x1  }
0x1: {  	s0 =	rddreg [dreg:$0x0]  }
0x2: {  	s3 =	rddreg [dreg:$0x1]  }
0x3: {  	s1 =	rddreg [dreg:$0x2]  }
0x4: {  	s2 =	simm.s32 $0x0;
	s14 =	stileid.u32;
	s26 =	srdreg.scid  }
0x5: {  	s17 =	simm.s32 $0x3;
	s18 =	simm.s32 $0x100;
	s19 =	simm.s32 $0x1  }
0x6: {  	s20 =	simm.s32 $0x80;
	s21 =	simm.s32 $0x2100;
	s22 =	simm.s32 $0x40  }
0x7: {  	s23 =	simm.s32 $0x4100;
	s24 =	simm.s32 $0x2;
	s25 =	simm.s32 $0x6100  }
0x8: {  	s28 =	simm.s32 $0x0;
	[smem:$0x7FF] =	sst s2;
	s4 =	sadd.s32 $0xDC00, s0  }
0x9: {  	s5 =	sadd.s32 $0xF03C00, s0;
	s6 =	sadd.s32 $0x12D000, s0;
	s7 =	smul.u32 $0x280, s14  }
0xa: {  	s0 =	sand.u32 $0x1, s26;
	s8 =	sshll.u32 s14, $0x1;
	s9 =	smul.u32 $0x50000, s14  }
0xb: {  	s12 =	smul.u32 $0x2800, s14;
	s30 =	sshll.u32 s14, $0x6;
	s26 =	simm.s32 $0x7100  }
0xc: {  	s10 =	ssub.s32 $0x2, s0;
	s11 =	sor.u32 s0, s8;
	s14 =	smul.u32 $0x140000, s0  }
0xd: {  	_ =	strace $0x80000050;
	s13 =	sshrl.u32 s10, $0x1;
	s8 =	smul.u32 $0x1400, s11  }
0xe: {  	s9 =	sshrl.u32 s9, $0x2;
	s29 =	smul.u32 $0x14000, s11;
	s15 =	ssub.s32 s10, s13  }
0xf: {  	s16 =	sadd.s32 s9, s1;
	s9 =	sadd.s32 s3, s12;
	s10 =	sor.u32 $0x1C03, s30  }
0x10: {  	s31 =	sshrl.u32 s8, $0x3;
	s12 =	sadd.s32 s5, s29;
	s13 =	sor.u32 $0x80, s8  }
0x11: {  	v0 =	vimm.f32 $0.0e+00;
	s15 =	smax.u32 s15, $0x1;
	s16 =	sshrl.u32 s16, $0x3;
	s11 =	sadd.s32 s4, s31  }
.LBB2_1:
0x12: {  	[spmem:s16], [sflag:s10] =	dma.local [hbm:s9], $0x2800  }
0x13: {  	_ =	swait.ge [sflag:s17], $0x2800  }
0x14: {  	[sflag:s17] =	ssyncset.done $0x0  }
0x15: {  	s29 =	simm.s32 $0x0;
	s30 =	simm.s32 $0x200;
	[sflag:s17] =	ssyncadd.s32 $0xFFFFD800  }
.LBB2_2:
0x16: {  	p0 =	sne.s32 s30, $0x7E00;
	[tilespmem:s29+$0x4170] =	vst v0  }
0x17: {  	[tilespmem:s29+$0x4100] =	vst v0  }
0x18: {  	[tilespmem:s29+$0x4110] =	vst v0  }
.Ltmp0:
0x19: {  	[tilespmem:s29+$0x4120] =	vst v0;
	(pc) =	sbr.rel @p0 .LBB2_2-.Ltmp0, $4  }
0x1a: {  	[tilespmem:s29+$0x4130] =	vst v0  }
0x1b: {  	[tilespmem:s29+$0x4140] =	vst v0  }
0x1c: {  	[tilespmem:s29+$0x4150] =	vst v0  }
0x1d: {  	[tilespmem:s29+$0x4160] =	vst v0;
	s29 =	sshra.s32 s30, $0x2;
	s30 =	sadd.s32 $0x200, s30  }
0x1e: {  	[tilespmem:s29+$0x4170] =	vst v0  }
0x1f: {  	[tilespmem:s29+$0x4100] =	vst v0  }
0x20: {  	[tilespmem:s29+$0x4110] =	vst v0  }
0x21: {  	[tilespmem:s29+$0x4120] =	vst v0  }
0x22: {  	[tilespmem:s29+$0x4130] =	vst v0  }
0x23: {  	[tilespmem:s29+$0x4140] =	vst v0  }
0x24: {  	[tilespmem:s29+$0x4150] =	vst v0  }
0x25: {  	[tilespmem:s29+$0x4160] =	vst v0  }
0x26: {  	s29 =	simm.s32 $0x0;
	[bflag:$0x0] =	sbarrier.arrive $0xFFFF  }
0x27: {  	[tilespmem:s29], [sflag:$0x1] =	stream.linear.gather [hbm4b:s11+s29], $0x40, $0x38;
	[tilespmem:$0x1C100] =	vst v63  }
0x28: {  	s30 =	simm.s32 $0x0  }
0x29: {  	[tilespmem:s18], [sflag:$0x1] =	stream.linear.gather [hbm4b:s12+s29], $0x2000, $0x38;
	[tilespmem:$0x1C100] =	vst v63  }
.LBB2_4:
0x2a: {  	_ =	swait.ge [sflag:s19], $0x40  }
0x2b: {  	s31 =	sshll.u32 s30, $0x7;
	[sflag:s19] =	ssyncset.done $0x0  }
0x2c: {  	s0 =	sadd.s32 s31, s8;
	[sflag:s19] =	ssyncadd.s32 $0xFFFFFFC0  }
0x2d: {  	s0 =	sadd.s32 $0x40, s0;
	_ =	swait.ge [sflag:s19], $0x2000  }
0x2e: {  	s3 =	sshrl.u32 s0, $0x3;
	[sflag:s19] =	ssyncset.done $0x0  }
0x2f: {  	s0 =	sshll.u32 s0, $0x4;
	s3 =	sadd.s32 s4, s3;
	[sflag:s19] =	ssyncadd.s32 $0xFFFFE000  }
0x30: {  	[tilespmem:s20], [sflag:$0x2] =	stream.linear.gather [hbm4b:s3+s29], $0x40, $0x38;
	[tilespmem:$0x1C100] =	vst v63  }
0x31: {  	s0 =	sadd.s32 s5, s0  }
0x32: {  	[tilespmem:s21], [sflag:$0x2] =	stream.linear.gather [hbm4b:s0+s29], $0x2000, $0x38;
	[tilespmem:$0x1C100] =	vst v63  }
0x33: {  	s0 =	simm.s32 $0x0  }
0x34: {  	s3 =	simm.s32 $0x200;
	v1 =	vld [tilespmem:s0+$0x100]  }
.LBB2_5:
0x35: {  	p0 =	sne.s32 s3, $0x7E00  }
.Ltmp1:
0x36: {  	_ = 	snop;
	(pc) =	sbr.rel @p0 .LBB2_5-.Ltmp1, $3  }
0x37: {  	_ =	sdelay $0x1  }
0x38: {  	[tilespmem:s0+$0x4100] =	vst v1;
	s0 =	sshra.s32 s3, $0x2;
	s3 =	sadd.s32 $0x200, s3  }
0x39: {  	v1 =	vld [tilespmem:s0+$0x100]  }
0x3a: {  	_ =	sdelay $0x3  }
0x3b: {  	[tilespmem:s0+$0x4100] =	vst v1  }
0x3c: {  	[spmem:s1] =	stream.indirect.scatter.add.f32 [tilespmem:s23], [sflag:$0x3], $0x80, s2, s22, $0xb8;
	[tilespmem:$0x1C100] =	vst v63  }
0x3d: {  	_ =	swait.ge [sflag:s17], $0x2000  }
0x3e: {  	[sflag:s17] =	ssyncset.done $0x0  }
0x3f: {  	[sflag:s17] =	ssyncadd.s32 $0xFFFFE000  }
0x40: {  	_ =	swait.ge [sflag:s24], $0x40  }
0x41: {  	[sflag:s24] =	ssyncset.done $0x0  }
0x42: {  	p0 =	seq.s32 s30, $0x27;
	[sflag:s24] =	ssyncadd.s32 $0xFFFFFFC0  }
0x43: {  	s0 =	sadd.s32 @!p0 s31, s13;
	_ =	swait.ge [sflag:s24], $0x2000  }
0x44: {  	s31 =	simm.s32 @!p0 $0x0;
	s3 =	sshrl.u32 @!p0 s0, $0x3;
	[sflag:s24] =	ssyncset.done $0x0  }
0x45: {  	s0 =	sshll.u32 @!p0 s0, $0x4;
	s3 =	sadd.s32 @!p0 s4, s3;
	[sflag:s24] =	ssyncadd.s32 $0xFFFFE000  }
0x46: {  	[tilespmem:s31], [sflag:$0x1] =	stream.linear.gather @!p0 [hbm4b:s3+s31], $0x40, $0x38;
	[tilespmem:$0x1C100] =	vst v63  }
0x47: {  	s0 =	sadd.s32 @!p0 s5, s0;
	s3 =	simm.s32 @!p0 $0x100  }
0x48: {  	[tilespmem:s3], [sflag:$0x1] =	stream.linear.gather @!p0 [hbm4b:s0+s31], $0x2000, $0x38;
	[tilespmem:$0x1C100] =	vst v63  }
0x49: {  	s0 =	simm.s32 $0x0  }
0x4a: {  	s3 =	simm.s32 $0x200;
	v1 =	vld [tilespmem:s0+$0x2100]  }
.LBB2_7:
0x4b: {  	p0 =	sne.s32 s3, $0x7E00  }
.Ltmp2:
0x4c: {  	_ = 	snop;
	(pc) =	sbr.rel @p0 .LBB2_7-.Ltmp2, $3  }
0x4d: {  	_ =	sdelay $0x1  }
0x4e: {  	[tilespmem:s0+$0x4100] =	vst v1;
	s0 =	sshra.s32 s3, $0x2;
	s3 =	sadd.s32 $0x200, s3  }
0x4f: {  	v1 =	vld [tilespmem:s0+$0x2100]  }
0x50: {  	_ =	sdelay $0x1  }
0x51: {  	s30 =	sadd.s32 $0x1, s30  }
0x52: {  	p0 =	sne.s32 s30, $0x28  }
.Ltmp3:
0x53: {  	[tilespmem:s0+$0x4100] =	vst v1;
	(pc) =	sbr.rel @p0 .LBB2_4-.Ltmp3, $4  }
0x54: {  	[spmem:s1] =	stream.indirect.scatter.add.f32 [tilespmem:s23], [sflag:$0x3], $0x80, s20, s22, $0xb8;
	[tilespmem:$0x1C100] =	vst v63  }
0x55: {  	_ =	swait.ge [sflag:s17], $0x2000  }
0x56: {  	[sflag:s17] =	ssyncset.done $0x0  }
0x57: {  	[sflag:s17] =	ssyncadd.s32 $0xFFFFE000  }
0x58: {  	[bflag:$0x0] =	sbarrier.arrive $0xFFFF;
	s29 =	simm.s32 $0x0  }
.LBB2_10:
0x59: {  	s0 =	sshll.u32 s29, $0x5  }
0x5a: {  	s0 =	sadd.s32 s7, s0  }
0x5b: {  	s30 =	sshll.u32 s0, $0x7  }
0x5c: {  	s0 =	sand.u32 $0x3FFFFF80, s30  }
0x5d: {  	s0 =	sadd.s32 s0, s1  }
0x5e: {  	[tilespmem:s25], [sflag:$0x3] =	stream.linear.gather [spmem:s0], $0x1000, $0x38;
	[tilespmem:$0x1C100] =	vst v63  }
0x5f: {  	_ =	swait.ge [sflag:s17], $0x1000  }
0x60: {  	[sflag:s17] =	ssyncset.done $0x0  }
0x61: {  	s31 =	simm.s32 $0x0;
	[sflag:s17] =	ssyncadd.s32 $0xFFFFF000  }
0x62: {  	s0 =	simm.s32 $0x200;
	v1 =	vld [tilespmem:s31+$0x6100]  }
.LBB2_11:
0x63: {  	p0 =	sne.s32 s0, $0x3E00  }
.Ltmp4:
0x64: {  	_ = 	snop;
	(pc) =	sbr.rel @p0 .LBB2_11-.Ltmp4, $3  }
0x65: {  	_ =	sdelay $0x1  }
0x66: {  	[tilespmem:s31+$0x7100] =	vst v1;
	s31 =	sshra.s32 s0, $0x2;
	s0 =	sadd.s32 $0x200, s0  }
0x67: {  	v1 =	vld [tilespmem:s31+$0x6100]  }
0x68: {  	_ =	sdelay $0x1  }
0x69: {  	s0 =	sadd.s32 s14, s30;
	s29 =	sadd.s32 $0x1, s29  }
0x6a: {  	s0 =	sshrl.u32 s0, $0x3;
	p0 =	sne.s32 s29, $0x14  }
.Ltmp5:
0x6b: {  	s0 =	sadd.s32 s6, s0;
	[tilespmem:s31+$0x7100] =	vst v1;
	(pc) =	sbr.rel @p0 .LBB2_10-.Ltmp5, $4  }
0x6c: {  	[hbm4b:s0+s2] =	stream.linear.scatter [tilespmem:s26], [sflag:$0x3], $0x1000, $0x38;
	[tilespmem:$0x1C100] =	vst v63  }
0x6d: {  	_ =	swait.ge [sflag:s17], $0x1000  }
0x6e: {  	[sflag:s17] =	ssyncset.done $0x0  }
0x6f: {  	[sflag:s17] =	ssyncadd.s32 $0xFFFFF000  }
0x70: {  	s28 =	sadd.s32 $0x1, s28  }
0x71: {  	p0 =	sne.s32 s28, s15  }
.Ltmp6:
0x72: {  	_ = 	snop;
	(pc) =	sbr.rel @p0 .LBB2_1-.Ltmp6, $1  }
0x73: {  	_ =	sdelay $0x3  }
0x74: {  	_ =	sfence.sel $0x180000  }
0x75: {  	[bflag:$0x0] =	sbarrier.arrive $0xFFFF  }
0x76: {  	_ =	strace $0x90000050  }
0x77: {  	s0 =	stileid.u32;
	[bflag:$0x2] =	sbarrier.arrive $0xFFFF  }
0x78: {  	p0 =	sne.s32 s0, $0x0;
	s0 =	rddreg [dreg:$0x3]  }
0x79: {  	s0 =	sadd.s32 @!p0 $0x100000, s0  }
0x7a: {  	[sflag:s0] =	ssyncadd.tile.s32 @!p0 $0x1;
	_ =	shalt  }
.Lfunc_end2:
_tile_overlayer_lowered:
.L_overlay_start_2:
0x7b: {  	(tag) =	ssettag $0x2  }
0x7c: {  	s0 =	rddreg [dreg:$0x0];
	s2 =	stileid.u32  }
0x7d: {  	s1 =	rddreg [dreg:$0x1];
	p0 =	sne.s32 s2, $0x0  }
0x7e: {  	s3 =	rddreg [dreg:$0x2];
	[bflag:$0x3] =	sbarrier.arrive $0xFFFF;
	s2 =	simm.s32 @!p0 $0x1C03  }
0x7f: {  	[timem:s3], [sflag:s2] =	dma.local @!p0 [hbm:s0], s1  }
0x80: {  	s0 =	simm.s32 @!p0 $0x3  }
0x81: {  	_ =	swait.ge @!p0 [sflag:s0], s1  }
0x82: {  	s1 =	ssub.s32 @!p0 $0x0, s1;
	[sflag:s0] =	ssyncset.done @!p0 $0x0  }
0x83: {  	[sflag:s0] =	ssyncadd.s32 @!p0 s1  }
0x84: {  	[bflag:$0x3] =	sbarrier.arrive $0xFFFF  }
0x85: {  	_ =	shalt  }

// kernel: kernel.9.cloned.1.call-start
scs
__scs_entry_jumppad:
0x0: {  	(pc) =	sbr.rel $0x88, $3  }
0x1: {  	(tag) =	ssettag $0x0;
	lr =	simm.s32 $0x1  }
0x2: {  	[smem:$0x3F8F] =	sst lr;
	_ =	strace $0xD0000000  }
0x3: {  	_ = 	snop  }
0x4: {  	_ = 	snop  }
0x5: {  	_ = 	snop  }
0x6: {  	_ = 	snop  }
0x7: {  	_ = 	snop  }
__scs_overlays_trampoline_lowered:
0x8: {  	[smem:$0x3F9E] =	sst s0  }
0x9: {  	[smem:$0x3F9F] =	sst s1  }
0xa: {  	[smem:$0x3FA0] =	sst s2  }
0xb: {  	[smem:$0x3FA1] =	sst s3  }
0xc: {  	[smem:$0x3FA2] =	sst s4  }
0xd: {  	[smem:$0x3FA3] =	sst s5  }
0xe: {  	[smem:$0x3FA4] =	sst s6  }
0xf: {  	[smem:$0x3FA5] =	sst s7  }
0x10: {  	[smem:$0x3FA6] =	sst s8  }
0x11: {  	[smem:$0x3FA7] =	sst s9;
	s0 =	simm.s32 @!p0 $0x0  }
0x12: {  	s1 =	sld [smem:$0x3F8D];
	s0 =	simm.s32 @p0 $0x1  }
0x13: {  	[smem:$0x3FA8] =	sst s0;
	s0 =	simm.s32 @!p1 $0x0  }
0x14: {  	s2 =	sld [smem:$0x3F8C];
	s0 =	simm.s32 @p1 $0x1  }
0x15: {  	[smem:$0x3FA9] =	sst s0;
	s0 =	simm.s32 @!p2 $0x0  }
0x16: {  	s3 =	sld [smem:$0x3FDB];
	s0 =	simm.s32 @p2 $0x1  }
0x17: {  	s4 =	simm.s32 $0x1BF5;
	[smem:$0x3FAB] =	sst s0  }
0x18: {  	s0 =	sld [smem:$0x3F8E];
	_ =	swait.ge [sflag:s4], $0x0  }
0x19: {  	s7 =	sld [smem:$0x3F8F]  }
0x1a: {  	s8 =	sadd.s32 $0xFFFFE003, lr  }
0x1b: {  	s9 =	sadd.s32 $0xFFFFFEF7, lr;
	s5 =	simm.s32 $0xFFFFFFFF;
	p2 =	slt.u32 s8, $0xFFFFF086  }
0x1c: {  	p1 =	slt.u32 s9, $0xF7A;
	s5 =	simm.s32 @!p2 $0x0  }
0x1d: {  	s5 =	simm.s32 @p1 $0x1;
	p0 =	seq.s32 s7, s2  }
0x1e: {  	s7 =	smul.u32 @!p0 $0xF7A, s2;
	p2 =	seq.s32 @!p0 s5, $0x0  }
0x1f: {  	s9 =	smul.u32 $0xF7A, s1;
	s8 =	simm.s32 @!p0 $0x1BF5;
	p2 =	por !p2, p0  }
0x20: {  	[sflag:s8] =	ssyncset.s32 @!p0 $0xFFFFF086;
	s6 =	sadd.s32 @!p0 s3, s7;
	s7 =	simm.s32 @!p0 $0x108  }
0x21: {  	s3 =	sadd.s32 s3, s9;
	s6 =	sadd.s32 @!p0 $0x88, s6;
	s7 =	simm.s32 @p2 $0x1082  }
0x22: {  	[simem:s7], [sflag:s8] =	dma.local @!p0 [hbm:s6], $0xF7A  }
0x23: {  	s9 =	sor.u32 $0xD0000000, s2;
	s6 =	simm.s32 $0x108;
	_ =	swait.ge @!p0 [sflag:s8], $0x0  }
0x24: {  	s3 =	sadd.s32 $0x88, s3;
	s6 =	simm.s32 @!p1 $0x1082;
	[sflag:s4] =	ssyncset.s32 $0xFFFFF086  }
0x25: {  	[simem:s6], [sflag:s4] =	dma.local [hbm:s3], $0xF7A  }
0x26: {  	[smem:$0x3F8F] =	sst s1;
	(tag) =	ssettag s2;
	_ =	strace s9  }
0x27: {  	s1 =	sld [smem:$0x3F9F]  }
0x28: {  	s2 =	sld [smem:$0x3FA0]  }
0x29: {  	s4 =	sld [smem:$0x3FA2]  }
0x2a: {  	p0 =	seq.s32 s5, $0x0;
	s5 =	sld [smem:$0x3FA3]  }
0x2b: {  	s6 =	sld [smem:$0x3FA4]  }
0x2c: {  	s7 =	sld [smem:$0x3FA5]  }
0x2d: {  	s3 =	simm.s32 $0x108;
	s8 =	sld [smem:$0x3FA6]  }
0x2e: {  	s3 =	simm.s32 @!p0 $0x1082;
	s9 =	sld [smem:$0x3FA7]  }
0x2f: {  	lr =	sadd.s32 s0, s3;
	s0 =	sld [smem:$0x3F9E]  }
0x30: {  	s3 =	sld [smem:$0x3FA1]  }
0x31: {  	[smem:$0x3FAA] =	sst s10  }
0x32: {  	s10 =	sld [smem:$0x3FA8];
	_ =	sdelay $0x3  }
0x33: {  	p0 =	seq.s32 s10, $0x1;
	s10 =	sld [smem:$0x3FAA];
	_ =	sdelay $0x3  }
0x34: {  	[smem:$0x3FAA] =	sst s10  }
0x35: {  	s10 =	sld [smem:$0x3FA9];
	_ =	sdelay $0x3  }
0x36: {  	p1 =	seq.s32 s10, $0x1;
	s10 =	sld [smem:$0x3FAA];
	_ =	sdelay $0x3  }
0x37: {  	[smem:$0x3FAA] =	sst s10  }
0x38: {  	s10 =	sld [smem:$0x3FAB]  }
0x39: {  	_ = 	snop;
	(pc) =	sbr.ind lr, $3  }
0x3a: {  	_ = 	snop  }
0x3b: {  	_ = 	snop  }
0x3c: {  	p2 =	seq.s32 s10, $0x1;
	s10 =	sld [smem:$0x3FAA]  }
0x3d: {  	_ =	shalt  }
0x3e: {  	_ =	shalt  }
0x3f: {  	_ =	shalt  }
0x40: {  	_ =	shalt  }
0x41: {  	_ =	shalt  }
0x42: {  	_ =	shalt  }
0x43: {  	_ =	shalt  }
0x44: {  	_ =	shalt  }
0x45: {  	_ =	shalt  }
0x46: {  	_ =	shalt  }
0x47: {  	_ =	shalt  }
0x48: {  	_ =	shalt  }
0x49: {  	_ =	shalt  }
0x4a: {  	_ =	shalt  }
0x4b: {  	_ =	shalt  }
0x4c: {  	_ =	shalt  }
0x4d: {  	_ =	shalt  }
0x4e: {  	_ =	shalt  }
0x4f: {  	_ =	shalt  }
0x50: {  	_ =	shalt  }
0x51: {  	_ =	shalt  }
0x52: {  	_ =	shalt  }
0x53: {  	_ =	shalt  }
0x54: {  	_ =	shalt  }
0x55: {  	_ =	shalt  }
0x56: {  	_ =	shalt  }
0x57: {  	_ =	shalt  }
0x58: {  	_ =	shalt  }
0x59: {  	_ =	shalt  }
0x5a: {  	_ =	shalt  }
0x5b: {  	_ =	shalt  }
0x5c: {  	_ =	shalt  }
0x5d: {  	_ =	shalt  }
0x5e: {  	_ =	shalt  }
0x5f: {  	_ =	shalt  }
0x60: {  	_ =	shalt  }
0x61: {  	_ =	shalt  }
0x62: {  	_ =	shalt  }
0x63: {  	_ =	shalt  }
0x64: {  	_ =	shalt  }
0x65: {  	_ =	shalt  }
0x66: {  	_ =	shalt  }
0x67: {  	_ =	shalt  }
0x68: {  	_ =	shalt  }
0x69: {  	_ =	shalt  }
0x6a: {  	_ =	shalt  }
0x6b: {  	_ =	shalt  }
0x6c: {  	_ =	shalt  }
0x6d: {  	_ =	shalt  }
0x6e: {  	_ =	shalt  }
0x6f: {  	_ =	shalt  }
0x70: {  	_ =	shalt  }
0x71: {  	_ =	shalt  }
0x72: {  	_ =	shalt  }
0x73: {  	_ =	shalt  }
0x74: {  	_ =	shalt  }
0x75: {  	_ =	shalt  }
0x76: {  	_ =	shalt  }
0x77: {  	_ =	shalt  }
0x78: {  	_ =	shalt  }
0x79: {  	_ =	shalt  }
0x7a: {  	_ =	shalt  }
0x7b: {  	_ =	shalt  }
0x7c: {  	_ =	shalt  }
0x7d: {  	_ =	shalt  }
0x7e: {  	_ =	shalt  }
0x7f: {  	_ =	shalt  }
0x80: {  	_ =	shalt  }
0x81: {  	_ =	shalt  }
0x82: {  	_ =	shalt  }
0x83: {  	_ =	shalt  }
0x84: {  	_ =	shalt  }
0x85: {  	_ =	shalt  }
0x86: {  	_ =	shalt  }
0x87: {  	_ =	shalt  }
.Lfunc_end0:
.L_simem_size_0:
called_computation_lowered:
.L_overlay_start_0:
0x88: {  	s2 =	sld [smem:$0x3FD9]  }
0x89: {  	s3 =	sld [smem:$0x3FFE];
	_ =	sdelay $0x1  }
0x8a: {  	s1 =	srdreg.scid  }
0x8b: {  	s0 =	sand.u32 $0x1, s1  }
0x8c: {  	s17 =	sshll.u32 s0, $0xA;
	s2 =	sadd.s32 s3, s2  }
0x8d: {  	s2 =	sadd.s32 s2, s17  }
0x8e: {  	[smem:$0x3FB6] =	sst s2  }
0x8f: {  	_ = 	snop  }
0x90: {  	s2 =	sld [smem:$0x3FD0];
	(tm) =	ssettm $0x1  }
0x91: {  	s18 =	sld [smem:$0x3FFB];
	_ =	sdelay $0x3  }
0x92: {  	_ =	strace s18  }
0x93: {  	s3 =	sld [smem:$0x3FFC];
	_ =	sdelay $0x3  }
0x94: {  	_ =	strace s3  }
0x95: {  	s3 =	sld [smem:$0x3FFD];
	_ =	sdelay $0x3  }
0x96: {  	_ =	strace s3  }
0x97: {  	_ =	strace $0x8FFFFFFF  }
0x98: {  	s19 =	sld [smem:$0x3FDB];
	_ =	sdelay $0x1  }
0x99: {  	s4 =	simm.s32 $_scs_section_size  }
0x9a: {  	s5 =	simm.s32 $_size__tile_overlayer_lowered;
	s6 =	simm.s32 $_tile_overlayer_lowered  }
0x9b: {  	s22 =	simm.s32 $0x1BFF;
	s21 =	sshll.u32 s6, $0x1;
	s3 =	sadd.s32 s4, s19  }
0x9c: {  	s7 =	simm.s32 $0x0;
	s20 =	sshll.u32 s5, $0x1;
	s5 =	sadd.s32 s21, s3  }
0x9d: {  	[timem:s7], [sflag:s22] =	dma.local [hbm:s5], s20  }
0x9e: {  	_ =	swait.ge [sflag:s22], s20  }
0x9f: {  	s4 =	ssub.s32 $0x0, s20;
	[sflag:s22] =	ssyncset.done $0x0  }
0xa0: {  	[sflag:s22] =	ssyncadd.s32 s4;
	_ =	sdelay $0x1  }
0xa1: {  	s23 =	simm.s32 $0x1B8B  }
0xa2: {  	_ =	swait.ge [sflag:s23], $0x1  }
0xa3: {  	[sflag:s23] =	ssyncset.done $0x0  }
0xa4: {  	s25 =	simm.s32 $0x1B8E;
	s24 =	sld [smem:$0x3FFE];
	[sflag:s23] =	ssyncadd.s32 $0xFFFFFFFF  }
0xa5: {  	s26 =	simm.s32 $execute0_lowered;
	[smem:$0x3FD2] =	sst s25  }
0xa6: {  	s5 =	sshll.u32 s26, $0x1;
	_ =	strace $0x80000046;
	[dreg:$0x1] =	wrdreg $0xFFFFFFFF  }
0xa7: {  	s28 =	simm.s32 $_size_execute0_lowered;
	s3 =	sadd.s32 s3, s5;
	[dreg:$0x0] =	wrdreg $0x0  }
0xa8: {  	s5 =	sshll.u32 s28, $0x1;
	[dreg:$0x2] =	wrdreg s3  }
0xa9: {  	[dreg:$0x3] =	wrdreg s5  }
0xaa: {  	[dreg:$0x4] =	wrdreg $0xC0  }
0xab: {  	_ =	task [dreg:s7], $0x5FFFF  }
0xac: {  	[dreg:$0x1] =	wrdreg $0xFFFFFFFF  }
0xad: {  	[dreg:$0x0] =	wrdreg $0x60  }
0xae: {  	[dreg:$0x2] =	wrdreg s24  }
0xaf: {  	[dreg:$0x3] =	wrdreg s2  }
0xb0: {  	[dreg:$0x4] =	wrdreg $0x81000  }
0xb1: {  	[dreg:$0x5] =	wrdreg $0x9  }
0xb2: {  	_ =	task.clear_ibuf [dreg:s7], $0x6FFFF;
	_ =	strace $0x90000046  }
0xb3: {  	s29 =	simm.s32 $0x9;
	_ =	strace $0x80000048  }
0xb4: {  	_ =	swait.ge [sflag:s29], $0x1  }
0xb5: {  	[sflag:s29] =	ssyncadd.s32 $0xFFFFFFFF  }
0xb6: {  	_ =	strace $0x90000048  }
0xb7: {  	_ =	sfence  }
0xb8: {  	s30 =	sld [smem:$0x0];
	_ =	sdelay $0x2  }
0xb9: {  	s31 =	sshll.u32 s1, $0xD;
	s1 =	sshrl.u32 s1, $0x2  }
0xba: {  	s3 =	sand.u32 $0x4000, s31;
	s1 =	sadd.s32 s1, s30  }
0xbb: {  	s0 =	sor.u32 s3, s0;
	s1 =	sshll.u32 s1, $0x11  }
0xbc: {  	s0 =	sor.u32 s1, s0  }
0xbd: {  	s0 =	sadd.s32 $0x8F2B, s0  }
0xbe: {  	[sflag:s0] =	ssyncadd.remote.s32 $0x1  }
0xbf: {  	_ =	sfence.sel $0xFFFF  }
0xc0: {  	[dreg:$0x0] =	wrdreg $0xFFFFFFFF;
	(pc) =	sbr.abs _section_cstart, $3  }
0xc1: {  	[dreg:$0x1] =	wrdreg $0xFFFFFFFF  }
0xc2: {  	_ =	task.clear_ibuf [dreg:s7], $0x2FFFF;
	_ =	strace $0x9FFFFFFF  }
0xc3: {  	(tm) =	ssettm $0x7FFFFFFF  }
tec
execute0_lowered:
.L_overlay_start_1:
0x0: {  	(tag) =	ssettag $0x1  }
0x1: {  	s0 =	rddreg [dreg:$0x0]  }
0x2: {  	s3 =	rddreg [dreg:$0x1]  }
0x3: {  	s1 =	rddreg [dreg:$0x2]  }
0x4: {  	s2 =	simm.s32 $0x0;
	s14 =	stileid.u32;
	s26 =	srdreg.scid  }
0x5: {  	s17 =	simm.s32 $0x3;
	s18 =	simm.s32 $0x100;
	s19 =	simm.s32 $0x1  }
0x6: {  	s20 =	simm.s32 $0x80;
	s21 =	simm.s32 $0x2100;
	s22 =	simm.s32 $0x40  }
0x7: {  	s23 =	simm.s32 $0x4100;
	s24 =	simm.s32 $0x2;
	s25 =	simm.s32 $0x6100  }
0x8: {  	s28 =	simm.s32 $0x0;
	[smem:$0x7FF] =	sst s2;
	s4 =	sadd.s32 $0xDC00, s0  }
0x9: {  	s5 =	sadd.s32 $0x283C00, s0;
	s6 =	sadd.s32 $0x12C00, s0;
	s7 =	smul.u32 $0x280, s14  }
0xa: {  	s0 =	sand.u32 $0x1, s26;
	s8 =	sshll.u32 s14, $0x1;
	s9 =	smul.u32 $0x50000, s14  }
0xb: {  	s12 =	smul.u32 $0x2800, s14;
	s30 =	sshll.u32 s14, $0x6;
	s26 =	simm.s32 $0x7100  }
0xc: {  	s10 =	ssub.s32 $0x2, s0;
	s11 =	sor.u32 s0, s8;
	s14 =	smul.u32 $0x140000, s0  }
0xd: {  	_ =	strace $0x80000047;
	s13 =	sshrl.u32 s10, $0x1;
	s8 =	smul.u32 $0x1400, s11  }
0xe: {  	s9 =	sshrl.u32 s9, $0x2;
	s29 =	smul.u32 $0x14000, s11;
	s15 =	ssub.s32 s10, s13  }
0xf: {  	s16 =	sadd.s32 s9, s1;
	s9 =	sadd.s32 s3, s12;
	s10 =	sor.u32 $0x1C03, s30  }
0x10: {  	v0 =	vimm.f32 $0.0e+00;
	vm0 =	vcmask $0x300;
	s31 =	sshrl.u32 s8, $0x3;
	s12 =	sadd.s32 s5, s29;
	s13 =	sor.u32 $0x80, s8  }
0x11: {  	v1 =	vsel vm0, $0x3F800000, v0;
	s15 =	smax.u32 s15, $0x1;
	s16 =	sshrl.u32 s16, $0x3;
	s11 =	sadd.s32 s4, s31  }
.LBB2_1:
0x12: {  	[spmem:s16], [sflag:s10] =	dma.local [hbm:s9], $0x2800  }
0x13: {  	_ =	swait.ge [sflag:s17], $0x2800  }
0x14: {  	[sflag:s17] =	ssyncset.done $0x0  }
0x15: {  	s29 =	simm.s32 $0x0;
	s30 =	simm.s32 $0x200;
	[sflag:s17] =	ssyncadd.s32 $0xFFFFD800  }
.LBB2_2:
0x16: {  	p0 =	sne.s32 s30, $0x7E00;
	[tilespmem:s29+$0x4170] =	vst v0  }
0x17: {  	[tilespmem:s29+$0x4100] =	vst v0  }
0x18: {  	[tilespmem:s29+$0x4110] =	vst v0  }
.Ltmp0:
0x19: {  	[tilespmem:s29+$0x4120] =	vst v0;
	(pc) =	sbr.rel @p0 .LBB2_2-.Ltmp0, $4  }
0x1a: {  	[tilespmem:s29+$0x4130] =	vst v0  }
0x1b: {  	[tilespmem:s29+$0x4140] =	vst v0  }
0x1c: {  	[tilespmem:s29+$0x4150] =	vst v0  }
0x1d: {  	[tilespmem:s29+$0x4160] =	vst v0;
	s29 =	sshra.s32 s30, $0x2;
	s30 =	sadd.s32 $0x200, s30  }
0x1e: {  	[tilespmem:s29+$0x4170] =	vst v0  }
0x1f: {  	[tilespmem:s29+$0x4100] =	vst v0  }
0x20: {  	[tilespmem:s29+$0x4110] =	vst v0  }
0x21: {  	[tilespmem:s29+$0x4120] =	vst v0  }
0x22: {  	[tilespmem:s29+$0x4130] =	vst v0  }
0x23: {  	[tilespmem:s29+$0x4140] =	vst v0  }
0x24: {  	[tilespmem:s29+$0x4150] =	vst v0  }
0x25: {  	[tilespmem:s29+$0x4160] =	vst v0  }
0x26: {  	s29 =	simm.s32 $0x0;
	[bflag:$0x0] =	sbarrier.arrive $0xFFFF  }
0x27: {  	[tilespmem:s29], [sflag:$0x1] =	stream.linear.gather [hbm4b:s11+s29], $0x40, $0x38;
	[tilespmem:$0x1C100] =	vst v63  }
0x28: {  	s30 =	simm.s32 $0x0  }
0x29: {  	[tilespmem:s18], [sflag:$0x1] =	stream.linear.gather [hbm4b:s12+s29], $0x2000, $0x38;
	[tilespmem:$0x1C100] =	vst v63  }
.LBB2_4:
0x2a: {  	_ =	swait.ge [sflag:s19], $0x40  }
0x2b: {  	s31 =	sshll.u32 s30, $0x7;
	[sflag:s19] =	ssyncset.done $0x0  }
0x2c: {  	s0 =	sadd.s32 s31, s8;
	[sflag:s19] =	ssyncadd.s32 $0xFFFFFFC0  }
0x2d: {  	s0 =	sadd.s32 $0x40, s0;
	_ =	swait.ge [sflag:s19], $0x2000  }
0x2e: {  	s3 =	sshrl.u32 s0, $0x3;
	[sflag:s19] =	ssyncset.done $0x0  }
0x2f: {  	s0 =	sshll.u32 s0, $0x4;
	s3 =	sadd.s32 s4, s3;
	[sflag:s19] =	ssyncadd.s32 $0xFFFFE000  }
0x30: {  	[tilespmem:s20], [sflag:$0x2] =	stream.linear.gather [hbm4b:s3+s29], $0x40, $0x38;
	[tilespmem:$0x1C100] =	vst v63  }
0x31: {  	s0 =	sadd.s32 s5, s0  }
0x32: {  	[tilespmem:s21], [sflag:$0x2] =	stream.linear.gather [hbm4b:s0+s29], $0x2000, $0x38;
	[tilespmem:$0x1C100] =	vst v63  }
0x33: {  	s0 =	simm.s32 $0x0  }
0x34: {  	s3 =	simm.s32 $0x200;
	v2 =	vld [tilespmem:s0+$0x100];
	[tilespmem:s0+$0x4110] =	vst v1  }
.LBB2_5:
0x35: {  	p0 =	sne.s32 s3, $0x7E00  }
.Ltmp1:
0x36: {  	_ = 	snop;
	(pc) =	sbr.rel @p0 .LBB2_5-.Ltmp1, $3  }
0x37: {  	_ =	sdelay $0x1  }
0x38: {  	[tilespmem:s0+$0x4100] =	vst v2;
	s0 =	sshra.s32 s3, $0x2;
	s3 =	sadd.s32 $0x200, s3  }
0x39: {  	v2 =	vld [tilespmem:s0+$0x100];
	[tilespmem:s0+$0x4110] =	vst v1  }
0x3a: {  	_ =	sdelay $0x3  }
0x3b: {  	[tilespmem:s0+$0x4100] =	vst v2  }
0x3c: {  	[spmem:s1] =	stream.indirect.scatter.add.f32 [tilespmem:s23], [sflag:$0x3], $0x80, s2, s22, $0xb8;
	[tilespmem:$0x1C100] =	vst v63  }
0x3d: {  	_ =	swait.ge [sflag:s17], $0x2000  }
0x3e: {  	[sflag:s17] =	ssyncset.done $0x0  }
0x3f: {  	[sflag:s17] =	ssyncadd.s32 $0xFFFFE000  }
0x40: {  	_ =	swait.ge [sflag:s24], $0x40  }
0x41: {  	[sflag:s24] =	ssyncset.done $0x0  }
0x42: {  	p0 =	seq.s32 s30, $0x27;
	[sflag:s24] =	ssyncadd.s32 $0xFFFFFFC0  }
0x43: {  	s0 =	sadd.s32 @!p0 s31, s13;
	_ =	swait.ge [sflag:s24], $0x2000  }
0x44: {  	s31 =	simm.s32 @!p0 $0x0;
	s3 =	sshrl.u32 @!p0 s0, $0x3;
	[sflag:s24] =	ssyncset.done $0x0  }
0x45: {  	s0 =	sshll.u32 @!p0 s0, $0x4;
	s3 =	sadd.s32 @!p0 s4, s3;
	[sflag:s24] =	ssyncadd.s32 $0xFFFFE000  }
0x46: {  	[tilespmem:s31], [sflag:$0x1] =	stream.linear.gather @!p0 [hbm4b:s3+s31], $0x40, $0x38;
	[tilespmem:$0x1C100] =	vst v63  }
0x47: {  	s0 =	sadd.s32 @!p0 s5, s0;
	s3 =	simm.s32 @!p0 $0x100  }
0x48: {  	[tilespmem:s3], [sflag:$0x1] =	stream.linear.gather @!p0 [hbm4b:s0+s31], $0x2000, $0x38;
	[tilespmem:$0x1C100] =	vst v63  }
0x49: {  	s0 =	simm.s32 $0x0  }
0x4a: {  	s3 =	simm.s32 $0x200;
	v2 =	vld [tilespmem:s0+$0x2100];
	[tilespmem:s0+$0x4110] =	vst v1  }
.LBB2_7:
0x4b: {  	p0 =	sne.s32 s3, $0x7E00  }
.Ltmp2:
0x4c: {  	_ = 	snop;
	(pc) =	sbr.rel @p0 .LBB2_7-.Ltmp2, $3  }
0x4d: {  	_ =	sdelay $0x1  }
0x4e: {  	[tilespmem:s0+$0x4100] =	vst v2;
	s0 =	sshra.s32 s3, $0x2;
	s3 =	sadd.s32 $0x200, s3  }
0x4f: {  	v2 =	vld [tilespmem:s0+$0x2100];
	[tilespmem:s0+$0x4110] =	vst v1  }
0x50: {  	_ =	sdelay $0x1  }
0x51: {  	s30 =	sadd.s32 $0x1, s30  }
0x52: {  	p0 =	sne.s32 s30, $0x28  }
.Ltmp3:
0x53: {  	[tilespmem:s0+$0x4100] =	vst v2;
	(pc) =	sbr.rel @p0 .LBB2_4-.Ltmp3, $4  }
0x54: {  	[spmem:s1] =	stream.indirect.scatter.add.f32 [tilespmem:s23], [sflag:$0x3], $0x80, s20, s22, $0xb8;
	[tilespmem:$0x1C100] =	vst v63  }
0x55: {  	_ =	swait.ge [sflag:s17], $0x2000  }
0x56: {  	[sflag:s17] =	ssyncset.done $0x0  }
0x57: {  	[sflag:s17] =	ssyncadd.s32 $0xFFFFE000  }
0x58: {  	[bflag:$0x0] =	sbarrier.arrive $0xFFFF;
	s29 =	simm.s32 $0x0  }
.LBB2_10:
0x59: {  	s0 =	sshll.u32 s29, $0x5  }
0x5a: {  	s0 =	sadd.s32 s7, s0  }
0x5b: {  	s30 =	sshll.u32 s0, $0x7  }
0x5c: {  	s0 =	sand.u32 $0x3FFFFF80, s30  }
0x5d: {  	s0 =	sadd.s32 s0, s1  }
0x5e: {  	[tilespmem:s25], [sflag:$0x3] =	stream.linear.gather [spmem:s0], $0x1000, $0x38;
	[tilespmem:$0x1C100] =	vst v63  }
0x5f: {  	_ =	swait.ge [sflag:s17], $0x1000  }
0x60: {  	[sflag:s17] =	ssyncset.done $0x0  }
0x61: {  	s31 =	simm.s32 $0x0;
	[sflag:s17] =	ssyncadd.s32 $0xFFFFF000  }
0x62: {  	v2 =	vld [tilespmem:s31+$0x6110]  }
0x63: {  	s0 =	simm.s32 $0x200;
	v3 =	vld [tilespmem:s31+$0x6100]  }
.LBB2_11:
0x64: {  	p0 =	sne.s32 s0, $0x3E00  }
.Ltmp4:
0x65: {  	_ = 	snop;
	(pc) =	sbr.rel @p0 .LBB2_11-.Ltmp4, $4  }
0x66: {  	_ = 	snop  }
0x67: {  	s3 =	sshra.s32 s0, $0x2;
	s0 =	sadd.s32 $0x200, s0;
	[tilespmem:s31+$0x7110] =	vst v2  }
0x68: {  	v2 =	vld [tilespmem:s3+$0x6110];
	[tilespmem:s31+$0x7100] =	vst v3;
	s31 =	smov.u32 s3  }
0x69: {  	v3 =	vld [tilespmem:s31+$0x6100]  }
0x6a: {  	_ =	sdelay $0x1  }
0x6b: {  	s0 =	sadd.s32 s14, s30;
	s29 =	sadd.s32 $0x1, s29  }
0x6c: {  	s0 =	sshrl.u32 s0, $0x3;
	p0 =	sne.s32 s29, $0x14;
	[tilespmem:s31+$0x7110] =	vst v2  }
.Ltmp5:
0x6d: {  	s0 =	sadd.s32 s6, s0;
	[tilespmem:s31+$0x7100] =	vst v3;
	(pc) =	sbr.rel @p0 .LBB2_10-.Ltmp5, $4  }
0x6e: {  	[hbm4b:s0+s2] =	stream.linear.scatter [tilespmem:s26], [sflag:$0x3], $0x1000, $0x38;
	[tilespmem:$0x1C100] =	vst v63  }
0x6f: {  	_ =	swait.ge [sflag:s17], $0x1000  }
0x70: {  	[sflag:s17] =	ssyncset.done $0x0  }
0x71: {  	[sflag:s17] =	ssyncadd.s32 $0xFFFFF000  }
0x72: {  	s28 =	sadd.s32 $0x1, s28  }
0x73: {  	p0 =	sne.s32 s28, s15  }
.Ltmp6:
0x74: {  	_ = 	snop;
	(pc) =	sbr.rel @p0 .LBB2_1-.Ltmp6, $1  }
0x75: {  	_ =	sdelay $0x3  }
0x76: {  	_ =	sfence.sel $0x180000  }
0x77: {  	[bflag:$0x0] =	sbarrier.arrive $0xFFFF  }
0x78: {  	_ =	strace $0x90000047  }
0x79: {  	s0 =	stileid.u32;
	[bflag:$0x2] =	sbarrier.arrive $0xFFFF  }
0x7a: {  	p0 =	sne.s32 s0, $0x0;
	s0 =	rddreg [dreg:$0x3]  }
0x7b: {  	s0 =	sadd.s32 @!p0 $0x100000, s0  }
0x7c: {  	[sflag:s0] =	ssyncadd.tile.s32 @!p0 $0x1;
	_ =	shalt  }
.Lfunc_end2:
_tile_overlayer_lowered:
.L_overlay_start_2:
0x7d: {  	(tag) =	ssettag $0x2  }
0x7e: {  	s0 =	rddreg [dreg:$0x0];
	s2 =	stileid.u32  }
0x7f: {  	s1 =	rddreg [dreg:$0x1];
	p0 =	sne.s32 s2, $0x0  }
0x80: {  	s3 =	rddreg [dreg:$0x2];
	[bflag:$0x3] =	sbarrier.arrive $0xFFFF;
	s2 =	simm.s32 @!p0 $0x1C03  }
0x81: {  	[timem:s3], [sflag:s2] =	dma.local @!p0 [hbm:s0], s1  }
0x82: {  	s0 =	simm.s32 @!p0 $0x3  }
0x83: {  	_ =	swait.ge @!p0 [sflag:s0], s1  }
0x84: {  	s1 =	ssub.s32 @!p0 $0x0, s1;
	[sflag:s0] =	ssyncset.done @!p0 $0x0  }
0x85: {  	[sflag:s0] =	ssyncadd.s32 @!p0 s1  }
0x86: {  	[bflag:$0x3] =	sbarrier.arrive $0xFFFF  }
0x87: {  	_ =	shalt  }

</sc_bundles>
